<compile_context>
chip_gen: v7x
topology: tpu7x:2x2x1
jax: 0.10.2.dev20260603
libtpu: 0.0.44.dev20260713+nightly
codegen_flags: <defaults>
</compile_context>

<pallas_src>
import functools

import jax
import jax.numpy as jnp
from jax import lax
from jax.experimental import pallas as pl
from jax.experimental.pallas import tpu as pltpu
from jax.experimental.pallas import tpu_sc as plsc

BATCH = 1024
SEQ = 200
EMB = 64

NC = 2
NS = 16
NW = NC * NS

SEQ_PER_W = BATCH // NW
GCHUNK = 100
CH_PER_SEQ = SEQ // GCHUNK
CH_PER_W = SEQ_PER_W * CH_PER_SEQ
NBUF = 4
LEAD = 2


def _tok_encode_body(tokens_hbm, pe_hbm, table_hbm, out_hbm,
                     idx_v, pe_v, *rest):
    bufs = rest[:NBUF]
    gsems = rest[NBUF:2 * NBUF]
    osems = rest[2 * NBUF:3 * NBUF]

    cid = lax.axis_index("c")
    sid = lax.axis_index("s")
    wid = cid * NS + sid

    pltpu.sync_copy(tokens_hbm.at[wid], idx_v)
    pltpu.sync_copy(pe_hbm, pe_v)

    def gather_descs(seq, b):
        ch = seq * CH_PER_SEQ
        return [
            pltpu.make_async_copy(
                table_hbm.at[idx_v.at[ch]],
                bufs[b].at[pl.ds(0, GCHUNK)], gsems[b]),
            pltpu.make_async_copy(
                table_hbm.at[idx_v.at[ch + 1]],
                bufs[b].at[pl.ds(GCHUNK, GCHUNK)], gsems[b]),
        ]

    def out_desc(seq, b):
        return pltpu.make_async_copy(
            bufs[b], out_hbm.at[pl.ds((wid * SEQ_PER_W + seq) * SEQ, SEQ)],
            osems[b])

    for t in range(LEAD):
        for d in gather_descs(t, t % NBUF):
            d.start()

    def turn(t, b):
        nxt = t + LEAD

        @pl.when(nxt < SEQ_PER_W)
        def _():
            bb = (b + LEAD) % NBUF

            @pl.when(nxt >= NBUF)
            def _():
                out_desc(nxt - NBUF, bb).wait()
            for d in gather_descs(nxt, bb):
                d.start()

        for d in gather_descs(t, b):
            d.wait()

        def add_row(r, c2):
            for cc in range(EMB // 16):
                sl = pl.ds(cc * 16, 16)
                plsc.addupdate(bufs[b].at[r, sl], pe_v[r, sl])
            return c2
        lax.fori_loop(0, SEQ, add_row, 0, unroll=8)

        out_desc(t, b).start()

    def outer(g, carry):
        for b in range(NBUF):
            turn(g * NBUF + b, b)
        return carry

    lax.fori_loop(0, SEQ_PER_W // NBUF, outer, 0)

    for t in range(SEQ_PER_W - NBUF, SEQ_PER_W):
        out_desc(t, t % NBUF).wait()


@jax.jit
def _run(tokens_r, pe, table):
    f = pl.kernel(
        _tok_encode_body,
        out_type=jax.ShapeDtypeStruct((BATCH * SEQ, EMB), jnp.float32),
        mesh=plsc.VectorSubcoreMesh(core_axis_name="c", subcore_axis_name="s"),
        scratch_types=(
            [pltpu.VMEM((CH_PER_W, GCHUNK), jnp.int32),
             pltpu.VMEM((SEQ, EMB), jnp.float32)]
            + [pltpu.VMEM((SEQ, EMB), jnp.float32)] * NBUF
            + [pltpu.SemaphoreType.DMA] * (2 * NBUF)
        ),
        compiler_params=pltpu.CompilerParams(use_tc_tiling_on_sc=False),
    )
    return f(tokens_r, pe, table)


def kernel(tokens, embedding_table, positional_encoding):
    seq = tokens.shape[1]
    tokens_r = tokens.reshape(NW, CH_PER_W, GCHUNK)
    pe = positional_encoding[:seq]
    return _run(tokens_r, pe, embedding_table).reshape(BATCH, SEQ, EMB)

# --- scband reference (transcript-rebuilt; emitter-appended) ---
"""Pipeline reference for scband-token-encoder-13889924235940 (READ-ONLY COPY).

The authoritative reference and input builder live on the scoring server;
editing this copy changes nothing except your own understanding.
"""

import jax, jax.numpy as jnp
import numpy as np
import math

VOCAB_SIZE = 1000000
EMBEDDING_SIZE = 64
CONTEXT_SIZE = 512
BATCH = 1024
SEQ_LEN = 200


def _build_positional_encoding():
    pos = np.arange(CONTEXT_SIZE, dtype=np.float64)[:, None]  # [P, 1]
    i = np.arange(EMBEDDING_SIZE, dtype=np.float64)[None, :]  # [1, E]
    angle = pos / np.power(10000.0, 2.0 * i / EMBEDDING_SIZE)
    pe = np.where((np.arange(EMBEDDING_SIZE) % 2 == 0)[None, :], np.sin(angle), np.cos(angle))
    return jnp.asarray(pe, dtype=jnp.float32)


def setup_inputs(seed: int = 0) -> dict:
    key = jax.random.key(seed)
    k_tok, k_tab = jax.random.split(key)
    tokens = jax.random.randint(k_tok, (BATCH, SEQ_LEN), 0, VOCAB_SIZE, dtype=jnp.int32)
    embedding_table = jax.random.normal(k_tab, (VOCAB_SIZE, EMBEDDING_SIZE), dtype=jnp.float32)
    positional_encoding = _build_positional_encoding()
    return {"tokens": tokens, "embedding_table": embedding_table, "positional_encoding": positional_encoding}


def reference(tokens, embedding_table, positional_encoding):
    current_context_size = tokens.shape[1]
    assert current_context_size <= CONTEXT_SIZE
    emb = jnp.take(embedding_table, tokens, axis=0)  # [B, S, E] gather
    return emb + positional_encoding[:current_context_size]

if __name__ == "__main__":
    import jax
    _d = setup_inputs()
    print(jax.jit(kernel)(*tuple(_d.values())))

</pallas_src>

<mosaic_0001>
#map = affine_map<(d0, d1) -> (0, 0, 0)>
#map1 = affine_map<(d0, d1) -> (0, 0)>
module attributes {stable_mosaic.version = 14 : i64} {
  func.func @_tok_encode_body(%arg0: i32, %arg1: i32, %arg2: memref<32x64x100xi32, #tpu.memory_space<hbm>>, %arg3: memref<200x64xf32, #tpu.memory_space<hbm>>, %arg4: memref<1000000x64xf32, #tpu.memory_space<hbm>>, %arg5: memref<204800x64xf32, #tpu.memory_space<hbm>>, %arg6: memref<64x100xi32, #tpu.memory_space<vmem>>, %arg7: memref<200x64xf32, #tpu.memory_space<vmem>>, %arg8: memref<200x64xf32, #tpu.memory_space<vmem>>, %arg9: memref<200x64xf32, #tpu.memory_space<vmem>>, %arg10: memref<200x64xf32, #tpu.memory_space<vmem>>, %arg11: memref<200x64xf32, #tpu.memory_space<vmem>>, %arg12: memref<!tpu.dma_semaphore, #tpu.memory_space<semaphore_mem>>, %arg13: memref<!tpu.dma_semaphore, #tpu.memory_space<semaphore_mem>>, %arg14: memref<!tpu.dma_semaphore, #tpu.memory_space<semaphore_mem>>, %arg15: memref<!tpu.dma_semaphore, #tpu.memory_space<semaphore_mem>>, %arg16: memref<!tpu.dma_semaphore, #tpu.memory_space<semaphore_mem>>, %arg17: memref<!tpu.dma_semaphore, #tpu.memory_space<semaphore_mem>>, %arg18: memref<!tpu.dma_semaphore, #tpu.memory_space<semaphore_mem>>, %arg19: memref<!tpu.dma_semaphore, #tpu.memory_space<semaphore_mem>>) attributes {dimension_semantics = [#tpu.dimension_semantics<core_parallel>, #tpu.dimension_semantics<subcore_parallel>], iteration_bounds = array<i64: 2, 16>, scalar_prefetch = 0 : i64, scratch_operands = 14 : i64, tpu.core_type = #tpu.core_type<sc_vector_subcore>, window_params = [{transform_indices = #map}, {transform_indices = #map1}, {transform_indices = #map1}, {transform_indices = #map1}]} {
    %mul3A = arith.constant 16 : i32
    %mul3A_0 = arith.muli %arg0, %mul3A : i32
    %add3A = arith.addi %mul3A_0, %arg1 : i32
    "tpu.region"() ({
      %run_scoped3A = tpu.sem_alloc : memref<!tpu.dma_semaphore, #tpu.memory_space<semaphore_mem>>
      %dma_start3A_84 = arith.constant 0 : i32
      %dma_start3A_85 = arith.constant 0 : i32
      %dma_start3A_86 = tpu.memref_slice %arg2[%add3A, %dma_start3A_84, %dma_start3A_85] : memref<32x64x100xi32, #tpu.memory_space<hbm>> -> memref<1x64x100xi32, #tpu.memory_space<hbm>>
      %dma_start3A_87 = tpu.memref_squeeze %dma_start3A_86 : memref<1x64x100xi32, #tpu.memory_space<hbm>> -> memref<64x100xi32, #tpu.memory_space<hbm>>
      %dma_start3A_88 = arith.constant 0 : i32
      %dma_start3A_89 = arith.constant 0 : i32
      %dma_start3A_90 = tpu.memref_slice %arg2[%add3A, %dma_start3A_88, %dma_start3A_89] : memref<32x64x100xi32, #tpu.memory_space<hbm>> -> memref<1x64x100xi32, #tpu.memory_space<hbm>>
      %dma_start3A_91 = tpu.memref_squeeze %dma_start3A_90 : memref<1x64x100xi32, #tpu.memory_space<hbm>> -> memref<64x100xi32, #tpu.memory_space<hbm>>
      tpu.enqueue_dma source(%dma_start3A_91 : memref<64x100xi32, #tpu.memory_space<hbm>>) target(%arg6 : memref<64x100xi32, #tpu.memory_space<vmem>>) target_semaphore(%run_scoped3A : memref<!tpu.dma_semaphore, #tpu.memory_space<semaphore_mem>>)
      %dma_wait3A_92 = arith.constant 0 : i32
      %dma_wait3A_93 = arith.constant 0 : i32
      %dma_wait3A_94 = tpu.memref_slice %arg2[%add3A, %dma_wait3A_92, %dma_wait3A_93] : memref<32x64x100xi32, #tpu.memory_space<hbm>> -> memref<1x64x100xi32, #tpu.memory_space<hbm>>
      %dma_wait3A_95 = tpu.memref_squeeze %dma_wait3A_94 : memref<1x64x100xi32, #tpu.memory_space<hbm>> -> memref<64x100xi32, #tpu.memory_space<hbm>>
      %dma_wait3A_96 = arith.constant 0 : i32
      %dma_wait3A_97 = arith.constant 0 : i32
      %dma_wait3A_98 = tpu.memref_slice %arg2[%add3A, %dma_wait3A_96, %dma_wait3A_97] : memref<32x64x100xi32, #tpu.memory_space<hbm>> -> memref<1x64x100xi32, #tpu.memory_space<hbm>>
      %dma_wait3A_99 = tpu.memref_squeeze %dma_wait3A_98 : memref<1x64x100xi32, #tpu.memory_space<hbm>> -> memref<64x100xi32, #tpu.memory_space<hbm>>
      tpu.wait_dma2 semaphore(%run_scoped3A : memref<!tpu.dma_semaphore, #tpu.memory_space<semaphore_mem>>) src(%dma_wait3A_99 : memref<64x100xi32, #tpu.memory_space<hbm>>) dst(%arg6 : memref<64x100xi32, #tpu.memory_space<vmem>>)
      tpu.yield
    }) : () -> ()
    "tpu.region"() ({
      %run_scoped3A = tpu.sem_alloc : memref<!tpu.dma_semaphore, #tpu.memory_space<semaphore_mem>>
      tpu.enqueue_dma source(%arg3 : memref<200x64xf32, #tpu.memory_space<hbm>>) target(%arg7 : memref<200x64xf32, #tpu.memory_space<vmem>>) target_semaphore(%run_scoped3A : memref<!tpu.dma_semaphore, #tpu.memory_space<semaphore_mem>>)
      tpu.wait_dma2 semaphore(%run_scoped3A : memref<!tpu.dma_semaphore, #tpu.memory_space<semaphore_mem>>) src(%arg3 : memref<200x64xf32, #tpu.memory_space<hbm>>) dst(%arg7 : memref<200x64xf32, #tpu.memory_space<vmem>>)
      tpu.yield
    }) : () -> ()
    %dma_start3A = arith.constant 0 : i32
    %dma_start3A_1 = arith.constant 0 : i32
    %dma_start3A_2 = arith.constant 0 : i32
    %dma_start3A_3 = tpu.memref_slice %arg8[%dma_start3A_1, %dma_start3A_2] : memref<200x64xf32, #tpu.memory_space<vmem>> -> memref<100x64xf32, #tpu.memory_space<vmem>>
    %dma_start3A_4 = arith.constant 0 : i32
    %dma_start3A_5 = tpu.memref_slice %arg6[%dma_start3A, %dma_start3A_4] : memref<64x100xi32, #tpu.memory_space<vmem>> -> memref<1x100xi32, #tpu.memory_space<vmem>>
    %dma_start3A_6 = tpu.memref_squeeze %dma_start3A_5 : memref<1x100xi32, #tpu.memory_space<vmem>> -> memref<100xi32, #tpu.memory_space<vmem>>
    %dma_start3A_7 = arith.constant 0 : i32
    %dma_start3A_8 = arith.constant 0 : i32
    %dma_start3A_9 = tpu.memref_slice %arg4[%dma_start3A_7, %dma_start3A_8] : memref<1000000x64xf32, #tpu.memory_space<hbm>> -> memref<1000000x64xf32, #tpu.memory_space<hbm>>
    tpu.enqueue_indirect_dma source(%dma_start3A_9 : memref<1000000x64xf32, #tpu.memory_space<hbm>>) target(%dma_start3A_3 : memref<100x64xf32, #tpu.memory_space<vmem>>) offsets(%dma_start3A_6 : memref<100xi32, #tpu.memory_space<vmem>>) semaphore(%arg12 : memref<!tpu.dma_semaphore, #tpu.memory_space<semaphore_mem>>)
    %dma_start3A_10 = arith.constant 1 : i32
    %dma_start3A_11 = arith.constant 100 : i32
    %dma_start3A_12 = arith.constant 0 : i32
    %dma_start3A_13 = tpu.memref_slice %arg8[%dma_start3A_11, %dma_start3A_12] : memref<200x64xf32, #tpu.memory_space<vmem>> -> memref<100x64xf32, #tpu.memory_space<vmem>>
    %dma_start3A_14 = arith.constant 0 : i32
    %dma_start3A_15 = tpu.memref_slice %arg6[%dma_start3A_10, %dma_start3A_14] : memref<64x100xi32, #tpu.memory_space<vmem>> -> memref<1x100xi32, #tpu.memory_space<vmem>>
    %dma_start3A_16 = tpu.memref_squeeze %dma_start3A_15 : memref<1x100xi32, #tpu.memory_space<vmem>> -> memref<100xi32, #tpu.memory_space<vmem>>
    %dma_start3A_17 = arith.constant 0 : i32
    %dma_start3A_18 = arith.constant 0 : i32
    %dma_start3A_19 = tpu.memref_slice %arg4[%dma_start3A_17, %dma_start3A_18] : memref<1000000x64xf32, #tpu.memory_space<hbm>> -> memref<1000000x64xf32, #tpu.memory_space<hbm>>
    tpu.enqueue_indirect_dma source(%dma_start3A_19 : memref<1000000x64xf32, #tpu.memory_space<hbm>>) target(%dma_start3A_13 : memref<100x64xf32, #tpu.memory_space<vmem>>) offsets(%dma_start3A_16 : memref<100xi32, #tpu.memory_space<vmem>>) semaphore(%arg12 : memref<!tpu.dma_semaphore, #tpu.memory_space<semaphore_mem>>)
    %dma_start3A_20 = arith.constant 2 : i32
    %dma_start3A_21 = arith.constant 0 : i32
    %dma_start3A_22 = arith.constant 0 : i32
    %dma_start3A_23 = tpu.memref_slice %arg9[%dma_start3A_21, %dma_start3A_22] : memref<200x64xf32, #tpu.memory_space<vmem>> -> memref<100x64xf32, #tpu.memory_space<vmem>>
    %dma_start3A_24 = arith.constant 0 : i32
    %dma_start3A_25 = tpu.memref_slice %arg6[%dma_start3A_20, %dma_start3A_24] : memref<64x100xi32, #tpu.memory_space<vmem>> -> memref<1x100xi32, #tpu.memory_space<vmem>>
    %dma_start3A_26 = tpu.memref_squeeze %dma_start3A_25 : memref<1x100xi32, #tpu.memory_space<vmem>> -> memref<100xi32, #tpu.memory_space<vmem>>
    %dma_start3A_27 = arith.constant 0 : i32
    %dma_start3A_28 = arith.constant 0 : i32
    %dma_start3A_29 = tpu.memref_slice %arg4[%dma_start3A_27, %dma_start3A_28] : memref<1000000x64xf32, #tpu.memory_space<hbm>> -> memref<1000000x64xf32, #tpu.memory_space<hbm>>
    tpu.enqueue_indirect_dma source(%dma_start3A_29 : memref<1000000x64xf32, #tpu.memory_space<hbm>>) target(%dma_start3A_23 : memref<100x64xf32, #tpu.memory_space<vmem>>) offsets(%dma_start3A_26 : memref<100xi32, #tpu.memory_space<vmem>>) semaphore(%arg13 : memref<!tpu.dma_semaphore, #tpu.memory_space<semaphore_mem>>)
    %dma_start3A_30 = arith.constant 3 : i32
    %dma_start3A_31 = arith.constant 100 : i32
    %dma_start3A_32 = arith.constant 0 : i32
    %dma_start3A_33 = tpu.memref_slice %arg9[%dma_start3A_31, %dma_start3A_32] : memref<200x64xf32, #tpu.memory_space<vmem>> -> memref<100x64xf32, #tpu.memory_space<vmem>>
    %dma_start3A_34 = arith.constant 0 : i32
    %dma_start3A_35 = tpu.memref_slice %arg6[%dma_start3A_30, %dma_start3A_34] : memref<64x100xi32, #tpu.memory_space<vmem>> -> memref<1x100xi32, #tpu.memory_space<vmem>>
    %dma_start3A_36 = tpu.memref_squeeze %dma_start3A_35 : memref<1x100xi32, #tpu.memory_space<vmem>> -> memref<100xi32, #tpu.memory_space<vmem>>
    %dma_start3A_37 = arith.constant 0 : i32
    %dma_start3A_38 = arith.constant 0 : i32
    %dma_start3A_39 = tpu.memref_slice %arg4[%dma_start3A_37, %dma_start3A_38] : memref<1000000x64xf32, #tpu.memory_space<hbm>> -> memref<1000000x64xf32, #tpu.memory_space<hbm>>
    tpu.enqueue_indirect_dma source(%dma_start3A_39 : memref<1000000x64xf32, #tpu.memory_space<hbm>>) target(%dma_start3A_33 : memref<100x64xf32, #tpu.memory_space<vmem>>) offsets(%dma_start3A_36 : memref<100xi32, #tpu.memory_space<vmem>>) semaphore(%arg13 : memref<!tpu.dma_semaphore, #tpu.memory_space<semaphore_mem>>)
    %scan3A = arith.constant 0 : i32
    %scan3A_40 = arith.constant 0 : i32
    %scan3A_41 = arith.constant 8 : i32
    %scan3A_42 = arith.addi %scan3A_40, %scan3A_41 : i32
    %scan3A_43 = arith.constant 1 : i32
    scf.for %scan3A_84 = %scan3A_40 to %scan3A_42 step %scan3A_43  : i32 {
      %mul3A_85 = arith.constant 4 : i32
      %mul3A_86 = arith.muli %scan3A_84, %mul3A_85 : i32
      %add3A_87 = arith.constant 0 : i32
      %add3A_88 = arith.addi %mul3A_86, %add3A_87 : i32
      %add3A_89 = arith.constant 2 : i32
      %add3A_90 = arith.addi %add3A_88, %add3A_89 : i32
      %lt3A = arith.constant 32 : i32
      %lt3A_91 = arith.cmpi slt, %add3A_90, %lt3A : i32
      %convert_element_type3A = arith.extui %lt3A_91 : i1 to i32
      %cond3A = arith.constant 0 : i32
      %cond3A_92 = arith.cmpi ne, %convert_element_type3A, %cond3A : i32
      scf.if %cond3A_92 {
        %ge3A = arith.constant 4 : i32
        %ge3A_274 = arith.cmpi sge, %add3A_90, %ge3A : i32
        %convert_element_type3A_275 = arith.extui %ge3A_274 : i1 to i32
        %cond3A_276 = arith.constant 0 : i32
        %cond3A_277 = arith.cmpi ne, %convert_element_type3A_275, %cond3A_276 : i32
        scf.if %cond3A_277 {
          %sub3A = arith.constant 4 : i32
          %sub3A_300 = arith.subi %add3A_90, %sub3A : i32
          %mul3A_301 = arith.constant 32 : i32
          %mul3A_302 = arith.muli %add3A, %mul3A_301 : i32
          %add3A_303 = arith.addi %mul3A_302, %sub3A_300 : i32
          %mul3A_304 = arith.constant 200 : i32
          %mul3A_305 = arith.muli %add3A_303, %mul3A_304 : i32
          %dma_wait3A_306 = arith.constant 0 : i32
          %dma_wait3A_307 = tpu.memref_slice %arg5[%mul3A_305, %dma_wait3A_306] : memref<204800x64xf32, #tpu.memory_space<hbm>> -> memref<200x64xf32, #tpu.memory_space<hbm>>
          %dma_wait3A_308 = arith.constant 0 : i32
          %dma_wait3A_309 = tpu.memref_slice %arg5[%mul3A_305, %dma_wait3A_308] : memref<204800x64xf32, #tpu.memory_space<hbm>> -> memref<200x64xf32, #tpu.memory_space<hbm>>
          tpu.wait_dma2 semaphore(%arg18 : memref<!tpu.dma_semaphore, #tpu.memory_space<semaphore_mem>>) src(%arg10 : memref<200x64xf32, #tpu.memory_space<vmem>>) dst(%dma_wait3A_309 : memref<200x64xf32, #tpu.memory_space<hbm>>)
        } else {
        }
        %mul3A_278 = arith.constant 2 : i32
        %mul3A_279 = arith.muli %add3A_90, %mul3A_278 : i32
        %add3A_280 = arith.constant 1 : i32
        %add3A_281 = arith.addi %mul3A_279, %add3A_280 : i32
        %dma_start3A_282 = arith.constant 0 : i32
        %dma_start3A_283 = arith.constant 0 : i32
        %dma_start3A_284 = tpu.memref_slice %arg10[%dma_start3A_282, %dma_start3A_283] : memref<200x64xf32, #tpu.memory_space<vmem>> -> memref<100x64xf32, #tpu.memory_space<vmem>>
        %dma_start3A_285 = arith.constant 0 : i32
        %dma_start3A_286 = tpu.memref_slice %arg6[%mul3A_279, %dma_start3A_285] : memref<64x100xi32, #tpu.memory_space<vmem>> -> memref<1x100xi32, #tpu.memory_space<vmem>>
        %dma_start3A_287 = tpu.memref_squeeze %dma_start3A_286 : memref<1x100xi32, #tpu.memory_space<vmem>> -> memref<100xi32, #tpu.memory_space<vmem>>
        %dma_start3A_288 = arith.constant 0 : i32
        %dma_start3A_289 = arith.constant 0 : i32
        %dma_start3A_290 = tpu.memref_slice %arg4[%dma_start3A_288, %dma_start3A_289] : memref<1000000x64xf32, #tpu.memory_space<hbm>> -> memref<1000000x64xf32, #tpu.memory_space<hbm>>
        tpu.enqueue_indirect_dma source(%dma_start3A_290 : memref<1000000x64xf32, #tpu.memory_space<hbm>>) target(%dma_start3A_284 : memref<100x64xf32, #tpu.memory_space<vmem>>) offsets(%dma_start3A_287 : memref<100xi32, #tpu.memory_space<vmem>>) semaphore(%arg14 : memref<!tpu.dma_semaphore, #tpu.memory_space<semaphore_mem>>)
        %dma_start3A_291 = arith.constant 100 : i32
        %dma_start3A_292 = arith.constant 0 : i32
        %dma_start3A_293 = tpu.memref_slice %arg10[%dma_start3A_291, %dma_start3A_292] : memref<200x64xf32, #tpu.memory_space<vmem>> -> memref<100x64xf32, #tpu.memory_space<vmem>>
        %dma_start3A_294 = arith.constant 0 : i32
        %dma_start3A_295 = tpu.memref_slice %arg6[%add3A_281, %dma_start3A_294] : memref<64x100xi32, #tpu.memory_space<vmem>> -> memref<1x100xi32, #tpu.memory_space<vmem>>
        %dma_start3A_296 = tpu.memref_squeeze %dma_start3A_295 : memref<1x100xi32, #tpu.memory_space<vmem>> -> memref<100xi32, #tpu.memory_space<vmem>>
        %dma_start3A_297 = arith.constant 0 : i32
        %dma_start3A_298 = arith.constant 0 : i32
        %dma_start3A_299 = tpu.memref_slice %arg4[%dma_start3A_297, %dma_start3A_298] : memref<1000000x64xf32, #tpu.memory_space<hbm>> -> memref<1000000x64xf32, #tpu.memory_space<hbm>>
        tpu.enqueue_indirect_dma source(%dma_start3A_299 : memref<1000000x64xf32, #tpu.memory_space<hbm>>) target(%dma_start3A_293 : memref<100x64xf32, #tpu.memory_space<vmem>>) offsets(%dma_start3A_296 : memref<100xi32, #tpu.memory_space<vmem>>) semaphore(%arg14 : memref<!tpu.dma_semaphore, #tpu.memory_space<semaphore_mem>>)
      } else {
      }
      %mul3A_93 = arith.constant 2 : i32
      %mul3A_94 = arith.muli %add3A_88, %mul3A_93 : i32
      %add3A_95 = arith.constant 1 : i32
      %add3A_96 = arith.addi %mul3A_94, %add3A_95 : i32
      %dma_wait3A_97 = arith.constant 0 : i32
      %dma_wait3A_98 = arith.constant 0 : i32
      %dma_wait3A_99 = tpu.memref_slice %arg8[%dma_wait3A_97, %dma_wait3A_98] : memref<200x64xf32, #tpu.memory_space<vmem>> -> memref<100x64xf32, #tpu.memory_space<vmem>>
      %dma_wait3A_100 = arith.constant 0 : i32
      %dma_wait3A_101 = tpu.memref_slice %arg6[%mul3A_94, %dma_wait3A_100] : memref<64x100xi32, #tpu.memory_space<vmem>> -> memref<1x100xi32, #tpu.memory_space<vmem>>
      %dma_wait3A_102 = tpu.memref_squeeze %dma_wait3A_101 : memref<1x100xi32, #tpu.memory_space<vmem>> -> memref<100xi32, #tpu.memory_space<vmem>>
      %dma_wait3A_103 = arith.constant 0 : i32
      %dma_wait3A_104 = arith.constant 0 : i32
      %dma_wait3A_105 = tpu.memref_slice %arg4[%dma_wait3A_103, %dma_wait3A_104] : memref<1000000x64xf32, #tpu.memory_space<hbm>> -> memref<1000000x64xf32, #tpu.memory_space<hbm>>
      tpu.wait_indirect_dma semaphore(%arg12 : memref<!tpu.dma_semaphore, #tpu.memory_space<semaphore_mem>>) src(%dma_wait3A_105 : memref<1000000x64xf32, #tpu.memory_space<hbm>>) dst(%dma_wait3A_99 : memref<100x64xf32, #tpu.memory_space<vmem>>)
      %dma_wait3A_106 = arith.constant 100 : i32
      %dma_wait3A_107 = arith.constant 0 : i32
      %dma_wait3A_108 = tpu.memref_slice %arg8[%dma_wait3A_106, %dma_wait3A_107] : memref<200x64xf32, #tpu.memory_space<vmem>> -> memref<100x64xf32, #tpu.memory_space<vmem>>
      %dma_wait3A_109 = arith.constant 0 : i32
      %dma_wait3A_110 = tpu.memref_slice %arg6[%add3A_96, %dma_wait3A_109] : memref<64x100xi32, #tpu.memory_space<vmem>> -> memref<1x100xi32, #tpu.memory_space<vmem>>
      %dma_wait3A_111 = tpu.memref_squeeze %dma_wait3A_110 : memref<1x100xi32, #tpu.memory_space<vmem>> -> memref<100xi32, #tpu.memory_space<vmem>>
      %dma_wait3A_112 = arith.constant 0 : i32
      %dma_wait3A_113 = arith.constant 0 : i32
      %dma_wait3A_114 = tpu.memref_slice %arg4[%dma_wait3A_112, %dma_wait3A_113] : memref<1000000x64xf32, #tpu.memory_space<hbm>> -> memref<1000000x64xf32, #tpu.memory_space<hbm>>
      tpu.wait_indirect_dma semaphore(%arg12 : memref<!tpu.dma_semaphore, #tpu.memory_space<semaphore_mem>>) src(%dma_wait3A_114 : memref<1000000x64xf32, #tpu.memory_space<hbm>>) dst(%dma_wait3A_108 : memref<100x64xf32, #tpu.memory_space<vmem>>)
      %scan3A_115 = arith.constant 0 : i32
      %scan3A_116 = arith.constant 0 : i32
      %scan3A_117 = arith.constant 200 : i32
      %scan3A_118 = arith.addi %scan3A_116, %scan3A_117 : i32
      %scan3A_119 = arith.constant 8 : i32
      scf.for %scan3A_274 = %scan3A_116 to %scan3A_118 step %scan3A_119  : i32 {
        %get3A = arith.index_cast %scan3A_274 : i32 to index
        %get3A_275 = arith.constant 0 : index
        %get3A_276 = tpu.vector_load %arg7[%get3A, %get3A_275] {strides = array<i32>} : memref<200x64xf32, #tpu.memory_space<vmem>>, vector<1x16xf32>,
        %get3A_277 = vector.shape_cast %get3A_276 : vector<1x16xf32> to vector<16xf32>
        %swap3A = arith.index_cast %scan3A_274 : i32 to index
        %swap3A_278 = arith.constant 0 : index
        %swap3A_279 = tpu.vector_load %arg8[%swap3A, %swap3A_278] {strides = array<i32>} : memref<200x64xf32, #tpu.memory_space<vmem>>, vector<1x16xf32>,
        %swap3A_280 = vector.shape_cast %swap3A_279 : vector<1x16xf32> to vector<16xf32>
        %swap3A_281 = vector.shape_cast %get3A_277 : vector<16xf32> to vector<1x16xf32>
        tpu.vector_store %arg8[%swap3A, %swap3A_278], %swap3A_281 {add = true, strides = array<i32>} : memref<200x64xf32, #tpu.memory_space<vmem>>, vector<1x16xf32>,
        %get3A_282 = arith.index_cast %scan3A_274 : i32 to index
        %get3A_283 = arith.constant 16 : index
        %get3A_284 = tpu.vector_load %arg7[%get3A_282, %get3A_283] {strides = array<i32>} : memref<200x64xf32, #tpu.memory_space<vmem>>, vector<1x16xf32>,
        %get3A_285 = vector.shape_cast %get3A_284 : vector<1x16xf32> to vector<16xf32>
        %swap3A_286 = arith.index_cast %scan3A_274 : i32 to index
        %swap3A_287 = arith.constant 16 : index
        %swap3A_288 = tpu.vector_load %arg8[%swap3A_286, %swap3A_287] {strides = array<i32>} : memref<200x64xf32, #tpu.memory_space<vmem>>, vector<1x16xf32>,
        %swap3A_289 = vector.shape_cast %swap3A_288 : vector<1x16xf32> to vector<16xf32>
        %swap3A_290 = vector.shape_cast %get3A_285 : vector<16xf32> to vector<1x16xf32>
        tpu.vector_store %arg8[%swap3A_286, %swap3A_287], %swap3A_290 {add = true, strides = array<i32>} : memref<200x64xf32, #tpu.memory_space<vmem>>, vector<1x16xf32>,
        %get3A_291 = arith.index_cast %scan3A_274 : i32 to index
        %get3A_292 = arith.constant 32 : index
        %get3A_293 = tpu.vector_load %arg7[%get3A_291, %get3A_292] {strides = array<i32>} : memref<200x64xf32, #tpu.memory_space<vmem>>, vector<1x16xf32>,
        %get3A_294 = vector.shape_cast %get3A_293 : vector<1x16xf32> to vector<16xf32>
        %swap3A_295 = arith.index_cast %scan3A_274 : i32 to index
        %swap3A_296 = arith.constant 32 : index
        %swap3A_297 = tpu.vector_load %arg8[%swap3A_295, %swap3A_296] {strides = array<i32>} : memref<200x64xf32, #tpu.memory_space<vmem>>, vector<1x16xf32>,
        %swap3A_298 = vector.shape_cast %swap3A_297 : vector<1x16xf32> to vector<16xf32>
        %swap3A_299 = vector.shape_cast %get3A_294 : vector<16xf32> to vector<1x16xf32>
        tpu.vector_store %arg8[%swap3A_295, %swap3A_296], %swap3A_299 {add = true, strides = array<i32>} : memref<200x64xf32, #tpu.memory_space<vmem>>, vector<1x16xf32>,
        %get3A_300 = arith.index_cast %scan3A_274 : i32 to index
        %get3A_301 = arith.constant 48 : index
        %get3A_302 = tpu.vector_load %arg7[%get3A_300, %get3A_301] {strides = array<i32>} : memref<200x64xf32, #tpu.memory_space<vmem>>, vector<1x16xf32>,
        %get3A_303 = vector.shape_cast %get3A_302 : vector<1x16xf32> to vector<16xf32>
        %swap3A_304 = arith.index_cast %scan3A_274 : i32 to index
        %swap3A_305 = arith.constant 48 : index
        %swap3A_306 = tpu.vector_load %arg8[%swap3A_304, %swap3A_305] {strides = array<i32>} : memref<200x64xf32, #tpu.memory_space<vmem>>, vector<1x16xf32>,
        %swap3A_307 = vector.shape_cast %swap3A_306 : vector<1x16xf32> to vector<16xf32>
        %swap3A_308 = vector.shape_cast %get3A_303 : vector<16xf32> to vector<1x16xf32>
        tpu.vector_store %arg8[%swap3A_304, %swap3A_305], %swap3A_308 {add = true, strides = array<i32>} : memref<200x64xf32, #tpu.memory_space<vmem>>, vector<1x16xf32>,
        %scan3A_309 = arith.constant 1 : i32
        %scan3A_310 = arith.addi %scan3A_274, %scan3A_309 : i32
        %get3A_311 = arith.index_cast %scan3A_310 : i32 to index
        %get3A_312 = arith.constant 0 : index
        %get3A_313 = tpu.vector_load %arg7[%get3A_311, %get3A_312] {strides = array<i32>} : memref<200x64xf32, #tpu.memory_space<vmem>>, vector<1x16xf32>,
        %get3A_314 = vector.shape_cast %get3A_313 : vector<1x16xf32> to vector<16xf32>
        %swap3A_315 = arith.index_cast %scan3A_310 : i32 to index
        %swap3A_316 = arith.constant 0 : index
        %swap3A_317 = tpu.vector_load %arg8[%swap3A_315, %swap3A_316] {strides = array<i32>} : memref<200x64xf32, #tpu.memory_space<vmem>>, vector<1x16xf32>,
        %swap3A_318 = vector.shape_cast %swap3A_317 : vector<1x16xf32> to vector<16xf32>
        %swap3A_319 = vector.shape_cast %get3A_314 : vector<16xf32> to vector<1x16xf32>
        tpu.vector_store %arg8[%swap3A_315, %swap3A_316], %swap3A_319 {add = true, strides = array<i32>} : memref<200x64xf32, #tpu.memory_space<vmem>>, vector<1x16xf32>,
        %get3A_320 = arith.index_cast %scan3A_310 : i32 to index
        %get3A_321 = arith.constant 16 : index
        %get3A_322 = tpu.vector_load %arg7[%get3A_320, %get3A_321] {strides = array<i32>} : memref<200x64xf32, #tpu.memory_space<vmem>>, vector<1x16xf32>,
        %get3A_323 = vector.shape_cast %get3A_322 : vector<1x16xf32> to vector<16xf32>
        %swap3A_324 = arith.index_cast %scan3A_310 : i32 to index
        %swap3A_325 = arith.constant 16 : index
        %swap3A_326 = tpu.vector_load %arg8[%swap3A_324, %swap3A_325] {strides = array<i32>} : memref<200x64xf32, #tpu.memory_space<vmem>>, vector<1x16xf32>,
        %swap3A_327 = vector.shape_cast %swap3A_326 : vector<1x16xf32> to vector<16xf32>
        %swap3A_328 = vector.shape_cast %get3A_323 : vector<16xf32> to vector<1x16xf32>
        tpu.vector_store %arg8[%swap3A_324, %swap3A_325], %swap3A_328 {add = true, strides = array<i32>} : memref<200x64xf32, #tpu.memory_space<vmem>>, vector<1x16xf32>,
        %get3A_329 = arith.index_cast %scan3A_310 : i32 to index
        %get3A_330 = arith.constant 32 : index
        %get3A_331 = tpu.vector_load %arg7[%get3A_329, %get3A_330] {strides = array<i32>} : memref<200x64xf32, #tpu.memory_space<vmem>>, vector<1x16xf32>,
        %get3A_332 = vector.shape_cast %get3A_331 : vector<1x16xf32> to vector<16xf32>
        %swap3A_333 = arith.index_cast %scan3A_310 : i32 to index
        %swap3A_334 = arith.constant 32 : index
        %swap3A_335 = tpu.vector_load %arg8[%swap3A_333, %swap3A_334] {strides = array<i32>} : memref<200x64xf32, #tpu.memory_space<vmem>>, vector<1x16xf32>,
        %swap3A_336 = vector.shape_cast %swap3A_335 : vector<1x16xf32> to vector<16xf32>
        %swap3A_337 = vector.shape_cast %get3A_332 : vector<16xf32> to vector<1x16xf32>
        tpu.vector_store %arg8[%swap3A_333, %swap3A_334], %swap3A_337 {add = true, strides = array<i32>} : memref<200x64xf32, #tpu.memory_space<vmem>>, vector<1x16xf32>,
        %get3A_338 = arith.index_cast %scan3A_310 : i32 to index
        %get3A_339 = arith.constant 48 : index
        %get3A_340 = tpu.vector_load %arg7[%get3A_338, %get3A_339] {strides = array<i32>} : memref<200x64xf32, #tpu.memory_space<vmem>>, vector<1x16xf32>,
        %get3A_341 = vector.shape_cast %get3A_340 : vector<1x16xf32> to vector<16xf32>
        %swap3A_342 = arith.index_cast %scan3A_310 : i32 to index
        %swap3A_343 = arith.constant 48 : index
        %swap3A_344 = tpu.vector_load %arg8[%swap3A_342, %swap3A_343] {strides = array<i32>} : memref<200x64xf32, #tpu.memory_space<vmem>>, vector<1x16xf32>,
        %swap3A_345 = vector.shape_cast %swap3A_344 : vector<1x16xf32> to vector<16xf32>
        %swap3A_346 = vector.shape_cast %get3A_341 : vector<16xf32> to vector<1x16xf32>
        tpu.vector_store %arg8[%swap3A_342, %swap3A_343], %swap3A_346 {add = true, strides = array<i32>} : memref<200x64xf32, #tpu.memory_space<vmem>>, vector<1x16xf32>,
        %scan3A_347 = arith.constant 2 : i32
        %scan3A_348 = arith.addi %scan3A_274, %scan3A_347 : i32
        %get3A_349 = arith.index_cast %scan3A_348 : i32 to index
        %get3A_350 = arith.constant 0 : index
        %get3A_351 = tpu.vector_load %arg7[%get3A_349, %get3A_350] {strides = array<i32>} : memref<200x64xf32, #tpu.memory_space<vmem>>, vector<1x16xf32>,
        %get3A_352 = vector.shape_cast %get3A_351 : vector<1x16xf32> to vector<16xf32>
        %swap3A_353 = arith.index_cast %scan3A_348 : i32 to index
        %swap3A_354 = arith.constant 0 : index
        %swap3A_355 = tpu.vector_load %arg8[%swap3A_353, %swap3A_354] {strides = array<i32>} : memref<200x64xf32, #tpu.memory_space<vmem>>, vector<1x16xf32>,
        %swap3A_356 = vector.shape_cast %swap3A_355 : vector<1x16xf32> to vector<16xf32>
        %swap3A_357 = vector.shape_cast %get3A_352 : vector<16xf32> to vector<1x16xf32>
        tpu.vector_store %arg8[%swap3A_353, %swap3A_354], %swap3A_357 {add = true, strides = array<i32>} : memref<200x64xf32, #tpu.memory_space<vmem>>, vector<1x16xf32>,
        %get3A_358 = arith.index_cast %scan3A_348 : i32 to index
        %get3A_359 = arith.constant 16 : index
        %get3A_360 = tpu.vector_load %arg7[%get3A_358, %get3A_359] {strides = array<i32>} : memref<200x64xf32, #tpu.memory_space<vmem>>, vector<1x16xf32>,
        %get3A_361 = vector.shape_cast %get3A_360 : vector<1x16xf32> to vector<16xf32>
        %swap3A_362 = arith.index_cast %scan3A_348 : i32 to index
        %swap3A_363 = arith.constant 16 : index
        %swap3A_364 = tpu.vector_load %arg8[%swap3A_362, %swap3A_363] {strides = array<i32>} : memref<200x64xf32, #tpu.memory_space<vmem>>, vector<1x16xf32>,
        %swap3A_365 = vector.shape_cast %swap3A_364 : vector<1x16xf32> to vector<16xf32>
        %swap3A_366 = vector.shape_cast %get3A_361 : vector<16xf32> to vector<1x16xf32>
        tpu.vector_store %arg8[%swap3A_362, %swap3A_363], %swap3A_366 {add = true, strides = array<i32>} : memref<200x64xf32, #tpu.memory_space<vmem>>, vector<1x16xf32>,
        %get3A_367 = arith.index_cast %scan3A_348 : i32 to index
        %get3A_368 = arith.constant 32 : index
        %get3A_369 = tpu.vector_load %arg7[%get3A_367, %get3A_368] {strides = array<i32>} : memref<200x64xf32, #tpu.memory_space<vmem>>, vector<1x16xf32>,
        %get3A_370 = vector.shape_cast %get3A_369 : vector<1x16xf32> to vector<16xf32>
        %swap3A_371 = arith.index_cast %scan3A_348 : i32 to index
        %swap3A_372 = arith.constant 32 : index
        %swap3A_373 = tpu.vector_load %arg8[%swap3A_371, %swap3A_372] {strides = array<i32>} : memref<200x64xf32, #tpu.memory_space<vmem>>, vector<1x16xf32>,
        %swap3A_374 = vector.shape_cast %swap3A_373 : vector<1x16xf32> to vector<16xf32>
        %swap3A_375 = vector.shape_cast %get3A_370 : vector<16xf32> to vector<1x16xf32>
        tpu.vector_store %arg8[%swap3A_371, %swap3A_372], %swap3A_375 {add = true, strides = array<i32>} : memref<200x64xf32, #tpu.memory_space<vmem>>, vector<1x16xf32>,
        %get3A_376 = arith.index_cast %scan3A_348 : i32 to index
        %get3A_377 = arith.constant 48 : index
        %get3A_378 = tpu.vector_load %arg7[%get3A_376, %get3A_377] {strides = array<i32>} : memref<200x64xf32, #tpu.memory_space<vmem>>, vector<1x16xf32>,
        %get3A_379 = vector.shape_cast %get3A_378 : vector<1x16xf32> to vector<16xf32>
        %swap3A_380 = arith.index_cast %scan3A_348 : i32 to index
        %swap3A_381 = arith.constant 48 : index
        %swap3A_382 = tpu.vector_load %arg8[%swap3A_380, %swap3A_381] {strides = array<i32>} : memref<200x64xf32, #tpu.memory_space<vmem>>, vector<1x16xf32>,
        %swap3A_383 = vector.shape_cast %swap3A_382 : vector<1x16xf32> to vector<16xf32>
        %swap3A_384 = vector.shape_cast %get3A_379 : vector<16xf32> to vector<1x16xf32>
        tpu.vector_store %arg8[%swap3A_380, %swap3A_381], %swap3A_384 {add = true, strides = array<i32>} : memref<200x64xf32, #tpu.memory_space<vmem>>, vector<1x16xf32>,
        %scan3A_385 = arith.constant 3 : i32
        %scan3A_386 = arith.addi %scan3A_274, %scan3A_385 : i32
        %get3A_387 = arith.index_cast %scan3A_386 : i32 to index
        %get3A_388 = arith.constant 0 : index
        %get3A_389 = tpu.vector_load %arg7[%get3A_387, %get3A_388] {strides = array<i32>} : memref<200x64xf32, #tpu.memory_space<vmem>>, vector<1x16xf32>,
        %get3A_390 = vector.shape_cast %get3A_389 : vector<1x16xf32> to vector<16xf32>
        %swap3A_391 = arith.index_cast %scan3A_386 : i32 to index
        %swap3A_392 = arith.constant 0 : index
        %swap3A_393 = tpu.vector_load %arg8[%swap3A_391, %swap3A_392] {strides = array<i32>} : memref<200x64xf32, #tpu.memory_space<vmem>>, vector<1x16xf32>,
        %swap3A_394 = vector.shape_cast %swap3A_393 : vector<1x16xf32> to vector<16xf32>
        %swap3A_395 = vector.shape_cast %get3A_390 : vector<16xf32> to vector<1x16xf32>
        tpu.vector_store %arg8[%swap3A_391, %swap3A_392], %swap3A_395 {add = true, strides = array<i32>} : memref<200x64xf32, #tpu.memory_space<vmem>>, vector<1x16xf32>,
        %get3A_396 = arith.index_cast %scan3A_386 : i32 to index
        %get3A_397 = arith.constant 16 : index
        %get3A_398 = tpu.vector_load %arg7[%get3A_396, %get3A_397] {strides = array<i32>} : memref<200x64xf32, #tpu.memory_space<vmem>>, vector<1x16xf32>,
        %get3A_399 = vector.shape_cast %get3A_398 : vector<1x16xf32> to vector<16xf32>
        %swap3A_400 = arith.index_cast %scan3A_386 : i32 to index
        %swap3A_401 = arith.constant 16 : index
        %swap3A_402 = tpu.vector_load %arg8[%swap3A_400, %swap3A_401] {strides = array<i32>} : memref<200x64xf32, #tpu.memory_space<vmem>>, vector<1x16xf32>,
        %swap3A_403 = vector.shape_cast %swap3A_402 : vector<1x16xf32> to vector<16xf32>
        %swap3A_404 = vector.shape_cast %get3A_399 : vector<16xf32> to vector<1x16xf32>
        tpu.vector_store %arg8[%swap3A_400, %swap3A_401], %swap3A_404 {add = true, strides = array<i32>} : memref<200x64xf32, #tpu.memory_space<vmem>>, vector<1x16xf32>,
        %get3A_405 = arith.index_cast %scan3A_386 : i32 to index
        %get3A_406 = arith.constant 32 : index
        %get3A_407 = tpu.vector_load %arg7[%get3A_405, %get3A_406] {strides = array<i32>} : memref<200x64xf32, #tpu.memory_space<vmem>>, vector<1x16xf32>,
        %get3A_408 = vector.shape_cast %get3A_407 : vector<1x16xf32> to vector<16xf32>
        %swap3A_409 = arith.index_cast %scan3A_386 : i32 to index
        %swap3A_410 = arith.constant 32 : index
        %swap3A_411 = tpu.vector_load %arg8[%swap3A_409, %swap3A_410] {strides = array<i32>} : memref<200x64xf32, #tpu.memory_space<vmem>>, vector<1x16xf32>,
        %swap3A_412 = vector.shape_cast %swap3A_411 : vector<1x16xf32> to vector<16xf32>
        %swap3A_413 = vector.shape_cast %get3A_408 : vector<16xf32> to vector<1x16xf32>
        tpu.vector_store %arg8[%swap3A_409, %swap3A_410], %swap3A_413 {add = true, strides = array<i32>} : memref<200x64xf32, #tpu.memory_space<vmem>>, vector<1x16xf32>,
        %get3A_414 = arith.index_cast %scan3A_386 : i32 to index
        %get3A_415 = arith.constant 48 : index
        %get3A_416 = tpu.vector_load %arg7[%get3A_414, %get3A_415] {strides = array<i32>} : memref<200x64xf32, #tpu.memory_space<vmem>>, vector<1x16xf32>,
        %get3A_417 = vector.shape_cast %get3A_416 : vector<1x16xf32> to vector<16xf32>
        %swap3A_418 = arith.index_cast %scan3A_386 : i32 to index
        %swap3A_419 = arith.constant 48 : index
        %swap3A_420 = tpu.vector_load %arg8[%swap3A_418, %swap3A_419] {strides = array<i32>} : memref<200x64xf32, #tpu.memory_space<vmem>>, vector<1x16xf32>,
        %swap3A_421 = vector.shape_cast %swap3A_420 : vector<1x16xf32> to vector<16xf32>
        %swap3A_422 = vector.shape_cast %get3A_417 : vector<16xf32> to vector<1x16xf32>
        tpu.vector_store %arg8[%swap3A_418, %swap3A_419], %swap3A_422 {add = true, strides = array<i32>} : memref<200x64xf32, #tpu.memory_space<vmem>>, vector<1x16xf32>,
        %scan3A_423 = arith.constant 4 : i32
        %scan3A_424 = arith.addi %scan3A_274, %scan3A_423 : i32
        %get3A_425 = arith.index_cast %scan3A_424 : i32 to index
        %get3A_426 = arith.constant 0 : index
        %get3A_427 = tpu.vector_load %arg7[%get3A_425, %get3A_426] {strides = array<i32>} : memref<200x64xf32, #tpu.memory_space<vmem>>, vector<1x16xf32>,
        %get3A_428 = vector.shape_cast %get3A_427 : vector<1x16xf32> to vector<16xf32>
        %swap3A_429 = arith.index_cast %scan3A_424 : i32 to index
        %swap3A_430 = arith.constant 0 : index
        %swap3A_431 = tpu.vector_load %arg8[%swap3A_429, %swap3A_430] {strides = array<i32>} : memref<200x64xf32, #tpu.memory_space<vmem>>, vector<1x16xf32>,
        %swap3A_432 = vector.shape_cast %swap3A_431 : vector<1x16xf32> to vector<16xf32>
        %swap3A_433 = vector.shape_cast %get3A_428 : vector<16xf32> to vector<1x16xf32>
        tpu.vector_store %arg8[%swap3A_429, %swap3A_430], %swap3A_433 {add = true, strides = array<i32>} : memref<200x64xf32, #tpu.memory_space<vmem>>, vector<1x16xf32>,
        %get3A_434 = arith.index_cast %scan3A_424 : i32 to index
        %get3A_435 = arith.constant 16 : index
        %get3A_436 = tpu.vector_load %arg7[%get3A_434, %get3A_435] {strides = array<i32>} : memref<200x64xf32, #tpu.memory_space<vmem>>, vector<1x16xf32>,
        %get3A_437 = vector.shape_cast %get3A_436 : vector<1x16xf32> to vector<16xf32>
        %swap3A_438 = arith.index_cast %scan3A_424 : i32 to index
        %swap3A_439 = arith.constant 16 : index
        %swap3A_440 = tpu.vector_load %arg8[%swap3A_438, %swap3A_439] {strides = array<i32>} : memref<200x64xf32, #tpu.memory_space<vmem>>, vector<1x16xf32>,
        %swap3A_441 = vector.shape_cast %swap3A_440 : vector<1x16xf32> to vector<16xf32>
        %swap3A_442 = vector.shape_cast %get3A_437 : vector<16xf32> to vector<1x16xf32>
        tpu.vector_store %arg8[%swap3A_438, %swap3A_439], %swap3A_442 {add = true, strides = array<i32>} : memref<200x64xf32, #tpu.memory_space<vmem>>, vector<1x16xf32>,
        %get3A_443 = arith.index_cast %scan3A_424 : i32 to index
        %get3A_444 = arith.constant 32 : index
        %get3A_445 = tpu.vector_load %arg7[%get3A_443, %get3A_444] {strides = array<i32>} : memref<200x64xf32, #tpu.memory_space<vmem>>, vector<1x16xf32>,
        %get3A_446 = vector.shape_cast %get3A_445 : vector<1x16xf32> to vector<16xf32>
        %swap3A_447 = arith.index_cast %scan3A_424 : i32 to index
        %swap3A_448 = arith.constant 32 : index
        %swap3A_449 = tpu.vector_load %arg8[%swap3A_447, %swap3A_448] {strides = array<i32>} : memref<200x64xf32, #tpu.memory_space<vmem>>, vector<1x16xf32>,
        %swap3A_450 = vector.shape_cast %swap3A_449 : vector<1x16xf32> to vector<16xf32>
        %swap3A_451 = vector.shape_cast %get3A_446 : vector<16xf32> to vector<1x16xf32>
        tpu.vector_store %arg8[%swap3A_447, %swap3A_448], %swap3A_451 {add = true, strides = array<i32>} : memref<200x64xf32, #tpu.memory_space<vmem>>, vector<1x16xf32>,
        %get3A_452 = arith.index_cast %scan3A_424 : i32 to index
        %get3A_453 = arith.constant 48 : index
        %get3A_454 = tpu.vector_load %arg7[%get3A_452, %get3A_453] {strides = array<i32>} : memref<200x64xf32, #tpu.memory_space<vmem>>, vector<1x16xf32>,
        %get3A_455 = vector.shape_cast %get3A_454 : vector<1x16xf32> to vector<16xf32>
        %swap3A_456 = arith.index_cast %scan3A_424 : i32 to index
        %swap3A_457 = arith.constant 48 : index
        %swap3A_458 = tpu.vector_load %arg8[%swap3A_456, %swap3A_457] {strides = array<i32>} : memref<200x64xf32, #tpu.memory_space<vmem>>, vector<1x16xf32>,
        %swap3A_459 = vector.shape_cast %swap3A_458 : vector<1x16xf32> to vector<16xf32>
        %swap3A_460 = vector.shape_cast %get3A_455 : vector<16xf32> to vector<1x16xf32>
        tpu.vector_store %arg8[%swap3A_456, %swap3A_457], %swap3A_460 {add = true, strides = array<i32>} : memref<200x64xf32, #tpu.memory_space<vmem>>, vector<1x16xf32>,
        %scan3A_461 = arith.constant 5 : i32
        %scan3A_462 = arith.addi %scan3A_274, %scan3A_461 : i32
        %get3A_463 = arith.index_cast %scan3A_462 : i32 to index
        %get3A_464 = arith.constant 0 : index
        %get3A_465 = tpu.vector_load %arg7[%get3A_463, %get3A_464] {strides = array<i32>} : memref<200x64xf32, #tpu.memory_space<vmem>>, vector<1x16xf32>,
        %get3A_466 = vector.shape_cast %get3A_465 : vector<1x16xf32> to vector<16xf32>
        %swap3A_467 = arith.index_cast %scan3A_462 : i32 to index
        %swap3A_468 = arith.constant 0 : index
        %swap3A_469 = tpu.vector_load %arg8[%swap3A_467, %swap3A_468] {strides = array<i32>} : memref<200x64xf32, #tpu.memory_space<vmem>>, vector<1x16xf32>,
        %swap3A_470 = vector.shape_cast %swap3A_469 : vector<1x16xf32> to vector<16xf32>
        %swap3A_471 = vector.shape_cast %get3A_466 : vector<16xf32> to vector<1x16xf32>
        tpu.vector_store %arg8[%swap3A_467, %swap3A_468], %swap3A_471 {add = true, strides = array<i32>} : memref<200x64xf32, #tpu.memory_space<vmem>>, vector<1x16xf32>,
        %get3A_472 = arith.index_cast %scan3A_462 : i32 to index
        %get3A_473 = arith.constant 16 : index
        %get3A_474 = tpu.vector_load %arg7[%get3A_472, %get3A_473] {strides = array<i32>} : memref<200x64xf32, #tpu.memory_space<vmem>>, vector<1x16xf32>,
        %get3A_475 = vector.shape_cast %get3A_474 : vector<1x16xf32> to vector<16xf32>
        %swap3A_476 = arith.index_cast %scan3A_462 : i32 to index
        %swap3A_477 = arith.constant 16 : index
        %swap3A_478 = tpu.vector_load %arg8[%swap3A_476, %swap3A_477] {strides = array<i32>} : memref<200x64xf32, #tpu.memory_space<vmem>>, vector<1x16xf32>,
        %swap3A_479 = vector.shape_cast %swap3A_478 : vector<1x16xf32> to vector<16xf32>
        %swap3A_480 = vector.shape_cast %get3A_475 : vector<16xf32> to vector<1x16xf32>
        tpu.vector_store %arg8[%swap3A_476, %swap3A_477], %swap3A_480 {add = true, strides = array<i32>} : memref<200x64xf32, #tpu.memory_space<vmem>>, vector<1x16xf32>,
        %get3A_481 = arith.index_cast %scan3A_462 : i32 to index
        %get3A_482 = arith.constant 32 : index
        %get3A_483 = tpu.vector_load %arg7[%get3A_481, %get3A_482] {strides = array<i32>} : memref<200x64xf32, #tpu.memory_space<vmem>>, vector<1x16xf32>,
        %get3A_484 = vector.shape_cast %get3A_483 : vector<1x16xf32> to vector<16xf32>
        %swap3A_485 = arith.index_cast %scan3A_462 : i32 to index
        %swap3A_486 = arith.constant 32 : index
        %swap3A_487 = tpu.vector_load %arg8[%swap3A_485, %swap3A_486] {strides = array<i32>} : memref<200x64xf32, #tpu.memory_space<vmem>>, vector<1x16xf32>,
        %swap3A_488 = vector.shape_cast %swap3A_487 : vector<1x16xf32> to vector<16xf32>
        %swap3A_489 = vector.shape_cast %get3A_484 : vector<16xf32> to vector<1x16xf32>
        tpu.vector_store %arg8[%swap3A_485, %swap3A_486], %swap3A_489 {add = true, strides = array<i32>} : memref<200x64xf32, #tpu.memory_space<vmem>>, vector<1x16xf32>,
        %get3A_490 = arith.index_cast %scan3A_462 : i32 to index
        %get3A_491 = arith.constant 48 : index
        %get3A_492 = tpu.vector_load %arg7[%get3A_490, %get3A_491] {strides = array<i32>} : memref<200x64xf32, #tpu.memory_space<vmem>>, vector<1x16xf32>,
        %get3A_493 = vector.shape_cast %get3A_492 : vector<1x16xf32> to vector<16xf32>
        %swap3A_494 = arith.index_cast %scan3A_462 : i32 to index
        %swap3A_495 = arith.constant 48 : index
        %swap3A_496 = tpu.vector_load %arg8[%swap3A_494, %swap3A_495] {strides = array<i32>} : memref<200x64xf32, #tpu.memory_space<vmem>>, vector<1x16xf32>,
        %swap3A_497 = vector.shape_cast %swap3A_496 : vector<1x16xf32> to vector<16xf32>
        %swap3A_498 = vector.shape_cast %get3A_493 : vector<16xf32> to vector<1x16xf32>
        tpu.vector_store %arg8[%swap3A_494, %swap3A_495], %swap3A_498 {add = true, strides = array<i32>} : memref<200x64xf32, #tpu.memory_space<vmem>>, vector<1x16xf32>,
        %scan3A_499 = arith.constant 6 : i32
        %scan3A_500 = arith.addi %scan3A_274, %scan3A_499 : i32
        %get3A_501 = arith.index_cast %scan3A_500 : i32 to index
        %get3A_502 = arith.constant 0 : index
        %get3A_503 = tpu.vector_load %arg7[%get3A_501, %get3A_502] {strides = array<i32>} : memref<200x64xf32, #tpu.memory_space<vmem>>, vector<1x16xf32>,
        %get3A_504 = vector.shape_cast %get3A_503 : vector<1x16xf32> to vector<16xf32>
        %swap3A_505 = arith.index_cast %scan3A_500 : i32 to index
        %swap3A_506 = arith.constant 0 : index
        %swap3A_507 = tpu.vector_load %arg8[%swap3A_505, %swap3A_506] {strides = array<i32>} : memref<200x64xf32, #tpu.memory_space<vmem>>, vector<1x16xf32>,
        %swap3A_508 = vector.shape_cast %swap3A_507 : vector<1x16xf32> to vector<16xf32>
        %swap3A_509 = vector.shape_cast %get3A_504 : vector<16xf32> to vector<1x16xf32>
        tpu.vector_store %arg8[%swap3A_505, %swap3A_506], %swap3A_509 {add = true, strides = array<i32>} : memref<200x64xf32, #tpu.memory_space<vmem>>, vector<1x16xf32>,
        %get3A_510 = arith.index_cast %scan3A_500 : i32 to index
        %get3A_511 = arith.constant 16 : index
        %get3A_512 = tpu.vector_load %arg7[%get3A_510, %get3A_511] {strides = array<i32>} : memref<200x64xf32, #tpu.memory_space<vmem>>, vector<1x16xf32>,
        %get3A_513 = vector.shape_cast %get3A_512 : vector<1x16xf32> to vector<16xf32>
        %swap3A_514 = arith.index_cast %scan3A_500 : i32 to index
        %swap3A_515 = arith.constant 16 : index
        %swap3A_516 = tpu.vector_load %arg8[%swap3A_514, %swap3A_515] {strides = array<i32>} : memref<200x64xf32, #tpu.memory_space<vmem>>, vector<1x16xf32>,
        %swap3A_517 = vector.shape_cast %swap3A_516 : vector<1x16xf32> to vector<16xf32>
        %swap3A_518 = vector.shape_cast %get3A_513 : vector<16xf32> to vector<1x16xf32>
        tpu.vector_store %arg8[%swap3A_514, %swap3A_515], %swap3A_518 {add = true, strides = array<i32>} : memref<200x64xf32, #tpu.memory_space<vmem>>, vector<1x16xf32>,
        %get3A_519 = arith.index_cast %scan3A_500 : i32 to index
        %get3A_520 = arith.constant 32 : index
        %get3A_521 = tpu.vector_load %arg7[%get3A_519, %get3A_520] {strides = array<i32>} : memref<200x64xf32, #tpu.memory_space<vmem>>, vector<1x16xf32>,
        %get3A_522 = vector.shape_cast %get3A_521 : vector<1x16xf32> to vector<16xf32>
        %swap3A_523 = arith.index_cast %scan3A_500 : i32 to index
        %swap3A_524 = arith.constant 32 : index
        %swap3A_525 = tpu.vector_load %arg8[%swap3A_523, %swap3A_524] {strides = array<i32>} : memref<200x64xf32, #tpu.memory_space<vmem>>, vector<1x16xf32>,
        %swap3A_526 = vector.shape_cast %swap3A_525 : vector<1x16xf32> to vector<16xf32>
        %swap3A_527 = vector.shape_cast %get3A_522 : vector<16xf32> to vector<1x16xf32>
        tpu.vector_store %arg8[%swap3A_523, %swap3A_524], %swap3A_527 {add = true, strides = array<i32>} : memref<200x64xf32, #tpu.memory_space<vmem>>, vector<1x16xf32>,
        %get3A_528 = arith.index_cast %scan3A_500 : i32 to index
        %get3A_529 = arith.constant 48 : index
        %get3A_530 = tpu.vector_load %arg7[%get3A_528, %get3A_529] {strides = array<i32>} : memref<200x64xf32, #tpu.memory_space<vmem>>, vector<1x16xf32>,
        %get3A_531 = vector.shape_cast %get3A_530 : vector<1x16xf32> to vector<16xf32>
        %swap3A_532 = arith.index_cast %scan3A_500 : i32 to index
        %swap3A_533 = arith.constant 48 : index
        %swap3A_534 = tpu.vector_load %arg8[%swap3A_532, %swap3A_533] {strides = array<i32>} : memref<200x64xf32, #tpu.memory_space<vmem>>, vector<1x16xf32>,
        %swap3A_535 = vector.shape_cast %swap3A_534 : vector<1x16xf32> to vector<16xf32>
        %swap3A_536 = vector.shape_cast %get3A_531 : vector<16xf32> to vector<1x16xf32>
        tpu.vector_store %arg8[%swap3A_532, %swap3A_533], %swap3A_536 {add = true, strides = array<i32>} : memref<200x64xf32, #tpu.memory_space<vmem>>, vector<1x16xf32>,
        %scan3A_537 = arith.constant 7 : i32
        %scan3A_538 = arith.addi %scan3A_274, %scan3A_537 : i32
        %get3A_539 = arith.index_cast %scan3A_538 : i32 to index
        %get3A_540 = arith.constant 0 : index
        %get3A_541 = tpu.vector_load %arg7[%get3A_539, %get3A_540] {strides = array<i32>} : memref<200x64xf32, #tpu.memory_space<vmem>>, vector<1x16xf32>,
        %get3A_542 = vector.shape_cast %get3A_541 : vector<1x16xf32> to vector<16xf32>
        %swap3A_543 = arith.index_cast %scan3A_538 : i32 to index
        %swap3A_544 = arith.constant 0 : index
        %swap3A_545 = tpu.vector_load %arg8[%swap3A_543, %swap3A_544] {strides = array<i32>} : memref<200x64xf32, #tpu.memory_space<vmem>>, vector<1x16xf32>,
        %swap3A_546 = vector.shape_cast %swap3A_545 : vector<1x16xf32> to vector<16xf32>
        %swap3A_547 = vector.shape_cast %get3A_542 : vector<16xf32> to vector<1x16xf32>
        tpu.vector_store %arg8[%swap3A_543, %swap3A_544], %swap3A_547 {add = true, strides = array<i32>} : memref<200x64xf32, #tpu.memory_space<vmem>>, vector<1x16xf32>,
        %get3A_548 = arith.index_cast %scan3A_538 : i32 to index
        %get3A_549 = arith.constant 16 : index
        %get3A_550 = tpu.vector_load %arg7[%get3A_548, %get3A_549] {strides = array<i32>} : memref<200x64xf32, #tpu.memory_space<vmem>>, vector<1x16xf32>,
        %get3A_551 = vector.shape_cast %get3A_550 : vector<1x16xf32> to vector<16xf32>
        %swap3A_552 = arith.index_cast %scan3A_538 : i32 to index
        %swap3A_553 = arith.constant 16 : index
        %swap3A_554 = tpu.vector_load %arg8[%swap3A_552, %swap3A_553] {strides = array<i32>} : memref<200x64xf32, #tpu.memory_space<vmem>>, vector<1x16xf32>,
        %swap3A_555 = vector.shape_cast %swap3A_554 : vector<1x16xf32> to vector<16xf32>
        %swap3A_556 = vector.shape_cast %get3A_551 : vector<16xf32> to vector<1x16xf32>
        tpu.vector_store %arg8[%swap3A_552, %swap3A_553], %swap3A_556 {add = true, strides = array<i32>} : memref<200x64xf32, #tpu.memory_space<vmem>>, vector<1x16xf32>,
        %get3A_557 = arith.index_cast %scan3A_538 : i32 to index
        %get3A_558 = arith.constant 32 : index
        %get3A_559 = tpu.vector_load %arg7[%get3A_557, %get3A_558] {strides = array<i32>} : memref<200x64xf32, #tpu.memory_space<vmem>>, vector<1x16xf32>,
        %get3A_560 = vector.shape_cast %get3A_559 : vector<1x16xf32> to vector<16xf32>
        %swap3A_561 = arith.index_cast %scan3A_538 : i32 to index
        %swap3A_562 = arith.constant 32 : index
        %swap3A_563 = tpu.vector_load %arg8[%swap3A_561, %swap3A_562] {strides = array<i32>} : memref<200x64xf32, #tpu.memory_space<vmem>>, vector<1x16xf32>,
        %swap3A_564 = vector.shape_cast %swap3A_563 : vector<1x16xf32> to vector<16xf32>
        %swap3A_565 = vector.shape_cast %get3A_560 : vector<16xf32> to vector<1x16xf32>
        tpu.vector_store %arg8[%swap3A_561, %swap3A_562], %swap3A_565 {add = true, strides = array<i32>} : memref<200x64xf32, #tpu.memory_space<vmem>>, vector<1x16xf32>,
        %get3A_566 = arith.index_cast %scan3A_538 : i32 to index
        %get3A_567 = arith.constant 48 : index
        %get3A_568 = tpu.vector_load %arg7[%get3A_566, %get3A_567] {strides = array<i32>} : memref<200x64xf32, #tpu.memory_space<vmem>>, vector<1x16xf32>,
        %get3A_569 = vector.shape_cast %get3A_568 : vector<1x16xf32> to vector<16xf32>
        %swap3A_570 = arith.index_cast %scan3A_538 : i32 to index
        %swap3A_571 = arith.constant 48 : index
        %swap3A_572 = tpu.vector_load %arg8[%swap3A_570, %swap3A_571] {strides = array<i32>} : memref<200x64xf32, #tpu.memory_space<vmem>>, vector<1x16xf32>,
        %swap3A_573 = vector.shape_cast %swap3A_572 : vector<1x16xf32> to vector<16xf32>
        %swap3A_574 = vector.shape_cast %get3A_569 : vector<16xf32> to vector<1x16xf32>
        tpu.vector_store %arg8[%swap3A_570, %swap3A_571], %swap3A_574 {add = true, strides = array<i32>} : memref<200x64xf32, #tpu.memory_space<vmem>>, vector<1x16xf32>,
      }
      %scan3A_120 = arith.constant 200 : i32
      %mul3A_121 = arith.constant 32 : i32
      %mul3A_122 = arith.muli %add3A, %mul3A_121 : i32
      %add3A_123 = arith.addi %mul3A_122, %add3A_88 : i32
      %mul3A_124 = arith.constant 200 : i32
      %mul3A_125 = arith.muli %add3A_123, %mul3A_124 : i32
      %dma_start3A_126 = arith.constant 0 : i32
      %dma_start3A_127 = tpu.memref_slice %arg5[%mul3A_125, %dma_start3A_126] : memref<204800x64xf32, #tpu.memory_space<hbm>> -> memref<200x64xf32, #tpu.memory_space<hbm>>
      %dma_start3A_128 = arith.constant 0 : i32
      %dma_start3A_129 = tpu.memref_slice %arg5[%mul3A_125, %dma_start3A_128] : memref<204800x64xf32, #tpu.memory_space<hbm>> -> memref<200x64xf32, #tpu.memory_space<hbm>>
      tpu.enqueue_dma source(%arg8 : memref<200x64xf32, #tpu.memory_space<vmem>>) target(%dma_start3A_129 : memref<200x64xf32, #tpu.memory_space<hbm>>) target_semaphore(%arg16 : memref<!tpu.dma_semaphore, #tpu.memory_space<semaphore_mem>>)
      %mul3A_130 = arith.constant 4 : i32
      %mul3A_131 = arith.muli %scan3A_84, %mul3A_130 : i32
      %add3A_132 = arith.constant 1 : i32
      %add3A_133 = arith.addi %mul3A_131, %add3A_132 : i32
      %add3A_134 = arith.constant 2 : i32
      %add3A_135 = arith.addi %add3A_133, %add3A_134 : i32
      %lt3A_136 = arith.constant 32 : i32
      %lt3A_137 = arith.cmpi slt, %add3A_135, %lt3A_136 : i32
      %convert_element_type3A_138 = arith.extui %lt3A_137 : i1 to i32
      %cond3A_139 = arith.constant 0 : i32
      %cond3A_140 = arith.cmpi ne, %convert_element_type3A_138, %cond3A_139 : i32
      scf.if %cond3A_140 {
        %ge3A = arith.constant 4 : i32
        %ge3A_274 = arith.cmpi sge, %add3A_135, %ge3A : i32
        %convert_element_type3A_275 = arith.extui %ge3A_274 : i1 to i32
        %cond3A_276 = arith.constant 0 : i32
        %cond3A_277 = arith.cmpi ne, %convert_element_type3A_275, %cond3A_276 : i32
        scf.if %cond3A_277 {
          %sub3A = arith.constant 4 : i32
          %sub3A_300 = arith.subi %add3A_135, %sub3A : i32
          %mul3A_301 = arith.constant 32 : i32
          %mul3A_302 = arith.muli %add3A, %mul3A_301 : i32
          %add3A_303 = arith.addi %mul3A_302, %sub3A_300 : i32
          %mul3A_304 = arith.constant 200 : i32
          %mul3A_305 = arith.muli %add3A_303, %mul3A_304 : i32
          %dma_wait3A_306 = arith.constant 0 : i32
          %dma_wait3A_307 = tpu.memref_slice %arg5[%mul3A_305, %dma_wait3A_306] : memref<204800x64xf32, #tpu.memory_space<hbm>> -> memref<200x64xf32, #tpu.memory_space<hbm>>
          %dma_wait3A_308 = arith.constant 0 : i32
          %dma_wait3A_309 = tpu.memref_slice %arg5[%mul3A_305, %dma_wait3A_308] : memref<204800x64xf32, #tpu.memory_space<hbm>> -> memref<200x64xf32, #tpu.memory_space<hbm>>
          tpu.wait_dma2 semaphore(%arg19 : memref<!tpu.dma_semaphore, #tpu.memory_space<semaphore_mem>>) src(%arg11 : memref<200x64xf32, #tpu.memory_space<vmem>>) dst(%dma_wait3A_309 : memref<200x64xf32, #tpu.memory_space<hbm>>)
        } else {
        }
        %mul3A_278 = arith.constant 2 : i32
        %mul3A_279 = arith.muli %add3A_135, %mul3A_278 : i32
        %add3A_280 = arith.constant 1 : i32
        %add3A_281 = arith.addi %mul3A_279, %add3A_280 : i32
        %dma_start3A_282 = arith.constant 0 : i32
        %dma_start3A_283 = arith.constant 0 : i32
        %dma_start3A_284 = tpu.memref_slice %arg11[%dma_start3A_282, %dma_start3A_283] : memref<200x64xf32, #tpu.memory_space<vmem>> -> memref<100x64xf32, #tpu.memory_space<vmem>>
        %dma_start3A_285 = arith.constant 0 : i32
        %dma_start3A_286 = tpu.memref_slice %arg6[%mul3A_279, %dma_start3A_285] : memref<64x100xi32, #tpu.memory_space<vmem>> -> memref<1x100xi32, #tpu.memory_space<vmem>>
        %dma_start3A_287 = tpu.memref_squeeze %dma_start3A_286 : memref<1x100xi32, #tpu.memory_space<vmem>> -> memref<100xi32, #tpu.memory_space<vmem>>
        %dma_start3A_288 = arith.constant 0 : i32
        %dma_start3A_289 = arith.constant 0 : i32
        %dma_start3A_290 = tpu.memref_slice %arg4[%dma_start3A_288, %dma_start3A_289] : memref<1000000x64xf32, #tpu.memory_space<hbm>> -> memref<1000000x64xf32, #tpu.memory_space<hbm>>
        tpu.enqueue_indirect_dma source(%dma_start3A_290 : memref<1000000x64xf32, #tpu.memory_space<hbm>>) target(%dma_start3A_284 : memref<100x64xf32, #tpu.memory_space<vmem>>) offsets(%dma_start3A_287 : memref<100xi32, #tpu.memory_space<vmem>>) semaphore(%arg15 : memref<!tpu.dma_semaphore, #tpu.memory_space<semaphore_mem>>)
        %dma_start3A_291 = arith.constant 100 : i32
        %dma_start3A_292 = arith.constant 0 : i32
        %dma_start3A_293 = tpu.memref_slice %arg11[%dma_start3A_291, %dma_start3A_292] : memref<200x64xf32, #tpu.memory_space<vmem>> -> memref<100x64xf32, #tpu.memory_space<vmem>>
        %dma_start3A_294 = arith.constant 0 : i32
        %dma_start3A_295 = tpu.memref_slice %arg6[%add3A_281, %dma_start3A_294] : memref<64x100xi32, #tpu.memory_space<vmem>> -> memref<1x100xi32, #tpu.memory_space<vmem>>
        %dma_start3A_296 = tpu.memref_squeeze %dma_start3A_295 : memref<1x100xi32, #tpu.memory_space<vmem>> -> memref<100xi32, #tpu.memory_space<vmem>>
        %dma_start3A_297 = arith.constant 0 : i32
        %dma_start3A_298 = arith.constant 0 : i32
        %dma_start3A_299 = tpu.memref_slice %arg4[%dma_start3A_297, %dma_start3A_298] : memref<1000000x64xf32, #tpu.memory_space<hbm>> -> memref<1000000x64xf32, #tpu.memory_space<hbm>>
        tpu.enqueue_indirect_dma source(%dma_start3A_299 : memref<1000000x64xf32, #tpu.memory_space<hbm>>) target(%dma_start3A_293 : memref<100x64xf32, #tpu.memory_space<vmem>>) offsets(%dma_start3A_296 : memref<100xi32, #tpu.memory_space<vmem>>) semaphore(%arg15 : memref<!tpu.dma_semaphore, #tpu.memory_space<semaphore_mem>>)
      } else {
      }
      %mul3A_141 = arith.constant 2 : i32
      %mul3A_142 = arith.muli %add3A_133, %mul3A_141 : i32
      %add3A_143 = arith.constant 1 : i32
      %add3A_144 = arith.addi %mul3A_142, %add3A_143 : i32
      %dma_wait3A_145 = arith.constant 0 : i32
      %dma_wait3A_146 = arith.constant 0 : i32
      %dma_wait3A_147 = tpu.memref_slice %arg9[%dma_wait3A_145, %dma_wait3A_146] : memref<200x64xf32, #tpu.memory_space<vmem>> -> memref<100x64xf32, #tpu.memory_space<vmem>>
      %dma_wait3A_148 = arith.constant 0 : i32
      %dma_wait3A_149 = tpu.memref_slice %arg6[%mul3A_142, %dma_wait3A_148] : memref<64x100xi32, #tpu.memory_space<vmem>> -> memref<1x100xi32, #tpu.memory_space<vmem>>
      %dma_wait3A_150 = tpu.memref_squeeze %dma_wait3A_149 : memref<1x100xi32, #tpu.memory_space<vmem>> -> memref<100xi32, #tpu.memory_space<vmem>>
      %dma_wait3A_151 = arith.constant 0 : i32
      %dma_wait3A_152 = arith.constant 0 : i32
      %dma_wait3A_153 = tpu.memref_slice %arg4[%dma_wait3A_151, %dma_wait3A_152] : memref<1000000x64xf32, #tpu.memory_space<hbm>> -> memref<1000000x64xf32, #tpu.memory_space<hbm>>
      tpu.wait_indirect_dma semaphore(%arg13 : memref<!tpu.dma_semaphore, #tpu.memory_space<semaphore_mem>>) src(%dma_wait3A_153 : memref<1000000x64xf32, #tpu.memory_space<hbm>>) dst(%dma_wait3A_147 : memref<100x64xf32, #tpu.memory_space<vmem>>)
      %dma_wait3A_154 = arith.constant 100 : i32
      %dma_wait3A_155 = arith.constant 0 : i32
      %dma_wait3A_156 = tpu.memref_slice %arg9[%dma_wait3A_154, %dma_wait3A_155] : memref<200x64xf32, #tpu.memory_space<vmem>> -> memref<100x64xf32, #tpu.memory_space<vmem>>
      %dma_wait3A_157 = arith.constant 0 : i32
      %dma_wait3A_158 = tpu.memref_slice %arg6[%add3A_144, %dma_wait3A_157] : memref<64x100xi32, #tpu.memory_space<vmem>> -> memref<1x100xi32, #tpu.memory_space<vmem>>
      %dma_wait3A_159 = tpu.memref_squeeze %dma_wait3A_158 : memref<1x100xi32, #tpu.memory_space<vmem>> -> memref<100xi32, #tpu.memory_space<vmem>>
      %dma_wait3A_160 = arith.constant 0 : i32
      %dma_wait3A_161 = arith.constant 0 : i32
      %dma_wait3A_162 = tpu.memref_slice %arg4[%dma_wait3A_160, %dma_wait3A_161] : memref<1000000x64xf32, #tpu.memory_space<hbm>> -> memref<1000000x64xf32, #tpu.memory_space<hbm>>
      tpu.wait_indirect_dma semaphore(%arg13 : memref<!tpu.dma_semaphore, #tpu.memory_space<semaphore_mem>>) src(%dma_wait3A_162 : memref<1000000x64xf32, #tpu.memory_space<hbm>>) dst(%dma_wait3A_156 : memref<100x64xf32, #tpu.memory_space<vmem>>)
      %scan3A_163 = arith.constant 0 : i32
      %scan3A_164 = arith.constant 0 : i32
      %scan3A_165 = arith.constant 200 : i32
      %scan3A_166 = arith.addi %scan3A_164, %scan3A_165 : i32
      %scan3A_167 = arith.constant 8 : i32
      scf.for %scan3A_274 = %scan3A_164 to %scan3A_166 step %scan3A_167  : i32 {
        %get3A = arith.index_cast %scan3A_274 : i32 to index
        %get3A_275 = arith.constant 0 : index
        %get3A_276 = tpu.vector_load %arg7[%get3A, %get3A_275] {strides = array<i32>} : memref<200x64xf32, #tpu.memory_space<vmem>>, vector<1x16xf32>,
        %get3A_277 = vector.shape_cast %get3A_276 : vector<1x16xf32> to vector<16xf32>
        %swap3A = arith.index_cast %scan3A_274 : i32 to index
        %swap3A_278 = arith.constant 0 : index
        %swap3A_279 = tpu.vector_load %arg9[%swap3A, %swap3A_278] {strides = array<i32>} : memref<200x64xf32, #tpu.memory_space<vmem>>, vector<1x16xf32>,
        %swap3A_280 = vector.shape_cast %swap3A_279 : vector<1x16xf32> to vector<16xf32>
        %swap3A_281 = vector.shape_cast %get3A_277 : vector<16xf32> to vector<1x16xf32>
        tpu.vector_store %arg9[%swap3A, %swap3A_278], %swap3A_281 {add = true, strides = array<i32>} : memref<200x64xf32, #tpu.memory_space<vmem>>, vector<1x16xf32>,
        %get3A_282 = arith.index_cast %scan3A_274 : i32 to index
        %get3A_283 = arith.constant 16 : index
        %get3A_284 = tpu.vector_load %arg7[%get3A_282, %get3A_283] {strides = array<i32>} : memref<200x64xf32, #tpu.memory_space<vmem>>, vector<1x16xf32>,
        %get3A_285 = vector.shape_cast %get3A_284 : vector<1x16xf32> to vector<16xf32>
        %swap3A_286 = arith.index_cast %scan3A_274 : i32 to index
        %swap3A_287 = arith.constant 16 : index
        %swap3A_288 = tpu.vector_load %arg9[%swap3A_286, %swap3A_287] {strides = array<i32>} : memref<200x64xf32, #tpu.memory_space<vmem>>, vector<1x16xf32>,
        %swap3A_289 = vector.shape_cast %swap3A_288 : vector<1x16xf32> to vector<16xf32>
        %swap3A_290 = vector.shape_cast %get3A_285 : vector<16xf32> to vector<1x16xf32>
        tpu.vector_store %arg9[%swap3A_286, %swap3A_287], %swap3A_290 {add = true, strides = array<i32>} : memref<200x64xf32, #tpu.memory_space<vmem>>, vector<1x16xf32>,
        %get3A_291 = arith.index_cast %scan3A_274 : i32 to index
        %get3A_292 = arith.constant 32 : index
        %get3A_293 = tpu.vector_load %arg7[%get3A_291, %get3A_292] {strides = array<i32>} : memref<200x64xf32, #tpu.memory_space<vmem>>, vector<1x16xf32>,
        %get3A_294 = vector.shape_cast %get3A_293 : vector<1x16xf32> to vector<16xf32>
        %swap3A_295 = arith.index_cast %scan3A_274 : i32 to index
        %swap3A_296 = arith.constant 32 : index
        %swap3A_297 = tpu.vector_load %arg9[%swap3A_295, %swap3A_296] {strides = array<i32>} : memref<200x64xf32, #tpu.memory_space<vmem>>, vector<1x16xf32>,
        %swap3A_298 = vector.shape_cast %swap3A_297 : vector<1x16xf32> to vector<16xf32>
        %swap3A_299 = vector.shape_cast %get3A_294 : vector<16xf32> to vector<1x16xf32>
        tpu.vector_store %arg9[%swap3A_295, %swap3A_296], %swap3A_299 {add = true, strides = array<i32>} : memref<200x64xf32, #tpu.memory_space<vmem>>, vector<1x16xf32>,
        %get3A_300 = arith.index_cast %scan3A_274 : i32 to index
        %get3A_301 = arith.constant 48 : index
        %get3A_302 = tpu.vector_load %arg7[%get3A_300, %get3A_301] {strides = array<i32>} : memref<200x64xf32, #tpu.memory_space<vmem>>, vector<1x16xf32>,
        %get3A_303 = vector.shape_cast %get3A_302 : vector<1x16xf32> to vector<16xf32>
        %swap3A_304 = arith.index_cast %scan3A_274 : i32 to index
        %swap3A_305 = arith.constant 48 : index
        %swap3A_306 = tpu.vector_load %arg9[%swap3A_304, %swap3A_305] {strides = array<i32>} : memref<200x64xf32, #tpu.memory_space<vmem>>, vector<1x16xf32>,
        %swap3A_307 = vector.shape_cast %swap3A_306 : vector<1x16xf32> to vector<16xf32>
        %swap3A_308 = vector.shape_cast %get3A_303 : vector<16xf32> to vector<1x16xf32>
        tpu.vector_store %arg9[%swap3A_304, %swap3A_305], %swap3A_308 {add = true, strides = array<i32>} : memref<200x64xf32, #tpu.memory_space<vmem>>, vector<1x16xf32>,
        %scan3A_309 = arith.constant 1 : i32
        %scan3A_310 = arith.addi %scan3A_274, %scan3A_309 : i32
        %get3A_311 = arith.index_cast %scan3A_310 : i32 to index
        %get3A_312 = arith.constant 0 : index
        %get3A_313 = tpu.vector_load %arg7[%get3A_311, %get3A_312] {strides = array<i32>} : memref<200x64xf32, #tpu.memory_space<vmem>>, vector<1x16xf32>,
        %get3A_314 = vector.shape_cast %get3A_313 : vector<1x16xf32> to vector<16xf32>
        %swap3A_315 = arith.index_cast %scan3A_310 : i32 to index
        %swap3A_316 = arith.constant 0 : index
        %swap3A_317 = tpu.vector_load %arg9[%swap3A_315, %swap3A_316] {strides = array<i32>} : memref<200x64xf32, #tpu.memory_space<vmem>>, vector<1x16xf32>,
        %swap3A_318 = vector.shape_cast %swap3A_317 : vector<1x16xf32> to vector<16xf32>
        %swap3A_319 = vector.shape_cast %get3A_314 : vector<16xf32> to vector<1x16xf32>
        tpu.vector_store %arg9[%swap3A_315, %swap3A_316], %swap3A_319 {add = true, strides = array<i32>} : memref<200x64xf32, #tpu.memory_space<vmem>>, vector<1x16xf32>,
        %get3A_320 = arith.index_cast %scan3A_310 : i32 to index
        %get3A_321 = arith.constant 16 : index
        %get3A_322 = tpu.vector_load %arg7[%get3A_320, %get3A_321] {strides = array<i32>} : memref<200x64xf32, #tpu.memory_space<vmem>>, vector<1x16xf32>,
        %get3A_323 = vector.shape_cast %get3A_322 : vector<1x16xf32> to vector<16xf32>
        %swap3A_324 = arith.index_cast %scan3A_310 : i32 to index
        %swap3A_325 = arith.constant 16 : index
        %swap3A_326 = tpu.vector_load %arg9[%swap3A_324, %swap3A_325] {strides = array<i32>} : memref<200x64xf32, #tpu.memory_space<vmem>>, vector<1x16xf32>,
        %swap3A_327 = vector.shape_cast %swap3A_326 : vector<1x16xf32> to vector<16xf32>
        %swap3A_328 = vector.shape_cast %get3A_323 : vector<16xf32> to vector<1x16xf32>
        tpu.vector_store %arg9[%swap3A_324, %swap3A_325], %swap3A_328 {add = true, strides = array<i32>} : memref<200x64xf32, #tpu.memory_space<vmem>>, vector<1x16xf32>,
        %get3A_329 = arith.index_cast %scan3A_310 : i32 to index
        %get3A_330 = arith.constant 32 : index
        %get3A_331 = tpu.vector_load %arg7[%get3A_329, %get3A_330] {strides = array<i32>} : memref<200x64xf32, #tpu.memory_space<vmem>>, vector<1x16xf32>,
        %get3A_332 = vector.shape_cast %get3A_331 : vector<1x16xf32> to vector<16xf32>
        %swap3A_333 = arith.index_cast %scan3A_310 : i32 to index
        %swap3A_334 = arith.constant 32 : index
        %swap3A_335 = tpu.vector_load %arg9[%swap3A_333, %swap3A_334] {strides = array<i32>} : memref<200x64xf32, #tpu.memory_space<vmem>>, vector<1x16xf32>,
        %swap3A_336 = vector.shape_cast %swap3A_335 : vector<1x16xf32> to vector<16xf32>
        %swap3A_337 = vector.shape_cast %get3A_332 : vector<16xf32> to vector<1x16xf32>
        tpu.vector_store %arg9[%swap3A_333, %swap3A_334], %swap3A_337 {add = true, strides = array<i32>} : memref<200x64xf32, #tpu.memory_space<vmem>>, vector<1x16xf32>,
        %get3A_338 = arith.index_cast %scan3A_310 : i32 to index
        %get3A_339 = arith.constant 48 : index
        %get3A_340 = tpu.vector_load %arg7[%get3A_338, %get3A_339] {strides = array<i32>} : memref<200x64xf32, #tpu.memory_space<vmem>>, vector<1x16xf32>,
        %get3A_341 = vector.shape_cast %get3A_340 : vector<1x16xf32> to vector<16xf32>
        %swap3A_342 = arith.index_cast %scan3A_310 : i32 to index
        %swap3A_343 = arith.constant 48 : index
        %swap3A_344 = tpu.vector_load %arg9[%swap3A_342, %swap3A_343] {strides = array<i32>} : memref<200x64xf32, #tpu.memory_space<vmem>>, vector<1x16xf32>,
        %swap3A_345 = vector.shape_cast %swap3A_344 : vector<1x16xf32> to vector<16xf32>
        %swap3A_346 = vector.shape_cast %get3A_341 : vector<16xf32> to vector<1x16xf32>
        tpu.vector_store %arg9[%swap3A_342, %swap3A_343], %swap3A_346 {add = true, strides = array<i32>} : memref<200x64xf32, #tpu.memory_space<vmem>>, vector<1x16xf32>,
        %scan3A_347 = arith.constant 2 : i32
        %scan3A_348 = arith.addi %scan3A_274, %scan3A_347 : i32
        %get3A_349 = arith.index_cast %scan3A_348 : i32 to index
        %get3A_350 = arith.constant 0 : index
        %get3A_351 = tpu.vector_load %arg7[%get3A_349, %get3A_350] {strides = array<i32>} : memref<200x64xf32, #tpu.memory_space<vmem>>, vector<1x16xf32>,
        %get3A_352 = vector.shape_cast %get3A_351 : vector<1x16xf32> to vector<16xf32>
        %swap3A_353 = arith.index_cast %scan3A_348 : i32 to index
        %swap3A_354 = arith.constant 0 : index
        %swap3A_355 = tpu.vector_load %arg9[%swap3A_353, %swap3A_354] {strides = array<i32>} : memref<200x64xf32, #tpu.memory_space<vmem>>, vector<1x16xf32>,
        %swap3A_356 = vector.shape_cast %swap3A_355 : vector<1x16xf32> to vector<16xf32>
        %swap3A_357 = vector.shape_cast %get3A_352 : vector<16xf32> to vector<1x16xf32>
        tpu.vector_store %arg9[%swap3A_353, %swap3A_354], %swap3A_357 {add = true, strides = array<i32>} : memref<200x64xf32, #tpu.memory_space<vmem>>, vector<1x16xf32>,
        %get3A_358 = arith.index_cast %scan3A_348 : i32 to index
        %get3A_359 = arith.constant 16 : index
        %get3A_360 = tpu.vector_load %arg7[%get3A_358, %get3A_359] {strides = array<i32>} : memref<200x64xf32, #tpu.memory_space<vmem>>, vector<1x16xf32>,
        %get3A_361 = vector.shape_cast %get3A_360 : vector<1x16xf32> to vector<16xf32>
        %swap3A_362 = arith.index_cast %scan3A_348 : i32 to index
        %swap3A_363 = arith.constant 16 : index
        %swap3A_364 = tpu.vector_load %arg9[%swap3A_362, %swap3A_363] {strides = array<i32>} : memref<200x64xf32, #tpu.memory_space<vmem>>, vector<1x16xf32>,
        %swap3A_365 = vector.shape_cast %swap3A_364 : vector<1x16xf32> to vector<16xf32>
        %swap3A_366 = vector.shape_cast %get3A_361 : vector<16xf32> to vector<1x16xf32>
        tpu.vector_store %arg9[%swap3A_362, %swap3A_363], %swap3A_366 {add = true, strides = array<i32>} : memref<200x64xf32, #tpu.memory_space<vmem>>, vector<1x16xf32>,
        %get3A_367 = arith.index_cast %scan3A_348 : i32 to index
        %get3A_368 = arith.constant 32 : index
        %get3A_369 = tpu.vector_load %arg7[%get3A_367, %get3A_368] {strides = array<i32>} : memref<200x64xf32, #tpu.memory_space<vmem>>, vector<1x16xf32>,
        %get3A_370 = vector.shape_cast %get3A_369 : vector<1x16xf32> to vector<16xf32>
        %swap3A_371 = arith.index_cast %scan3A_348 : i32 to index
        %swap3A_372 = arith.constant 32 : index
        %swap3A_373 = tpu.vector_load %arg9[%swap3A_371, %swap3A_372] {strides = array<i32>} : memref<200x64xf32, #tpu.memory_space<vmem>>, vector<1x16xf32>,
        %swap3A_374 = vector.shape_cast %swap3A_373 : vector<1x16xf32> to vector<16xf32>
        %swap3A_375 = vector.shape_cast %get3A_370 : vector<16xf32> to vector<1x16xf32>
        tpu.vector_store %arg9[%swap3A_371, %swap3A_372], %swap3A_375 {add = true, strides = array<i32>} : memref<200x64xf32, #tpu.memory_space<vmem>>, vector<1x16xf32>,
        %get3A_376 = arith.index_cast %scan3A_348 : i32 to index
        %get3A_377 = arith.constant 48 : index
        %get3A_378 = tpu.vector_load %arg7[%get3A_376, %get3A_377] {strides = array<i32>} : memref<200x64xf32, #tpu.memory_space<vmem>>, vector<1x16xf32>,
        %get3A_379 = vector.shape_cast %get3A_378 : vector<1x16xf32> to vector<16xf32>
        %swap3A_380 = arith.index_cast %scan3A_348 : i32 to index
        %swap3A_381 = arith.constant 48 : index
        %swap3A_382 = tpu.vector_load %arg9[%swap3A_380, %swap3A_381] {strides = array<i32>} : memref<200x64xf32, #tpu.memory_space<vmem>>, vector<1x16xf32>,
        %swap3A_383 = vector.shape_cast %swap3A_382 : vector<1x16xf32> to vector<16xf32>
        %swap3A_384 = vector.shape_cast %get3A_379 : vector<16xf32> to vector<1x16xf32>
        tpu.vector_store %arg9[%swap3A_380, %swap3A_381], %swap3A_384 {add = true, strides = array<i32>} : memref<200x64xf32, #tpu.memory_space<vmem>>, vector<1x16xf32>,
        %scan3A_385 = arith.constant 3 : i32
        %scan3A_386 = arith.addi %scan3A_274, %scan3A_385 : i32
        %get3A_387 = arith.index_cast %scan3A_386 : i32 to index
        %get3A_388 = arith.constant 0 : index
        %get3A_389 = tpu.vector_load %arg7[%get3A_387, %get3A_388] {strides = array<i32>} : memref<200x64xf32, #tpu.memory_space<vmem>>, vector<1x16xf32>,
        %get3A_390 = vector.shape_cast %get3A_389 : vector<1x16xf32> to vector<16xf32>
        %swap3A_391 = arith.index_cast %scan3A_386 : i32 to index
        %swap3A_392 = arith.constant 0 : index
        %swap3A_393 = tpu.vector_load %arg9[%swap3A_391, %swap3A_392] {strides = array<i32>} : memref<200x64xf32, #tpu.memory_space<vmem>>, vector<1x16xf32>,
        %swap3A_394 = vector.shape_cast %swap3A_393 : vector<1x16xf32> to vector<16xf32>
        %swap3A_395 = vector.shape_cast %get3A_390 : vector<16xf32> to vector<1x16xf32>
        tpu.vector_store %arg9[%swap3A_391, %swap3A_392], %swap3A_395 {add = true, strides = array<i32>} : memref<200x64xf32, #tpu.memory_space<vmem>>, vector<1x16xf32>,
        %get3A_396 = arith.index_cast %scan3A_386 : i32 to index
        %get3A_397 = arith.constant 16 : index
        %get3A_398 = tpu.vector_load %arg7[%get3A_396, %get3A_397] {strides = array<i32>} : memref<200x64xf32, #tpu.memory_space<vmem>>, vector<1x16xf32>,
        %get3A_399 = vector.shape_cast %get3A_398 : vector<1x16xf32> to vector<16xf32>
        %swap3A_400 = arith.index_cast %scan3A_386 : i32 to index
        %swap3A_401 = arith.constant 16 : index
        %swap3A_402 = tpu.vector_load %arg9[%swap3A_400, %swap3A_401] {strides = array<i32>} : memref<200x64xf32, #tpu.memory_space<vmem>>, vector<1x16xf32>,
        %swap3A_403 = vector.shape_cast %swap3A_402 : vector<1x16xf32> to vector<16xf32>
        %swap3A_404 = vector.shape_cast %get3A_399 : vector<16xf32> to vector<1x16xf32>
        tpu.vector_store %arg9[%swap3A_400, %swap3A_401], %swap3A_404 {add = true, strides = array<i32>} : memref<200x64xf32, #tpu.memory_space<vmem>>, vector<1x16xf32>,
        %get3A_405 = arith.index_cast %scan3A_386 : i32 to index
        %get3A_406 = arith.constant 32 : index
        %get3A_407 = tpu.vector_load %arg7[%get3A_405, %get3A_406] {strides = array<i32>} : memref<200x64xf32, #tpu.memory_space<vmem>>, vector<1x16xf32>,
        %get3A_408 = vector.shape_cast %get3A_407 : vector<1x16xf32> to vector<16xf32>
        %swap3A_409 = arith.index_cast %scan3A_386 : i32 to index
        %swap3A_410 = arith.constant 32 : index
        %swap3A_411 = tpu.vector_load %arg9[%swap3A_409, %swap3A_410] {strides = array<i32>} : memref<200x64xf32, #tpu.memory_space<vmem>>, vector<1x16xf32>,
        %swap3A_412 = vector.shape_cast %swap3A_411 : vector<1x16xf32> to vector<16xf32>
        %swap3A_413 = vector.shape_cast %get3A_408 : vector<16xf32> to vector<1x16xf32>
        tpu.vector_store %arg9[%swap3A_409, %swap3A_410], %swap3A_413 {add = true, strides = array<i32>} : memref<200x64xf32, #tpu.memory_space<vmem>>, vector<1x16xf32>,
        %get3A_414 = arith.index_cast %scan3A_386 : i32 to index
        %get3A_415 = arith.constant 48 : index
        %get3A_416 = tpu.vector_load %arg7[%get3A_414, %get3A_415] {strides = array<i32>} : memref<200x64xf32, #tpu.memory_space<vmem>>, vector<1x16xf32>,
        %get3A_417 = vector.shape_cast %get3A_416 : vector<1x16xf32> to vector<16xf32>
        %swap3A_418 = arith.index_cast %scan3A_386 : i32 to index
        %swap3A_419 = arith.constant 48 : index
        %swap3A_420 = tpu.vector_load %arg9[%swap3A_418, %swap3A_419] {strides = array<i32>} : memref<200x64xf32, #tpu.memory_space<vmem>>, vector<1x16xf32>,
        %swap3A_421 = vector.shape_cast %swap3A_420 : vector<1x16xf32> to vector<16xf32>
        %swap3A_422 = vector.shape_cast %get3A_417 : vector<16xf32> to vector<1x16xf32>
        tpu.vector_store %arg9[%swap3A_418, %swap3A_419], %swap3A_422 {add = true, strides = array<i32>} : memref<200x64xf32, #tpu.memory_space<vmem>>, vector<1x16xf32>,
        %scan3A_423 = arith.constant 4 : i32
        %scan3A_424 = arith.addi %scan3A_274, %scan3A_423 : i32
        %get3A_425 = arith.index_cast %scan3A_424 : i32 to index
        %get3A_426 = arith.constant 0 : index
        %get3A_427 = tpu.vector_load %arg7[%get3A_425, %get3A_426] {strides = array<i32>} : memref<200x64xf32, #tpu.memory_space<vmem>>, vector<1x16xf32>,
        %get3A_428 = vector.shape_cast %get3A_427 : vector<1x16xf32> to vector<16xf32>
        %swap3A_429 = arith.index_cast %scan3A_424 : i32 to index
        %swap3A_430 = arith.constant 0 : index
        %swap3A_431 = tpu.vector_load %arg9[%swap3A_429, %swap3A_430] {strides = array<i32>} : memref<200x64xf32, #tpu.memory_space<vmem>>, vector<1x16xf32>,
        %swap3A_432 = vector.shape_cast %swap3A_431 : vector<1x16xf32> to vector<16xf32>
        %swap3A_433 = vector.shape_cast %get3A_428 : vector<16xf32> to vector<1x16xf32>
        tpu.vector_store %arg9[%swap3A_429, %swap3A_430], %swap3A_433 {add = true, strides = array<i32>} : memref<200x64xf32, #tpu.memory_space<vmem>>, vector<1x16xf32>,
        %get3A_434 = arith.index_cast %scan3A_424 : i32 to index
        %get3A_435 = arith.constant 16 : index
        %get3A_436 = tpu.vector_load %arg7[%get3A_434, %get3A_435] {strides = array<i32>} : memref<200x64xf32, #tpu.memory_space<vmem>>, vector<1x16xf32>,
        %get3A_437 = vector.shape_cast %get3A_436 : vector<1x16xf32> to vector<16xf32>
        %swap3A_438 = arith.index_cast %scan3A_424 : i32 to index
        %swap3A_439 = arith.constant 16 : index
        %swap3A_440 = tpu.vector_load %arg9[%swap3A_438, %swap3A_439] {strides = array<i32>} : memref<200x64xf32, #tpu.memory_space<vmem>>, vector<1x16xf32>,
        %swap3A_441 = vector.shape_cast %swap3A_440 : vector<1x16xf32> to vector<16xf32>
        %swap3A_442 = vector.shape_cast %get3A_437 : vector<16xf32> to vector<1x16xf32>
        tpu.vector_store %arg9[%swap3A_438, %swap3A_439], %swap3A_442 {add = true, strides = array<i32>} : memref<200x64xf32, #tpu.memory_space<vmem>>, vector<1x16xf32>,
        %get3A_443 = arith.index_cast %scan3A_424 : i32 to index
        %get3A_444 = arith.constant 32 : index
        %get3A_445 = tpu.vector_load %arg7[%get3A_443, %get3A_444] {strides = array<i32>} : memref<200x64xf32, #tpu.memory_space<vmem>>, vector<1x16xf32>,
        %get3A_446 = vector.shape_cast %get3A_445 : vector<1x16xf32> to vector<16xf32>
        %swap3A_447 = arith.index_cast %scan3A_424 : i32 to index
        %swap3A_448 = arith.constant 32 : index
        %swap3A_449 = tpu.vector_load %arg9[%swap3A_447, %swap3A_448] {strides = array<i32>} : memref<200x64xf32, #tpu.memory_space<vmem>>, vector<1x16xf32>,
        %swap3A_450 = vector.shape_cast %swap3A_449 : vector<1x16xf32> to vector<16xf32>
        %swap3A_451 = vector.shape_cast %get3A_446 : vector<16xf32> to vector<1x16xf32>
        tpu.vector_store %arg9[%swap3A_447, %swap3A_448], %swap3A_451 {add = true, strides = array<i32>} : memref<200x64xf32, #tpu.memory_space<vmem>>, vector<1x16xf32>,
        %get3A_452 = arith.index_cast %scan3A_424 : i32 to index
        %get3A_453 = arith.constant 48 : index
        %get3A_454 = tpu.vector_load %arg7[%get3A_452, %get3A_453] {strides = array<i32>} : memref<200x64xf32, #tpu.memory_space<vmem>>, vector<1x16xf32>,
        %get3A_455 = vector.shape_cast %get3A_454 : vector<1x16xf32> to vector<16xf32>
        %swap3A_456 = arith.index_cast %scan3A_424 : i32 to index
        %swap3A_457 = arith.constant 48 : index
        %swap3A_458 = tpu.vector_load %arg9[%swap3A_456, %swap3A_457] {strides = array<i32>} : memref<200x64xf32, #tpu.memory_space<vmem>>, vector<1x16xf32>,
        %swap3A_459 = vector.shape_cast %swap3A_458 : vector<1x16xf32> to vector<16xf32>
        %swap3A_460 = vector.shape_cast %get3A_455 : vector<16xf32> to vector<1x16xf32>
        tpu.vector_store %arg9[%swap3A_456, %swap3A_457], %swap3A_460 {add = true, strides = array<i32>} : memref<200x64xf32, #tpu.memory_space<vmem>>, vector<1x16xf32>,
        %scan3A_461 = arith.constant 5 : i32
        %scan3A_462 = arith.addi %scan3A_274, %scan3A_461 : i32
        %get3A_463 = arith.index_cast %scan3A_462 : i32 to index
        %get3A_464 = arith.constant 0 : index
        %get3A_465 = tpu.vector_load %arg7[%get3A_463, %get3A_464] {strides = array<i32>} : memref<200x64xf32, #tpu.memory_space<vmem>>, vector<1x16xf32>,
        %get3A_466 = vector.shape_cast %get3A_465 : vector<1x16xf32> to vector<16xf32>
        %swap3A_467 = arith.index_cast %scan3A_462 : i32 to index
        %swap3A_468 = arith.constant 0 : index
        %swap3A_469 = tpu.vector_load %arg9[%swap3A_467, %swap3A_468] {strides = array<i32>} : memref<200x64xf32, #tpu.memory_space<vmem>>, vector<1x16xf32>,
        %swap3A_470 = vector.shape_cast %swap3A_469 : vector<1x16xf32> to vector<16xf32>
        %swap3A_471 = vector.shape_cast %get3A_466 : vector<16xf32> to vector<1x16xf32>
        tpu.vector_store %arg9[%swap3A_467, %swap3A_468], %swap3A_471 {add = true, strides = array<i32>} : memref<200x64xf32, #tpu.memory_space<vmem>>, vector<1x16xf32>,
        %get3A_472 = arith.index_cast %scan3A_462 : i32 to index
        %get3A_473 = arith.constant 16 : index
        %get3A_474 = tpu.vector_load %arg7[%get3A_472, %get3A_473] {strides = array<i32>} : memref<200x64xf32, #tpu.memory_space<vmem>>, vector<1x16xf32>,
        %get3A_475 = vector.shape_cast %get3A_474 : vector<1x16xf32> to vector<16xf32>
        %swap3A_476 = arith.index_cast %scan3A_462 : i32 to index
        %swap3A_477 = arith.constant 16 : index
        %swap3A_478 = tpu.vector_load %arg9[%swap3A_476, %swap3A_477] {strides = array<i32>} : memref<200x64xf32, #tpu.memory_space<vmem>>, vector<1x16xf32>,
        %swap3A_479 = vector.shape_cast %swap3A_478 : vector<1x16xf32> to vector<16xf32>
        %swap3A_480 = vector.shape_cast %get3A_475 : vector<16xf32> to vector<1x16xf32>
        tpu.vector_store %arg9[%swap3A_476, %swap3A_477], %swap3A_480 {add = true, strides = array<i32>} : memref<200x64xf32, #tpu.memory_space<vmem>>, vector<1x16xf32>,
        %get3A_481 = arith.index_cast %scan3A_462 : i32 to index
        %get3A_482 = arith.constant 32 : index
        %get3A_483 = tpu.vector_load %arg7[%get3A_481, %get3A_482] {strides = array<i32>} : memref<200x64xf32, #tpu.memory_space<vmem>>, vector<1x16xf32>,
        %get3A_484 = vector.shape_cast %get3A_483 : vector<1x16xf32> to vector<16xf32>
        %swap3A_485 = arith.index_cast %scan3A_462 : i32 to index
        %swap3A_486 = arith.constant 32 : index
        %swap3A_487 = tpu.vector_load %arg9[%swap3A_485, %swap3A_486] {strides = array<i32>} : memref<200x64xf32, #tpu.memory_space<vmem>>, vector<1x16xf32>,
        %swap3A_488 = vector.shape_cast %swap3A_487 : vector<1x16xf32> to vector<16xf32>
        %swap3A_489 = vector.shape_cast %get3A_484 : vector<16xf32> to vector<1x16xf32>
        tpu.vector_store %arg9[%swap3A_485, %swap3A_486], %swap3A_489 {add = true, strides = array<i32>} : memref<200x64xf32, #tpu.memory_space<vmem>>, vector<1x16xf32>,
        %get3A_490 = arith.index_cast %scan3A_462 : i32 to index
        %get3A_491 = arith.constant 48 : index
        %get3A_492 = tpu.vector_load %arg7[%get3A_490, %get3A_491] {strides = array<i32>} : memref<200x64xf32, #tpu.memory_space<vmem>>, vector<1x16xf32>,
        %get3A_493 = vector.shape_cast %get3A_492 : vector<1x16xf32> to vector<16xf32>
        %swap3A_494 = arith.index_cast %scan3A_462 : i32 to index
        %swap3A_495 = arith.constant 48 : index
        %swap3A_496 = tpu.vector_load %arg9[%swap3A_494, %swap3A_495] {strides = array<i32>} : memref<200x64xf32, #tpu.memory_space<vmem>>, vector<1x16xf32>,
        %swap3A_497 = vector.shape_cast %swap3A_496 : vector<1x16xf32> to vector<16xf32>
        %swap3A_498 = vector.shape_cast %get3A_493 : vector<16xf32> to vector<1x16xf32>
        tpu.vector_store %arg9[%swap3A_494, %swap3A_495], %swap3A_498 {add = true, strides = array<i32>} : memref<200x64xf32, #tpu.memory_space<vmem>>, vector<1x16xf32>,
        %scan3A_499 = arith.constant 6 : i32
        %scan3A_500 = arith.addi %scan3A_274, %scan3A_499 : i32
        %get3A_501 = arith.index_cast %scan3A_500 : i32 to index
        %get3A_502 = arith.constant 0 : index
        %get3A_503 = tpu.vector_load %arg7[%get3A_501, %get3A_502] {strides = array<i32>} : memref<200x64xf32, #tpu.memory_space<vmem>>, vector<1x16xf32>,
        %get3A_504 = vector.shape_cast %get3A_503 : vector<1x16xf32> to vector<16xf32>
        %swap3A_505 = arith.index_cast %scan3A_500 : i32 to index
        %swap3A_506 = arith.constant 0 : index
        %swap3A_507 = tpu.vector_load %arg9[%swap3A_505, %swap3A_506] {strides = array<i32>} : memref<200x64xf32, #tpu.memory_space<vmem>>, vector<1x16xf32>,
        %swap3A_508 = vector.shape_cast %swap3A_507 : vector<1x16xf32> to vector<16xf32>
        %swap3A_509 = vector.shape_cast %get3A_504 : vector<16xf32> to vector<1x16xf32>
        tpu.vector_store %arg9[%swap3A_505, %swap3A_506], %swap3A_509 {add = true, strides = array<i32>} : memref<200x64xf32, #tpu.memory_space<vmem>>, vector<1x16xf32>,
        %get3A_510 = arith.index_cast %scan3A_500 : i32 to index
        %get3A_511 = arith.constant 16 : index
        %get3A_512 = tpu.vector_load %arg7[%get3A_510, %get3A_511] {strides = array<i32>} : memref<200x64xf32, #tpu.memory_space<vmem>>, vector<1x16xf32>,
        %get3A_513 = vector.shape_cast %get3A_512 : vector<1x16xf32> to vector<16xf32>
        %swap3A_514 = arith.index_cast %scan3A_500 : i32 to index
        %swap3A_515 = arith.constant 16 : index
        %swap3A_516 = tpu.vector_load %arg9[%swap3A_514, %swap3A_515] {strides = array<i32>} : memref<200x64xf32, #tpu.memory_space<vmem>>, vector<1x16xf32>,
        %swap3A_517 = vector.shape_cast %swap3A_516 : vector<1x16xf32> to vector<16xf32>
        %swap3A_518 = vector.shape_cast %get3A_513 : vector<16xf32> to vector<1x16xf32>
        tpu.vector_store %arg9[%swap3A_514, %swap3A_515], %swap3A_518 {add = true, strides = array<i32>} : memref<200x64xf32, #tpu.memory_space<vmem>>, vector<1x16xf32>,
        %get3A_519 = arith.index_cast %scan3A_500 : i32 to index
        %get3A_520 = arith.constant 32 : index
        %get3A_521 = tpu.vector_load %arg7[%get3A_519, %get3A_520] {strides = array<i32>} : memref<200x64xf32, #tpu.memory_space<vmem>>, vector<1x16xf32>,
        %get3A_522 = vector.shape_cast %get3A_521 : vector<1x16xf32> to vector<16xf32>
        %swap3A_523 = arith.index_cast %scan3A_500 : i32 to index
        %swap3A_524 = arith.constant 32 : index
        %swap3A_525 = tpu.vector_load %arg9[%swap3A_523, %swap3A_524] {strides = array<i32>} : memref<200x64xf32, #tpu.memory_space<vmem>>, vector<1x16xf32>,
        %swap3A_526 = vector.shape_cast %swap3A_525 : vector<1x16xf32> to vector<16xf32>
        %swap3A_527 = vector.shape_cast %get3A_522 : vector<16xf32> to vector<1x16xf32>
        tpu.vector_store %arg9[%swap3A_523, %swap3A_524], %swap3A_527 {add = true, strides = array<i32>} : memref<200x64xf32, #tpu.memory_space<vmem>>, vector<1x16xf32>,
        %get3A_528 = arith.index_cast %scan3A_500 : i32 to index
        %get3A_529 = arith.constant 48 : index
        %get3A_530 = tpu.vector_load %arg7[%get3A_528, %get3A_529] {strides = array<i32>} : memref<200x64xf32, #tpu.memory_space<vmem>>, vector<1x16xf32>,
        %get3A_531 = vector.shape_cast %get3A_530 : vector<1x16xf32> to vector<16xf32>
        %swap3A_532 = arith.index_cast %scan3A_500 : i32 to index
        %swap3A_533 = arith.constant 48 : index
        %swap3A_534 = tpu.vector_load %arg9[%swap3A_532, %swap3A_533] {strides = array<i32>} : memref<200x64xf32, #tpu.memory_space<vmem>>, vector<1x16xf32>,
        %swap3A_535 = vector.shape_cast %swap3A_534 : vector<1x16xf32> to vector<16xf32>
        %swap3A_536 = vector.shape_cast %get3A_531 : vector<16xf32> to vector<1x16xf32>
        tpu.vector_store %arg9[%swap3A_532, %swap3A_533], %swap3A_536 {add = true, strides = array<i32>} : memref<200x64xf32, #tpu.memory_space<vmem>>, vector<1x16xf32>,
        %scan3A_537 = arith.constant 7 : i32
        %scan3A_538 = arith.addi %scan3A_274, %scan3A_537 : i32
        %get3A_539 = arith.index_cast %scan3A_538 : i32 to index
        %get3A_540 = arith.constant 0 : index
        %get3A_541 = tpu.vector_load %arg7[%get3A_539, %get3A_540] {strides = array<i32>} : memref<200x64xf32, #tpu.memory_space<vmem>>, vector<1x16xf32>,
        %get3A_542 = vector.shape_cast %get3A_541 : vector<1x16xf32> to vector<16xf32>
        %swap3A_543 = arith.index_cast %scan3A_538 : i32 to index
        %swap3A_544 = arith.constant 0 : index
        %swap3A_545 = tpu.vector_load %arg9[%swap3A_543, %swap3A_544] {strides = array<i32>} : memref<200x64xf32, #tpu.memory_space<vmem>>, vector<1x16xf32>,
        %swap3A_546 = vector.shape_cast %swap3A_545 : vector<1x16xf32> to vector<16xf32>
        %swap3A_547 = vector.shape_cast %get3A_542 : vector<16xf32> to vector<1x16xf32>
        tpu.vector_store %arg9[%swap3A_543, %swap3A_544], %swap3A_547 {add = true, strides = array<i32>} : memref<200x64xf32, #tpu.memory_space<vmem>>, vector<1x16xf32>,
        %get3A_548 = arith.index_cast %scan3A_538 : i32 to index
        %get3A_549 = arith.constant 16 : index
        %get3A_550 = tpu.vector_load %arg7[%get3A_548, %get3A_549] {strides = array<i32>} : memref<200x64xf32, #tpu.memory_space<vmem>>, vector<1x16xf32>,
        %get3A_551 = vector.shape_cast %get3A_550 : vector<1x16xf32> to vector<16xf32>
        %swap3A_552 = arith.index_cast %scan3A_538 : i32 to index
        %swap3A_553 = arith.constant 16 : index
        %swap3A_554 = tpu.vector_load %arg9[%swap3A_552, %swap3A_553] {strides = array<i32>} : memref<200x64xf32, #tpu.memory_space<vmem>>, vector<1x16xf32>,
        %swap3A_555 = vector.shape_cast %swap3A_554 : vector<1x16xf32> to vector<16xf32>
        %swap3A_556 = vector.shape_cast %get3A_551 : vector<16xf32> to vector<1x16xf32>
        tpu.vector_store %arg9[%swap3A_552, %swap3A_553], %swap3A_556 {add = true, strides = array<i32>} : memref<200x64xf32, #tpu.memory_space<vmem>>, vector<1x16xf32>,
        %get3A_557 = arith.index_cast %scan3A_538 : i32 to index
        %get3A_558 = arith.constant 32 : index
        %get3A_559 = tpu.vector_load %arg7[%get3A_557, %get3A_558] {strides = array<i32>} : memref<200x64xf32, #tpu.memory_space<vmem>>, vector<1x16xf32>,
        %get3A_560 = vector.shape_cast %get3A_559 : vector<1x16xf32> to vector<16xf32>
        %swap3A_561 = arith.index_cast %scan3A_538 : i32 to index
        %swap3A_562 = arith.constant 32 : index
        %swap3A_563 = tpu.vector_load %arg9[%swap3A_561, %swap3A_562] {strides = array<i32>} : memref<200x64xf32, #tpu.memory_space<vmem>>, vector<1x16xf32>,
        %swap3A_564 = vector.shape_cast %swap3A_563 : vector<1x16xf32> to vector<16xf32>
        %swap3A_565 = vector.shape_cast %get3A_560 : vector<16xf32> to vector<1x16xf32>
        tpu.vector_store %arg9[%swap3A_561, %swap3A_562], %swap3A_565 {add = true, strides = array<i32>} : memref<200x64xf32, #tpu.memory_space<vmem>>, vector<1x16xf32>,
        %get3A_566 = arith.index_cast %scan3A_538 : i32 to index
        %get3A_567 = arith.constant 48 : index
        %get3A_568 = tpu.vector_load %arg7[%get3A_566, %get3A_567] {strides = array<i32>} : memref<200x64xf32, #tpu.memory_space<vmem>>, vector<1x16xf32>,
        %get3A_569 = vector.shape_cast %get3A_568 : vector<1x16xf32> to vector<16xf32>
        %swap3A_570 = arith.index_cast %scan3A_538 : i32 to index
        %swap3A_571 = arith.constant 48 : index
        %swap3A_572 = tpu.vector_load %arg9[%swap3A_570, %swap3A_571] {strides = array<i32>} : memref<200x64xf32, #tpu.memory_space<vmem>>, vector<1x16xf32>,
        %swap3A_573 = vector.shape_cast %swap3A_572 : vector<1x16xf32> to vector<16xf32>
        %swap3A_574 = vector.shape_cast %get3A_569 : vector<16xf32> to vector<1x16xf32>
        tpu.vector_store %arg9[%swap3A_570, %swap3A_571], %swap3A_574 {add = true, strides = array<i32>} : memref<200x64xf32, #tpu.memory_space<vmem>>, vector<1x16xf32>,
      }
      %scan3A_168 = arith.constant 200 : i32
      %mul3A_169 = arith.constant 32 : i32
      %mul3A_170 = arith.muli %add3A, %mul3A_169 : i32
      %add3A_171 = arith.addi %mul3A_170, %add3A_133 : i32
      %mul3A_172 = arith.constant 200 : i32
      %mul3A_173 = arith.muli %add3A_171, %mul3A_172 : i32
      %dma_start3A_174 = arith.constant 0 : i32
      %dma_start3A_175 = tpu.memref_slice %arg5[%mul3A_173, %dma_start3A_174] : memref<204800x64xf32, #tpu.memory_space<hbm>> -> memref<200x64xf32, #tpu.memory_space<hbm>>
      %dma_start3A_176 = arith.constant 0 : i32
      %dma_start3A_177 = tpu.memref_slice %arg5[%mul3A_173, %dma_start3A_176] : memref<204800x64xf32, #tpu.memory_space<hbm>> -> memref<200x64xf32, #tpu.memory_space<hbm>>
      tpu.enqueue_dma source(%arg9 : memref<200x64xf32, #tpu.memory_space<vmem>>) target(%dma_start3A_177 : memref<200x64xf32, #tpu.memory_space<hbm>>) target_semaphore(%arg17 : memref<!tpu.dma_semaphore, #tpu.memory_space<semaphore_mem>>)
      %mul3A_178 = arith.constant 4 : i32
      %mul3A_179 = arith.muli %scan3A_84, %mul3A_178 : i32
      %add3A_180 = arith.constant 2 : i32
      %add3A_181 = arith.addi %mul3A_179, %add3A_180 : i32
      %add3A_182 = arith.constant 2 : i32
      %add3A_183 = arith.addi %add3A_181, %add3A_182 : i32
      %lt3A_184 = arith.constant 32 : i32
      %lt3A_185 = arith.cmpi slt, %add3A_183, %lt3A_184 : i32
      %convert_element_type3A_186 = arith.extui %lt3A_185 : i1 to i32
      %cond3A_187 = arith.constant 0 : i32
      %cond3A_188 = arith.cmpi ne, %convert_element_type3A_186, %cond3A_187 : i32
      scf.if %cond3A_188 {
        %ge3A = arith.constant 4 : i32
        %ge3A_274 = arith.cmpi sge, %add3A_183, %ge3A : i32
        %convert_element_type3A_275 = arith.extui %ge3A_274 : i1 to i32
        %cond3A_276 = arith.constant 0 : i32
        %cond3A_277 = arith.cmpi ne, %convert_element_type3A_275, %cond3A_276 : i32
        scf.if %cond3A_277 {
          %sub3A = arith.constant 4 : i32
          %sub3A_300 = arith.subi %add3A_183, %sub3A : i32
          %mul3A_301 = arith.constant 32 : i32
          %mul3A_302 = arith.muli %add3A, %mul3A_301 : i32
          %add3A_303 = arith.addi %mul3A_302, %sub3A_300 : i32
          %mul3A_304 = arith.constant 200 : i32
          %mul3A_305 = arith.muli %add3A_303, %mul3A_304 : i32
          %dma_wait3A_306 = arith.constant 0 : i32
          %dma_wait3A_307 = tpu.memref_slice %arg5[%mul3A_305, %dma_wait3A_306] : memref<204800x64xf32, #tpu.memory_space<hbm>> -> memref<200x64xf32, #tpu.memory_space<hbm>>
          %dma_wait3A_308 = arith.constant 0 : i32
          %dma_wait3A_309 = tpu.memref_slice %arg5[%mul3A_305, %dma_wait3A_308] : memref<204800x64xf32, #tpu.memory_space<hbm>> -> memref<200x64xf32, #tpu.memory_space<hbm>>
          tpu.wait_dma2 semaphore(%arg16 : memref<!tpu.dma_semaphore, #tpu.memory_space<semaphore_mem>>) src(%arg8 : memref<200x64xf32, #tpu.memory_space<vmem>>) dst(%dma_wait3A_309 : memref<200x64xf32, #tpu.memory_space<hbm>>)
        } else {
        }
        %mul3A_278 = arith.constant 2 : i32
        %mul3A_279 = arith.muli %add3A_183, %mul3A_278 : i32
        %add3A_280 = arith.constant 1 : i32
        %add3A_281 = arith.addi %mul3A_279, %add3A_280 : i32
        %dma_start3A_282 = arith.constant 0 : i32
        %dma_start3A_283 = arith.constant 0 : i32
        %dma_start3A_284 = tpu.memref_slice %arg8[%dma_start3A_282, %dma_start3A_283] : memref<200x64xf32, #tpu.memory_space<vmem>> -> memref<100x64xf32, #tpu.memory_space<vmem>>
        %dma_start3A_285 = arith.constant 0 : i32
        %dma_start3A_286 = tpu.memref_slice %arg6[%mul3A_279, %dma_start3A_285] : memref<64x100xi32, #tpu.memory_space<vmem>> -> memref<1x100xi32, #tpu.memory_space<vmem>>
        %dma_start3A_287 = tpu.memref_squeeze %dma_start3A_286 : memref<1x100xi32, #tpu.memory_space<vmem>> -> memref<100xi32, #tpu.memory_space<vmem>>
        %dma_start3A_288 = arith.constant 0 : i32
        %dma_start3A_289 = arith.constant 0 : i32
        %dma_start3A_290 = tpu.memref_slice %arg4[%dma_start3A_288, %dma_start3A_289] : memref<1000000x64xf32, #tpu.memory_space<hbm>> -> memref<1000000x64xf32, #tpu.memory_space<hbm>>
        tpu.enqueue_indirect_dma source(%dma_start3A_290 : memref<1000000x64xf32, #tpu.memory_space<hbm>>) target(%dma_start3A_284 : memref<100x64xf32, #tpu.memory_space<vmem>>) offsets(%dma_start3A_287 : memref<100xi32, #tpu.memory_space<vmem>>) semaphore(%arg12 : memref<!tpu.dma_semaphore, #tpu.memory_space<semaphore_mem>>)
        %dma_start3A_291 = arith.constant 100 : i32
        %dma_start3A_292 = arith.constant 0 : i32
        %dma_start3A_293 = tpu.memref_slice %arg8[%dma_start3A_291, %dma_start3A_292] : memref<200x64xf32, #tpu.memory_space<vmem>> -> memref<100x64xf32, #tpu.memory_space<vmem>>
        %dma_start3A_294 = arith.constant 0 : i32
        %dma_start3A_295 = tpu.memref_slice %arg6[%add3A_281, %dma_start3A_294] : memref<64x100xi32, #tpu.memory_space<vmem>> -> memref<1x100xi32, #tpu.memory_space<vmem>>
        %dma_start3A_296 = tpu.memref_squeeze %dma_start3A_295 : memref<1x100xi32, #tpu.memory_space<vmem>> -> memref<100xi32, #tpu.memory_space<vmem>>
        %dma_start3A_297 = arith.constant 0 : i32
        %dma_start3A_298 = arith.constant 0 : i32
        %dma_start3A_299 = tpu.memref_slice %arg4[%dma_start3A_297, %dma_start3A_298] : memref<1000000x64xf32, #tpu.memory_space<hbm>> -> memref<1000000x64xf32, #tpu.memory_space<hbm>>
        tpu.enqueue_indirect_dma source(%dma_start3A_299 : memref<1000000x64xf32, #tpu.memory_space<hbm>>) target(%dma_start3A_293 : memref<100x64xf32, #tpu.memory_space<vmem>>) offsets(%dma_start3A_296 : memref<100xi32, #tpu.memory_space<vmem>>) semaphore(%arg12 : memref<!tpu.dma_semaphore, #tpu.memory_space<semaphore_mem>>)
      } else {
      }
      %mul3A_189 = arith.constant 2 : i32
      %mul3A_190 = arith.muli %add3A_181, %mul3A_189 : i32
      %add3A_191 = arith.constant 1 : i32
      %add3A_192 = arith.addi %mul3A_190, %add3A_191 : i32
      %dma_wait3A_193 = arith.constant 0 : i32
      %dma_wait3A_194 = arith.constant 0 : i32
      %dma_wait3A_195 = tpu.memref_slice %arg10[%dma_wait3A_193, %dma_wait3A_194] : memref<200x64xf32, #tpu.memory_space<vmem>> -> memref<100x64xf32, #tpu.memory_space<vmem>>
      %dma_wait3A_196 = arith.constant 0 : i32
      %dma_wait3A_197 = tpu.memref_slice %arg6[%mul3A_190, %dma_wait3A_196] : memref<64x100xi32, #tpu.memory_space<vmem>> -> memref<1x100xi32, #tpu.memory_space<vmem>>
      %dma_wait3A_198 = tpu.memref_squeeze %dma_wait3A_197 : memref<1x100xi32, #tpu.memory_space<vmem>> -> memref<100xi32, #tpu.memory_space<vmem>>
      %dma_wait3A_199 = arith.constant 0 : i32
      %dma_wait3A_200 = arith.constant 0 : i32
      %dma_wait3A_201 = tpu.memref_slice %arg4[%dma_wait3A_199, %dma_wait3A_200] : memref<1000000x64xf32, #tpu.memory_space<hbm>> -> memref<1000000x64xf32, #tpu.memory_space<hbm>>
      tpu.wait_indirect_dma semaphore(%arg14 : memref<!tpu.dma_semaphore, #tpu.memory_space<semaphore_mem>>) src(%dma_wait3A_201 : memref<1000000x64xf32, #tpu.memory_space<hbm>>) dst(%dma_wait3A_195 : memref<100x64xf32, #tpu.memory_space<vmem>>)
      %dma_wait3A_202 = arith.constant 100 : i32
      %dma_wait3A_203 = arith.constant 0 : i32
      %dma_wait3A_204 = tpu.memref_slice %arg10[%dma_wait3A_202, %dma_wait3A_203] : memref<200x64xf32, #tpu.memory_space<vmem>> -> memref<100x64xf32, #tpu.memory_space<vmem>>
      %dma_wait3A_205 = arith.constant 0 : i32
      %dma_wait3A_206 = tpu.memref_slice %arg6[%add3A_192, %dma_wait3A_205] : memref<64x100xi32, #tpu.memory_space<vmem>> -> memref<1x100xi32, #tpu.memory_space<vmem>>
      %dma_wait3A_207 = tpu.memref_squeeze %dma_wait3A_206 : memref<1x100xi32, #tpu.memory_space<vmem>> -> memref<100xi32, #tpu.memory_space<vmem>>
      %dma_wait3A_208 = arith.constant 0 : i32
      %dma_wait3A_209 = arith.constant 0 : i32
      %dma_wait3A_210 = tpu.memref_slice %arg4[%dma_wait3A_208, %dma_wait3A_209] : memref<1000000x64xf32, #tpu.memory_space<hbm>> -> memref<1000000x64xf32, #tpu.memory_space<hbm>>
      tpu.wait_indirect_dma semaphore(%arg14 : memref<!tpu.dma_semaphore, #tpu.memory_space<semaphore_mem>>) src(%dma_wait3A_210 : memref<1000000x64xf32, #tpu.memory_space<hbm>>) dst(%dma_wait3A_204 : memref<100x64xf32, #tpu.memory_space<vmem>>)
      %scan3A_211 = arith.constant 0 : i32
      %scan3A_212 = arith.constant 0 : i32
      %scan3A_213 = arith.constant 200 : i32
      %scan3A_214 = arith.addi %scan3A_212, %scan3A_213 : i32
      %scan3A_215 = arith.constant 8 : i32
      scf.for %scan3A_274 = %scan3A_212 to %scan3A_214 step %scan3A_215  : i32 {
        %get3A = arith.index_cast %scan3A_274 : i32 to index
        %get3A_275 = arith.constant 0 : index
        %get3A_276 = tpu.vector_load %arg7[%get3A, %get3A_275] {strides = array<i32>} : memref<200x64xf32, #tpu.memory_space<vmem>>, vector<1x16xf32>,
        %get3A_277 = vector.shape_cast %get3A_276 : vector<1x16xf32> to vector<16xf32>
        %swap3A = arith.index_cast %scan3A_274 : i32 to index
        %swap3A_278 = arith.constant 0 : index
        %swap3A_279 = tpu.vector_load %arg10[%swap3A, %swap3A_278] {strides = array<i32>} : memref<200x64xf32, #tpu.memory_space<vmem>>, vector<1x16xf32>,
        %swap3A_280 = vector.shape_cast %swap3A_279 : vector<1x16xf32> to vector<16xf32>
        %swap3A_281 = vector.shape_cast %get3A_277 : vector<16xf32> to vector<1x16xf32>
        tpu.vector_store %arg10[%swap3A, %swap3A_278], %swap3A_281 {add = true, strides = array<i32>} : memref<200x64xf32, #tpu.memory_space<vmem>>, vector<1x16xf32>,
        %get3A_282 = arith.index_cast %scan3A_274 : i32 to index
        %get3A_283 = arith.constant 16 : index
        %get3A_284 = tpu.vector_load %arg7[%get3A_282, %get3A_283] {strides = array<i32>} : memref<200x64xf32, #tpu.memory_space<vmem>>, vector<1x16xf32>,
        %get3A_285 = vector.shape_cast %get3A_284 : vector<1x16xf32> to vector<16xf32>
        %swap3A_286 = arith.index_cast %scan3A_274 : i32 to index
        %swap3A_287 = arith.constant 16 : index
        %swap3A_288 = tpu.vector_load %arg10[%swap3A_286, %swap3A_287] {strides = array<i32>} : memref<200x64xf32, #tpu.memory_space<vmem>>, vector<1x16xf32>,
        %swap3A_289 = vector.shape_cast %swap3A_288 : vector<1x16xf32> to vector<16xf32>
        %swap3A_290 = vector.shape_cast %get3A_285 : vector<16xf32> to vector<1x16xf32>
        tpu.vector_store %arg10[%swap3A_286, %swap3A_287], %swap3A_290 {add = true, strides = array<i32>} : memref<200x64xf32, #tpu.memory_space<vmem>>, vector<1x16xf32>,
        %get3A_291 = arith.index_cast %scan3A_274 : i32 to index
        %get3A_292 = arith.constant 32 : index
        %get3A_293 = tpu.vector_load %arg7[%get3A_291, %get3A_292] {strides = array<i32>} : memref<200x64xf32, #tpu.memory_space<vmem>>, vector<1x16xf32>,
        %get3A_294 = vector.shape_cast %get3A_293 : vector<1x16xf32> to vector<16xf32>
        %swap3A_295 = arith.index_cast %scan3A_274 : i32 to index
        %swap3A_296 = arith.constant 32 : index
        %swap3A_297 = tpu.vector_load %arg10[%swap3A_295, %swap3A_296] {strides = array<i32>} : memref<200x64xf32, #tpu.memory_space<vmem>>, vector<1x16xf32>,
        %swap3A_298 = vector.shape_cast %swap3A_297 : vector<1x16xf32> to vector<16xf32>
        %swap3A_299 = vector.shape_cast %get3A_294 : vector<16xf32> to vector<1x16xf32>
        tpu.vector_store %arg10[%swap3A_295, %swap3A_296], %swap3A_299 {add = true, strides = array<i32>} : memref<200x64xf32, #tpu.memory_space<vmem>>, vector<1x16xf32>,
        %get3A_300 = arith.index_cast %scan3A_274 : i32 to index
        %get3A_301 = arith.constant 48 : index
        %get3A_302 = tpu.vector_load %arg7[%get3A_300, %get3A_301] {strides = array<i32>} : memref<200x64xf32, #tpu.memory_space<vmem>>, vector<1x16xf32>,
        %get3A_303 = vector.shape_cast %get3A_302 : vector<1x16xf32> to vector<16xf32>
        %swap3A_304 = arith.index_cast %scan3A_274 : i32 to index
        %swap3A_305 = arith.constant 48 : index
        %swap3A_306 = tpu.vector_load %arg10[%swap3A_304, %swap3A_305] {strides = array<i32>} : memref<200x64xf32, #tpu.memory_space<vmem>>, vector<1x16xf32>,
        %swap3A_307 = vector.shape_cast %swap3A_306 : vector<1x16xf32> to vector<16xf32>
        %swap3A_308 = vector.shape_cast %get3A_303 : vector<16xf32> to vector<1x16xf32>
        tpu.vector_store %arg10[%swap3A_304, %swap3A_305], %swap3A_308 {add = true, strides = array<i32>} : memref<200x64xf32, #tpu.memory_space<vmem>>, vector<1x16xf32>,
        %scan3A_309 = arith.constant 1 : i32
        %scan3A_310 = arith.addi %scan3A_274, %scan3A_309 : i32
        %get3A_311 = arith.index_cast %scan3A_310 : i32 to index
        %get3A_312 = arith.constant 0 : index
        %get3A_313 = tpu.vector_load %arg7[%get3A_311, %get3A_312] {strides = array<i32>} : memref<200x64xf32, #tpu.memory_space<vmem>>, vector<1x16xf32>,
        %get3A_314 = vector.shape_cast %get3A_313 : vector<1x16xf32> to vector<16xf32>
        %swap3A_315 = arith.index_cast %scan3A_310 : i32 to index
        %swap3A_316 = arith.constant 0 : index
        %swap3A_317 = tpu.vector_load %arg10[%swap3A_315, %swap3A_316] {strides = array<i32>} : memref<200x64xf32, #tpu.memory_space<vmem>>, vector<1x16xf32>,
        %swap3A_318 = vector.shape_cast %swap3A_317 : vector<1x16xf32> to vector<16xf32>
        %swap3A_319 = vector.shape_cast %get3A_314 : vector<16xf32> to vector<1x16xf32>
        tpu.vector_store %arg10[%swap3A_315, %swap3A_316], %swap3A_319 {add = true, strides = array<i32>} : memref<200x64xf32, #tpu.memory_space<vmem>>, vector<1x16xf32>,
        %get3A_320 = arith.index_cast %scan3A_310 : i32 to index
        %get3A_321 = arith.constant 16 : index
        %get3A_322 = tpu.vector_load %arg7[%get3A_320, %get3A_321] {strides = array<i32>} : memref<200x64xf32, #tpu.memory_space<vmem>>, vector<1x16xf32>,
        %get3A_323 = vector.shape_cast %get3A_322 : vector<1x16xf32> to vector<16xf32>
        %swap3A_324 = arith.index_cast %scan3A_310 : i32 to index
        %swap3A_325 = arith.constant 16 : index
        %swap3A_326 = tpu.vector_load %arg10[%swap3A_324, %swap3A_325] {strides = array<i32>} : memref<200x64xf32, #tpu.memory_space<vmem>>, vector<1x16xf32>,
        %swap3A_327 = vector.shape_cast %swap3A_326 : vector<1x16xf32> to vector<16xf32>
        %swap3A_328 = vector.shape_cast %get3A_323 : vector<16xf32> to vector<1x16xf32>
        tpu.vector_store %arg10[%swap3A_324, %swap3A_325], %swap3A_328 {add = true, strides = array<i32>} : memref<200x64xf32, #tpu.memory_space<vmem>>, vector<1x16xf32>,
        %get3A_329 = arith.index_cast %scan3A_310 : i32 to index
        %get3A_330 = arith.constant 32 : index
        %get3A_331 = tpu.vector_load %arg7[%get3A_329, %get3A_330] {strides = array<i32>} : memref<200x64xf32, #tpu.memory_space<vmem>>, vector<1x16xf32>,
        %get3A_332 = vector.shape_cast %get3A_331 : vector<1x16xf32> to vector<16xf32>
        %swap3A_333 = arith.index_cast %scan3A_310 : i32 to index
        %swap3A_334 = arith.constant 32 : index
        %swap3A_335 = tpu.vector_load %arg10[%swap3A_333, %swap3A_334] {strides = array<i32>} : memref<200x64xf32, #tpu.memory_space<vmem>>, vector<1x16xf32>,
        %swap3A_336 = vector.shape_cast %swap3A_335 : vector<1x16xf32> to vector<16xf32>
        %swap3A_337 = vector.shape_cast %get3A_332 : vector<16xf32> to vector<1x16xf32>
        tpu.vector_store %arg10[%swap3A_333, %swap3A_334], %swap3A_337 {add = true, strides = array<i32>} : memref<200x64xf32, #tpu.memory_space<vmem>>, vector<1x16xf32>,
        %get3A_338 = arith.index_cast %scan3A_310 : i32 to index
        %get3A_339 = arith.constant 48 : index
        %get3A_340 = tpu.vector_load %arg7[%get3A_338, %get3A_339] {strides = array<i32>} : memref<200x64xf32, #tpu.memory_space<vmem>>, vector<1x16xf32>,
        %get3A_341 = vector.shape_cast %get3A_340 : vector<1x16xf32> to vector<16xf32>
        %swap3A_342 = arith.index_cast %scan3A_310 : i32 to index
        %swap3A_343 = arith.constant 48 : index
        %swap3A_344 = tpu.vector_load %arg10[%swap3A_342, %swap3A_343] {strides = array<i32>} : memref<200x64xf32, #tpu.memory_space<vmem>>, vector<1x16xf32>,
        %swap3A_345 = vector.shape_cast %swap3A_344 : vector<1x16xf32> to vector<16xf32>
        %swap3A_346 = vector.shape_cast %get3A_341 : vector<16xf32> to vector<1x16xf32>
        tpu.vector_store %arg10[%swap3A_342, %swap3A_343], %swap3A_346 {add = true, strides = array<i32>} : memref<200x64xf32, #tpu.memory_space<vmem>>, vector<1x16xf32>,
        %scan3A_347 = arith.constant 2 : i32
        %scan3A_348 = arith.addi %scan3A_274, %scan3A_347 : i32
        %get3A_349 = arith.index_cast %scan3A_348 : i32 to index
        %get3A_350 = arith.constant 0 : index
        %get3A_351 = tpu.vector_load %arg7[%get3A_349, %get3A_350] {strides = array<i32>} : memref<200x64xf32, #tpu.memory_space<vmem>>, vector<1x16xf32>,
        %get3A_352 = vector.shape_cast %get3A_351 : vector<1x16xf32> to vector<16xf32>
        %swap3A_353 = arith.index_cast %scan3A_348 : i32 to index
        %swap3A_354 = arith.constant 0 : index
        %swap3A_355 = tpu.vector_load %arg10[%swap3A_353, %swap3A_354] {strides = array<i32>} : memref<200x64xf32, #tpu.memory_space<vmem>>, vector<1x16xf32>,
        %swap3A_356 = vector.shape_cast %swap3A_355 : vector<1x16xf32> to vector<16xf32>
        %swap3A_357 = vector.shape_cast %get3A_352 : vector<16xf32> to vector<1x16xf32>
        tpu.vector_store %arg10[%swap3A_353, %swap3A_354], %swap3A_357 {add = true, strides = array<i32>} : memref<200x64xf32, #tpu.memory_space<vmem>>, vector<1x16xf32>,
        %get3A_358 = arith.index_cast %scan3A_348 : i32 to index
        %get3A_359 = arith.constant 16 : index
        %get3A_360 = tpu.vector_load %arg7[%get3A_358, %get3A_359] {strides = array<i32>} : memref<200x64xf32, #tpu.memory_space<vmem>>, vector<1x16xf32>,
        %get3A_361 = vector.shape_cast %get3A_360 : vector<1x16xf32> to vector<16xf32>
        %swap3A_362 = arith.index_cast %scan3A_348 : i32 to index
        %swap3A_363 = arith.constant 16 : index
        %swap3A_364 = tpu.vector_load %arg10[%swap3A_362, %swap3A_363] {strides = array<i32>} : memref<200x64xf32, #tpu.memory_space<vmem>>, vector<1x16xf32>,
        %swap3A_365 = vector.shape_cast %swap3A_364 : vector<1x16xf32> to vector<16xf32>
        %swap3A_366 = vector.shape_cast %get3A_361 : vector<16xf32> to vector<1x16xf32>
        tpu.vector_store %arg10[%swap3A_362, %swap3A_363], %swap3A_366 {add = true, strides = array<i32>} : memref<200x64xf32, #tpu.memory_space<vmem>>, vector<1x16xf32>,
        %get3A_367 = arith.index_cast %scan3A_348 : i32 to index
        %get3A_368 = arith.constant 32 : index
        %get3A_369 = tpu.vector_load %arg7[%get3A_367, %get3A_368] {strides = array<i32>} : memref<200x64xf32, #tpu.memory_space<vmem>>, vector<1x16xf32>,
        %get3A_370 = vector.shape_cast %get3A_369 : vector<1x16xf32> to vector<16xf32>
        %swap3A_371 = arith.index_cast %scan3A_348 : i32 to index
        %swap3A_372 = arith.constant 32 : index
        %swap3A_373 = tpu.vector_load %arg10[%swap3A_371, %swap3A_372] {strides = array<i32>} : memref<200x64xf32, #tpu.memory_space<vmem>>, vector<1x16xf32>,
        %swap3A_374 = vector.shape_cast %swap3A_373 : vector<1x16xf32> to vector<16xf32>
        %swap3A_375 = vector.shape_cast %get3A_370 : vector<16xf32> to vector<1x16xf32>
        tpu.vector_store %arg10[%swap3A_371, %swap3A_372], %swap3A_375 {add = true, strides = array<i32>} : memref<200x64xf32, #tpu.memory_space<vmem>>, vector<1x16xf32>,
        %get3A_376 = arith.index_cast %scan3A_348 : i32 to index
        %get3A_377 = arith.constant 48 : index
        %get3A_378 = tpu.vector_load %arg7[%get3A_376, %get3A_377] {strides = array<i32>} : memref<200x64xf32, #tpu.memory_space<vmem>>, vector<1x16xf32>,
        %get3A_379 = vector.shape_cast %get3A_378 : vector<1x16xf32> to vector<16xf32>
        %swap3A_380 = arith.index_cast %scan3A_348 : i32 to index
        %swap3A_381 = arith.constant 48 : index
        %swap3A_382 = tpu.vector_load %arg10[%swap3A_380, %swap3A_381] {strides = array<i32>} : memref<200x64xf32, #tpu.memory_space<vmem>>, vector<1x16xf32>,
        %swap3A_383 = vector.shape_cast %swap3A_382 : vector<1x16xf32> to vector<16xf32>
        %swap3A_384 = vector.shape_cast %get3A_379 : vector<16xf32> to vector<1x16xf32>
        tpu.vector_store %arg10[%swap3A_380, %swap3A_381], %swap3A_384 {add = true, strides = array<i32>} : memref<200x64xf32, #tpu.memory_space<vmem>>, vector<1x16xf32>,
        %scan3A_385 = arith.constant 3 : i32
        %scan3A_386 = arith.addi %scan3A_274, %scan3A_385 : i32
        %get3A_387 = arith.index_cast %scan3A_386 : i32 to index
        %get3A_388 = arith.constant 0 : index
        %get3A_389 = tpu.vector_load %arg7[%get3A_387, %get3A_388] {strides = array<i32>} : memref<200x64xf32, #tpu.memory_space<vmem>>, vector<1x16xf32>,
        %get3A_390 = vector.shape_cast %get3A_389 : vector<1x16xf32> to vector<16xf32>
        %swap3A_391 = arith.index_cast %scan3A_386 : i32 to index
        %swap3A_392 = arith.constant 0 : index
        %swap3A_393 = tpu.vector_load %arg10[%swap3A_391, %swap3A_392] {strides = array<i32>} : memref<200x64xf32, #tpu.memory_space<vmem>>, vector<1x16xf32>,
        %swap3A_394 = vector.shape_cast %swap3A_393 : vector<1x16xf32> to vector<16xf32>
        %swap3A_395 = vector.shape_cast %get3A_390 : vector<16xf32> to vector<1x16xf32>
        tpu.vector_store %arg10[%swap3A_391, %swap3A_392], %swap3A_395 {add = true, strides = array<i32>} : memref<200x64xf32, #tpu.memory_space<vmem>>, vector<1x16xf32>,
        %get3A_396 = arith.index_cast %scan3A_386 : i32 to index
        %get3A_397 = arith.constant 16 : index
        %get3A_398 = tpu.vector_load %arg7[%get3A_396, %get3A_397] {strides = array<i32>} : memref<200x64xf32, #tpu.memory_space<vmem>>, vector<1x16xf32>,
        %get3A_399 = vector.shape_cast %get3A_398 : vector<1x16xf32> to vector<16xf32>
        %swap3A_400 = arith.index_cast %scan3A_386 : i32 to index
        %swap3A_401 = arith.constant 16 : index
        %swap3A_402 = tpu.vector_load %arg10[%swap3A_400, %swap3A_401] {strides = array<i32>} : memref<200x64xf32, #tpu.memory_space<vmem>>, vector<1x16xf32>,
        %swap3A_403 = vector.shape_cast %swap3A_402 : vector<1x16xf32> to vector<16xf32>
        %swap3A_404 = vector.shape_cast %get3A_399 : vector<16xf32> to vector<1x16xf32>
        tpu.vector_store %arg10[%swap3A_400, %swap3A_401], %swap3A_404 {add = true, strides = array<i32>} : memref<200x64xf32, #tpu.memory_space<vmem>>, vector<1x16xf32>,
        %get3A_405 = arith.index_cast %scan3A_386 : i32 to index
        %get3A_406 = arith.constant 32 : index
        %get3A_407 = tpu.vector_load %arg7[%get3A_405, %get3A_406] {strides = array<i32>} : memref<200x64xf32, #tpu.memory_space<vmem>>, vector<1x16xf32>,
        %get3A_408 = vector.shape_cast %get3A_407 : vector<1x16xf32> to vector<16xf32>
        %swap3A_409 = arith.index_cast %scan3A_386 : i32 to index
        %swap3A_410 = arith.constant 32 : index
        %swap3A_411 = tpu.vector_load %arg10[%swap3A_409, %swap3A_410] {strides = array<i32>} : memref<200x64xf32, #tpu.memory_space<vmem>>, vector<1x16xf32>,
        %swap3A_412 = vector.shape_cast %swap3A_411 : vector<1x16xf32> to vector<16xf32>
        %swap3A_413 = vector.shape_cast %get3A_408 : vector<16xf32> to vector<1x16xf32>
        tpu.vector_store %arg10[%swap3A_409, %swap3A_410], %swap3A_413 {add = true, strides = array<i32>} : memref<200x64xf32, #tpu.memory_space<vmem>>, vector<1x16xf32>,
        %get3A_414 = arith.index_cast %scan3A_386 : i32 to index
        %get3A_415 = arith.constant 48 : index
        %get3A_416 = tpu.vector_load %arg7[%get3A_414, %get3A_415] {strides = array<i32>} : memref<200x64xf32, #tpu.memory_space<vmem>>, vector<1x16xf32>,
        %get3A_417 = vector.shape_cast %get3A_416 : vector<1x16xf32> to vector<16xf32>
        %swap3A_418 = arith.index_cast %scan3A_386 : i32 to index
        %swap3A_419 = arith.constant 48 : index
        %swap3A_420 = tpu.vector_load %arg10[%swap3A_418, %swap3A_419] {strides = array<i32>} : memref<200x64xf32, #tpu.memory_space<vmem>>, vector<1x16xf32>,
        %swap3A_421 = vector.shape_cast %swap3A_420 : vector<1x16xf32> to vector<16xf32>
        %swap3A_422 = vector.shape_cast %get3A_417 : vector<16xf32> to vector<1x16xf32>
        tpu.vector_store %arg10[%swap3A_418, %swap3A_419], %swap3A_422 {add = true, strides = array<i32>} : memref<200x64xf32, #tpu.memory_space<vmem>>, vector<1x16xf32>,
        %scan3A_423 = arith.constant 4 : i32
        %scan3A_424 = arith.addi %scan3A_274, %scan3A_423 : i32
        %get3A_425 = arith.index_cast %scan3A_424 : i32 to index
        %get3A_426 = arith.constant 0 : index
        %get3A_427 = tpu.vector_load %arg7[%get3A_425, %get3A_426] {strides = array<i32>} : memref<200x64xf32, #tpu.memory_space<vmem>>, vector<1x16xf32>,
        %get3A_428 = vector.shape_cast %get3A_427 : vector<1x16xf32> to vector<16xf32>
        %swap3A_429 = arith.index_cast %scan3A_424 : i32 to index
        %swap3A_430 = arith.constant 0 : index
        %swap3A_431 = tpu.vector_load %arg10[%swap3A_429, %swap3A_430] {strides = array<i32>} : memref<200x64xf32, #tpu.memory_space<vmem>>, vector<1x16xf32>,
        %swap3A_432 = vector.shape_cast %swap3A_431 : vector<1x16xf32> to vector<16xf32>
        %swap3A_433 = vector.shape_cast %get3A_428 : vector<16xf32> to vector<1x16xf32>
        tpu.vector_store %arg10[%swap3A_429, %swap3A_430], %swap3A_433 {add = true, strides = array<i32>} : memref<200x64xf32, #tpu.memory_space<vmem>>, vector<1x16xf32>,
        %get3A_434 = arith.index_cast %scan3A_424 : i32 to index
        %get3A_435 = arith.constant 16 : index
        %get3A_436 = tpu.vector_load %arg7[%get3A_434, %get3A_435] {strides = array<i32>} : memref<200x64xf32, #tpu.memory_space<vmem>>, vector<1x16xf32>,
        %get3A_437 = vector.shape_cast %get3A_436 : vector<1x16xf32> to vector<16xf32>
        %swap3A_438 = arith.index_cast %scan3A_424 : i32 to index
        %swap3A_439 = arith.constant 16 : index
        %swap3A_440 = tpu.vector_load %arg10[%swap3A_438, %swap3A_439] {strides = array<i32>} : memref<200x64xf32, #tpu.memory_space<vmem>>, vector<1x16xf32>,
        %swap3A_441 = vector.shape_cast %swap3A_440 : vector<1x16xf32> to vector<16xf32>
        %swap3A_442 = vector.shape_cast %get3A_437 : vector<16xf32> to vector<1x16xf32>
        tpu.vector_store %arg10[%swap3A_438, %swap3A_439], %swap3A_442 {add = true, strides = array<i32>} : memref<200x64xf32, #tpu.memory_space<vmem>>, vector<1x16xf32>,
        %get3A_443 = arith.index_cast %scan3A_424 : i32 to index
        %get3A_444 = arith.constant 32 : index
        %get3A_445 = tpu.vector_load %arg7[%get3A_443, %get3A_444] {strides = array<i32>} : memref<200x64xf32, #tpu.memory_space<vmem>>, vector<1x16xf32>,
        %get3A_446 = vector.shape_cast %get3A_445 : vector<1x16xf32> to vector<16xf32>
        %swap3A_447 = arith.index_cast %scan3A_424 : i32 to index
        %swap3A_448 = arith.constant 32 : index
        %swap3A_449 = tpu.vector_load %arg10[%swap3A_447, %swap3A_448] {strides = array<i32>} : memref<200x64xf32, #tpu.memory_space<vmem>>, vector<1x16xf32>,
        %swap3A_450 = vector.shape_cast %swap3A_449 : vector<1x16xf32> to vector<16xf32>
        %swap3A_451 = vector.shape_cast %get3A_446 : vector<16xf32> to vector<1x16xf32>
        tpu.vector_store %arg10[%swap3A_447, %swap3A_448], %swap3A_451 {add = true, strides = array<i32>} : memref<200x64xf32, #tpu.memory_space<vmem>>, vector<1x16xf32>,
        %get3A_452 = arith.index_cast %scan3A_424 : i32 to index
        %get3A_453 = arith.constant 48 : index
        %get3A_454 = tpu.vector_load %arg7[%get3A_452, %get3A_453] {strides = array<i32>} : memref<200x64xf32, #tpu.memory_space<vmem>>, vector<1x16xf32>,
        %get3A_455 = vector.shape_cast %get3A_454 : vector<1x16xf32> to vector<16xf32>
        %swap3A_456 = arith.index_cast %scan3A_424 : i32 to index
        %swap3A_457 = arith.constant 48 : index
        %swap3A_458 = tpu.vector_load %arg10[%swap3A_456, %swap3A_457] {strides = array<i32>} : memref<200x64xf32, #tpu.memory_space<vmem>>, vector<1x16xf32>,
        %swap3A_459 = vector.shape_cast %swap3A_458 : vector<1x16xf32> to vector<16xf32>
        %swap3A_460 = vector.shape_cast %get3A_455 : vector<16xf32> to vector<1x16xf32>
        tpu.vector_store %arg10[%swap3A_456, %swap3A_457], %swap3A_460 {add = true, strides = array<i32>} : memref<200x64xf32, #tpu.memory_space<vmem>>, vector<1x16xf32>,
        %scan3A_461 = arith.constant 5 : i32
        %scan3A_462 = arith.addi %scan3A_274, %scan3A_461 : i32
        %get3A_463 = arith.index_cast %scan3A_462 : i32 to index
        %get3A_464 = arith.constant 0 : index
        %get3A_465 = tpu.vector_load %arg7[%get3A_463, %get3A_464] {strides = array<i32>} : memref<200x64xf32, #tpu.memory_space<vmem>>, vector<1x16xf32>,
        %get3A_466 = vector.shape_cast %get3A_465 : vector<1x16xf32> to vector<16xf32>
        %swap3A_467 = arith.index_cast %scan3A_462 : i32 to index
        %swap3A_468 = arith.constant 0 : index
        %swap3A_469 = tpu.vector_load %arg10[%swap3A_467, %swap3A_468] {strides = array<i32>} : memref<200x64xf32, #tpu.memory_space<vmem>>, vector<1x16xf32>,
        %swap3A_470 = vector.shape_cast %swap3A_469 : vector<1x16xf32> to vector<16xf32>
        %swap3A_471 = vector.shape_cast %get3A_466 : vector<16xf32> to vector<1x16xf32>
        tpu.vector_store %arg10[%swap3A_467, %swap3A_468], %swap3A_471 {add = true, strides = array<i32>} : memref<200x64xf32, #tpu.memory_space<vmem>>, vector<1x16xf32>,
        %get3A_472 = arith.index_cast %scan3A_462 : i32 to index
        %get3A_473 = arith.constant 16 : index
        %get3A_474 = tpu.vector_load %arg7[%get3A_472, %get3A_473] {strides = array<i32>} : memref<200x64xf32, #tpu.memory_space<vmem>>, vector<1x16xf32>,
        %get3A_475 = vector.shape_cast %get3A_474 : vector<1x16xf32> to vector<16xf32>
        %swap3A_476 = arith.index_cast %scan3A_462 : i32 to index
        %swap3A_477 = arith.constant 16 : index
        %swap3A_478 = tpu.vector_load %arg10[%swap3A_476, %swap3A_477] {strides = array<i32>} : memref<200x64xf32, #tpu.memory_space<vmem>>, vector<1x16xf32>,
        %swap3A_479 = vector.shape_cast %swap3A_478 : vector<1x16xf32> to vector<16xf32>
        %swap3A_480 = vector.shape_cast %get3A_475 : vector<16xf32> to vector<1x16xf32>
        tpu.vector_store %arg10[%swap3A_476, %swap3A_477], %swap3A_480 {add = true, strides = array<i32>} : memref<200x64xf32, #tpu.memory_space<vmem>>, vector<1x16xf32>,
        %get3A_481 = arith.index_cast %scan3A_462 : i32 to index
        %get3A_482 = arith.constant 32 : index
        %get3A_483 = tpu.vector_load %arg7[%get3A_481, %get3A_482] {strides = array<i32>} : memref<200x64xf32, #tpu.memory_space<vmem>>, vector<1x16xf32>,
        %get3A_484 = vector.shape_cast %get3A_483 : vector<1x16xf32> to vector<16xf32>
        %swap3A_485 = arith.index_cast %scan3A_462 : i32 to index
        %swap3A_486 = arith.constant 32 : index
        %swap3A_487 = tpu.vector_load %arg10[%swap3A_485, %swap3A_486] {strides = array<i32>} : memref<200x64xf32, #tpu.memory_space<vmem>>, vector<1x16xf32>,
        %swap3A_488 = vector.shape_cast %swap3A_487 : vector<1x16xf32> to vector<16xf32>
        %swap3A_489 = vector.shape_cast %get3A_484 : vector<16xf32> to vector<1x16xf32>
        tpu.vector_store %arg10[%swap3A_485, %swap3A_486], %swap3A_489 {add = true, strides = array<i32>} : memref<200x64xf32, #tpu.memory_space<vmem>>, vector<1x16xf32>,
        %get3A_490 = arith.index_cast %scan3A_462 : i32 to index
        %get3A_491 = arith.constant 48 : index
        %get3A_492 = tpu.vector_load %arg7[%get3A_490, %get3A_491] {strides = array<i32>} : memref<200x64xf32, #tpu.memory_space<vmem>>, vector<1x16xf32>,
        %get3A_493 = vector.shape_cast %get3A_492 : vector<1x16xf32> to vector<16xf32>
        %swap3A_494 = arith.index_cast %scan3A_462 : i32 to index
        %swap3A_495 = arith.constant 48 : index
        %swap3A_496 = tpu.vector_load %arg10[%swap3A_494, %swap3A_495] {strides = array<i32>} : memref<200x64xf32, #tpu.memory_space<vmem>>, vector<1x16xf32>,
        %swap3A_497 = vector.shape_cast %swap3A_496 : vector<1x16xf32> to vector<16xf32>
        %swap3A_498 = vector.shape_cast %get3A_493 : vector<16xf32> to vector<1x16xf32>
        tpu.vector_store %arg10[%swap3A_494, %swap3A_495], %swap3A_498 {add = true, strides = array<i32>} : memref<200x64xf32, #tpu.memory_space<vmem>>, vector<1x16xf32>,
        %scan3A_499 = arith.constant 6 : i32
        %scan3A_500 = arith.addi %scan3A_274, %scan3A_499 : i32
        %get3A_501 = arith.index_cast %scan3A_500 : i32 to index
        %get3A_502 = arith.constant 0 : index
        %get3A_503 = tpu.vector_load %arg7[%get3A_501, %get3A_502] {strides = array<i32>} : memref<200x64xf32, #tpu.memory_space<vmem>>, vector<1x16xf32>,
        %get3A_504 = vector.shape_cast %get3A_503 : vector<1x16xf32> to vector<16xf32>
        %swap3A_505 = arith.index_cast %scan3A_500 : i32 to index
        %swap3A_506 = arith.constant 0 : index
        %swap3A_507 = tpu.vector_load %arg10[%swap3A_505, %swap3A_506] {strides = array<i32>} : memref<200x64xf32, #tpu.memory_space<vmem>>, vector<1x16xf32>,
        %swap3A_508 = vector.shape_cast %swap3A_507 : vector<1x16xf32> to vector<16xf32>
        %swap3A_509 = vector.shape_cast %get3A_504 : vector<16xf32> to vector<1x16xf32>
        tpu.vector_store %arg10[%swap3A_505, %swap3A_506], %swap3A_509 {add = true, strides = array<i32>} : memref<200x64xf32, #tpu.memory_space<vmem>>, vector<1x16xf32>,
        %get3A_510 = arith.index_cast %scan3A_500 : i32 to index
        %get3A_511 = arith.constant 16 : index
        %get3A_512 = tpu.vector_load %arg7[%get3A_510, %get3A_511] {strides = array<i32>} : memref<200x64xf32, #tpu.memory_space<vmem>>, vector<1x16xf32>,
        %get3A_513 = vector.shape_cast %get3A_512 : vector<1x16xf32> to vector<16xf32>
        %swap3A_514 = arith.index_cast %scan3A_500 : i32 to index
        %swap3A_515 = arith.constant 16 : index
        %swap3A_516 = tpu.vector_load %arg10[%swap3A_514, %swap3A_515] {strides = array<i32>} : memref<200x64xf32, #tpu.memory_space<vmem>>, vector<1x16xf32>,
        %swap3A_517 = vector.shape_cast %swap3A_516 : vector<1x16xf32> to vector<16xf32>
        %swap3A_518 = vector.shape_cast %get3A_513 : vector<16xf32> to vector<1x16xf32>
        tpu.vector_store %arg10[%swap3A_514, %swap3A_515], %swap3A_518 {add = true, strides = array<i32>} : memref<200x64xf32, #tpu.memory_space<vmem>>, vector<1x16xf32>,
        %get3A_519 = arith.index_cast %scan3A_500 : i32 to index
        %get3A_520 = arith.constant 32 : index
        %get3A_521 = tpu.vector_load %arg7[%get3A_519, %get3A_520] {strides = array<i32>} : memref<200x64xf32, #tpu.memory_space<vmem>>, vector<1x16xf32>,
        %get3A_522 = vector.shape_cast %get3A_521 : vector<1x16xf32> to vector<16xf32>
        %swap3A_523 = arith.index_cast %scan3A_500 : i32 to index
        %swap3A_524 = arith.constant 32 : index
        %swap3A_525 = tpu.vector_load %arg10[%swap3A_523, %swap3A_524] {strides = array<i32>} : memref<200x64xf32, #tpu.memory_space<vmem>>, vector<1x16xf32>,
        %swap3A_526 = vector.shape_cast %swap3A_525 : vector<1x16xf32> to vector<16xf32>
        %swap3A_527 = vector.shape_cast %get3A_522 : vector<16xf32> to vector<1x16xf32>
        tpu.vector_store %arg10[%swap3A_523, %swap3A_524], %swap3A_527 {add = true, strides = array<i32>} : memref<200x64xf32, #tpu.memory_space<vmem>>, vector<1x16xf32>,
        %get3A_528 = arith.index_cast %scan3A_500 : i32 to index
        %get3A_529 = arith.constant 48 : index
        %get3A_530 = tpu.vector_load %arg7[%get3A_528, %get3A_529] {strides = array<i32>} : memref<200x64xf32, #tpu.memory_space<vmem>>, vector<1x16xf32>,
        %get3A_531 = vector.shape_cast %get3A_530 : vector<1x16xf32> to vector<16xf32>
        %swap3A_532 = arith.index_cast %scan3A_500 : i32 to index
        %swap3A_533 = arith.constant 48 : index
        %swap3A_534 = tpu.vector_load %arg10[%swap3A_532, %swap3A_533] {strides = array<i32>} : memref<200x64xf32, #tpu.memory_space<vmem>>, vector<1x16xf32>,
        %swap3A_535 = vector.shape_cast %swap3A_534 : vector<1x16xf32> to vector<16xf32>
        %swap3A_536 = vector.shape_cast %get3A_531 : vector<16xf32> to vector<1x16xf32>
        tpu.vector_store %arg10[%swap3A_532, %swap3A_533], %swap3A_536 {add = true, strides = array<i32>} : memref<200x64xf32, #tpu.memory_space<vmem>>, vector<1x16xf32>,
        %scan3A_537 = arith.constant 7 : i32
        %scan3A_538 = arith.addi %scan3A_274, %scan3A_537 : i32
        %get3A_539 = arith.index_cast %scan3A_538 : i32 to index
        %get3A_540 = arith.constant 0 : index
        %get3A_541 = tpu.vector_load %arg7[%get3A_539, %get3A_540] {strides = array<i32>} : memref<200x64xf32, #tpu.memory_space<vmem>>, vector<1x16xf32>,
        %get3A_542 = vector.shape_cast %get3A_541 : vector<1x16xf32> to vector<16xf32>
        %swap3A_543 = arith.index_cast %scan3A_538 : i32 to index
        %swap3A_544 = arith.constant 0 : index
        %swap3A_545 = tpu.vector_load %arg10[%swap3A_543, %swap3A_544] {strides = array<i32>} : memref<200x64xf32, #tpu.memory_space<vmem>>, vector<1x16xf32>,
        %swap3A_546 = vector.shape_cast %swap3A_545 : vector<1x16xf32> to vector<16xf32>
        %swap3A_547 = vector.shape_cast %get3A_542 : vector<16xf32> to vector<1x16xf32>
        tpu.vector_store %arg10[%swap3A_543, %swap3A_544], %swap3A_547 {add = true, strides = array<i32>} : memref<200x64xf32, #tpu.memory_space<vmem>>, vector<1x16xf32>,
        %get3A_548 = arith.index_cast %scan3A_538 : i32 to index
        %get3A_549 = arith.constant 16 : index
        %get3A_550 = tpu.vector_load %arg7[%get3A_548, %get3A_549] {strides = array<i32>} : memref<200x64xf32, #tpu.memory_space<vmem>>, vector<1x16xf32>,
        %get3A_551 = vector.shape_cast %get3A_550 : vector<1x16xf32> to vector<16xf32>
        %swap3A_552 = arith.index_cast %scan3A_538 : i32 to index
        %swap3A_553 = arith.constant 16 : index
        %swap3A_554 = tpu.vector_load %arg10[%swap3A_552, %swap3A_553] {strides = array<i32>} : memref<200x64xf32, #tpu.memory_space<vmem>>, vector<1x16xf32>,
        %swap3A_555 = vector.shape_cast %swap3A_554 : vector<1x16xf32> to vector<16xf32>
        %swap3A_556 = vector.shape_cast %get3A_551 : vector<16xf32> to vector<1x16xf32>
        tpu.vector_store %arg10[%swap3A_552, %swap3A_553], %swap3A_556 {add = true, strides = array<i32>} : memref<200x64xf32, #tpu.memory_space<vmem>>, vector<1x16xf32>,
        %get3A_557 = arith.index_cast %scan3A_538 : i32 to index
        %get3A_558 = arith.constant 32 : index
        %get3A_559 = tpu.vector_load %arg7[%get3A_557, %get3A_558] {strides = array<i32>} : memref<200x64xf32, #tpu.memory_space<vmem>>, vector<1x16xf32>,
        %get3A_560 = vector.shape_cast %get3A_559 : vector<1x16xf32> to vector<16xf32>
        %swap3A_561 = arith.index_cast %scan3A_538 : i32 to index
        %swap3A_562 = arith.constant 32 : index
        %swap3A_563 = tpu.vector_load %arg10[%swap3A_561, %swap3A_562] {strides = array<i32>} : memref<200x64xf32, #tpu.memory_space<vmem>>, vector<1x16xf32>,
        %swap3A_564 = vector.shape_cast %swap3A_563 : vector<1x16xf32> to vector<16xf32>
        %swap3A_565 = vector.shape_cast %get3A_560 : vector<16xf32> to vector<1x16xf32>
        tpu.vector_store %arg10[%swap3A_561, %swap3A_562], %swap3A_565 {add = true, strides = array<i32>} : memref<200x64xf32, #tpu.memory_space<vmem>>, vector<1x16xf32>,
        %get3A_566 = arith.index_cast %scan3A_538 : i32 to index
        %get3A_567 = arith.constant 48 : index
        %get3A_568 = tpu.vector_load %arg7[%get3A_566, %get3A_567] {strides = array<i32>} : memref<200x64xf32, #tpu.memory_space<vmem>>, vector<1x16xf32>,
        %get3A_569 = vector.shape_cast %get3A_568 : vector<1x16xf32> to vector<16xf32>
        %swap3A_570 = arith.index_cast %scan3A_538 : i32 to index
        %swap3A_571 = arith.constant 48 : index
        %swap3A_572 = tpu.vector_load %arg10[%swap3A_570, %swap3A_571] {strides = array<i32>} : memref<200x64xf32, #tpu.memory_space<vmem>>, vector<1x16xf32>,
        %swap3A_573 = vector.shape_cast %swap3A_572 : vector<1x16xf32> to vector<16xf32>
        %swap3A_574 = vector.shape_cast %get3A_569 : vector<16xf32> to vector<1x16xf32>
        tpu.vector_store %arg10[%swap3A_570, %swap3A_571], %swap3A_574 {add = true, strides = array<i32>} : memref<200x64xf32, #tpu.memory_space<vmem>>, vector<1x16xf32>,
      }
      %scan3A_216 = arith.constant 200 : i32
      %mul3A_217 = arith.constant 32 : i32
      %mul3A_218 = arith.muli %add3A, %mul3A_217 : i32
      %add3A_219 = arith.addi %mul3A_218, %add3A_181 : i32
      %mul3A_220 = arith.constant 200 : i32
      %mul3A_221 = arith.muli %add3A_219, %mul3A_220 : i32
      %dma_start3A_222 = arith.constant 0 : i32
      %dma_start3A_223 = tpu.memref_slice %arg5[%mul3A_221, %dma_start3A_222] : memref<204800x64xf32, #tpu.memory_space<hbm>> -> memref<200x64xf32, #tpu.memory_space<hbm>>
      %dma_start3A_224 = arith.constant 0 : i32
      %dma_start3A_225 = tpu.memref_slice %arg5[%mul3A_221, %dma_start3A_224] : memref<204800x64xf32, #tpu.memory_space<hbm>> -> memref<200x64xf32, #tpu.memory_space<hbm>>
      tpu.enqueue_dma source(%arg10 : memref<200x64xf32, #tpu.memory_space<vmem>>) target(%dma_start3A_225 : memref<200x64xf32, #tpu.memory_space<hbm>>) target_semaphore(%arg18 : memref<!tpu.dma_semaphore, #tpu.memory_space<semaphore_mem>>)
      %mul3A_226 = arith.constant 4 : i32
      %mul3A_227 = arith.muli %scan3A_84, %mul3A_226 : i32
      %add3A_228 = arith.constant 3 : i32
      %add3A_229 = arith.addi %mul3A_227, %add3A_228 : i32
      %add3A_230 = arith.constant 2 : i32
      %add3A_231 = arith.addi %add3A_229, %add3A_230 : i32
      %lt3A_232 = arith.constant 32 : i32
      %lt3A_233 = arith.cmpi slt, %add3A_231, %lt3A_232 : i32
      %convert_element_type3A_234 = arith.extui %lt3A_233 : i1 to i32
      %cond3A_235 = arith.constant 0 : i32
      %cond3A_236 = arith.cmpi ne, %convert_element_type3A_234, %cond3A_235 : i32
      scf.if %cond3A_236 {
        %ge3A = arith.constant 4 : i32
        %ge3A_274 = arith.cmpi sge, %add3A_231, %ge3A : i32
        %convert_element_type3A_275 = arith.extui %ge3A_274 : i1 to i32
        %cond3A_276 = arith.constant 0 : i32
        %cond3A_277 = arith.cmpi ne, %convert_element_type3A_275, %cond3A_276 : i32
        scf.if %cond3A_277 {
          %sub3A = arith.constant 4 : i32
          %sub3A_300 = arith.subi %add3A_231, %sub3A : i32
          %mul3A_301 = arith.constant 32 : i32
          %mul3A_302 = arith.muli %add3A, %mul3A_301 : i32
          %add3A_303 = arith.addi %mul3A_302, %sub3A_300 : i32
          %mul3A_304 = arith.constant 200 : i32
          %mul3A_305 = arith.muli %add3A_303, %mul3A_304 : i32
          %dma_wait3A_306 = arith.constant 0 : i32
          %dma_wait3A_307 = tpu.memref_slice %arg5[%mul3A_305, %dma_wait3A_306] : memref<204800x64xf32, #tpu.memory_space<hbm>> -> memref<200x64xf32, #tpu.memory_space<hbm>>
          %dma_wait3A_308 = arith.constant 0 : i32
          %dma_wait3A_309 = tpu.memref_slice %arg5[%mul3A_305, %dma_wait3A_308] : memref<204800x64xf32, #tpu.memory_space<hbm>> -> memref<200x64xf32, #tpu.memory_space<hbm>>
          tpu.wait_dma2 semaphore(%arg17 : memref<!tpu.dma_semaphore, #tpu.memory_space<semaphore_mem>>) src(%arg9 : memref<200x64xf32, #tpu.memory_space<vmem>>) dst(%dma_wait3A_309 : memref<200x64xf32, #tpu.memory_space<hbm>>)
        } else {
        }
        %mul3A_278 = arith.constant 2 : i32
        %mul3A_279 = arith.muli %add3A_231, %mul3A_278 : i32
        %add3A_280 = arith.constant 1 : i32
        %add3A_281 = arith.addi %mul3A_279, %add3A_280 : i32
        %dma_start3A_282 = arith.constant 0 : i32
        %dma_start3A_283 = arith.constant 0 : i32
        %dma_start3A_284 = tpu.memref_slice %arg9[%dma_start3A_282, %dma_start3A_283] : memref<200x64xf32, #tpu.memory_space<vmem>> -> memref<100x64xf32, #tpu.memory_space<vmem>>
        %dma_start3A_285 = arith.constant 0 : i32
        %dma_start3A_286 = tpu.memref_slice %arg6[%mul3A_279, %dma_start3A_285] : memref<64x100xi32, #tpu.memory_space<vmem>> -> memref<1x100xi32, #tpu.memory_space<vmem>>
        %dma_start3A_287 = tpu.memref_squeeze %dma_start3A_286 : memref<1x100xi32, #tpu.memory_space<vmem>> -> memref<100xi32, #tpu.memory_space<vmem>>
        %dma_start3A_288 = arith.constant 0 : i32
        %dma_start3A_289 = arith.constant 0 : i32
        %dma_start3A_290 = tpu.memref_slice %arg4[%dma_start3A_288, %dma_start3A_289] : memref<1000000x64xf32, #tpu.memory_space<hbm>> -> memref<1000000x64xf32, #tpu.memory_space<hbm>>
        tpu.enqueue_indirect_dma source(%dma_start3A_290 : memref<1000000x64xf32, #tpu.memory_space<hbm>>) target(%dma_start3A_284 : memref<100x64xf32, #tpu.memory_space<vmem>>) offsets(%dma_start3A_287 : memref<100xi32, #tpu.memory_space<vmem>>) semaphore(%arg13 : memref<!tpu.dma_semaphore, #tpu.memory_space<semaphore_mem>>)
        %dma_start3A_291 = arith.constant 100 : i32
        %dma_start3A_292 = arith.constant 0 : i32
        %dma_start3A_293 = tpu.memref_slice %arg9[%dma_start3A_291, %dma_start3A_292] : memref<200x64xf32, #tpu.memory_space<vmem>> -> memref<100x64xf32, #tpu.memory_space<vmem>>
        %dma_start3A_294 = arith.constant 0 : i32
        %dma_start3A_295 = tpu.memref_slice %arg6[%add3A_281, %dma_start3A_294] : memref<64x100xi32, #tpu.memory_space<vmem>> -> memref<1x100xi32, #tpu.memory_space<vmem>>
        %dma_start3A_296 = tpu.memref_squeeze %dma_start3A_295 : memref<1x100xi32, #tpu.memory_space<vmem>> -> memref<100xi32, #tpu.memory_space<vmem>>
        %dma_start3A_297 = arith.constant 0 : i32
        %dma_start3A_298 = arith.constant 0 : i32
        %dma_start3A_299 = tpu.memref_slice %arg4[%dma_start3A_297, %dma_start3A_298] : memref<1000000x64xf32, #tpu.memory_space<hbm>> -> memref<1000000x64xf32, #tpu.memory_space<hbm>>
        tpu.enqueue_indirect_dma source(%dma_start3A_299 : memref<1000000x64xf32, #tpu.memory_space<hbm>>) target(%dma_start3A_293 : memref<100x64xf32, #tpu.memory_space<vmem>>) offsets(%dma_start3A_296 : memref<100xi32, #tpu.memory_space<vmem>>) semaphore(%arg13 : memref<!tpu.dma_semaphore, #tpu.memory_space<semaphore_mem>>)
      } else {
      }
      %mul3A_237 = arith.constant 2 : i32
      %mul3A_238 = arith.muli %add3A_229, %mul3A_237 : i32
      %add3A_239 = arith.constant 1 : i32
      %add3A_240 = arith.addi %mul3A_238, %add3A_239 : i32
      %dma_wait3A_241 = arith.constant 0 : i32
      %dma_wait3A_242 = arith.constant 0 : i32
      %dma_wait3A_243 = tpu.memref_slice %arg11[%dma_wait3A_241, %dma_wait3A_242] : memref<200x64xf32, #tpu.memory_space<vmem>> -> memref<100x64xf32, #tpu.memory_space<vmem>>
      %dma_wait3A_244 = arith.constant 0 : i32
      %dma_wait3A_245 = tpu.memref_slice %arg6[%mul3A_238, %dma_wait3A_244] : memref<64x100xi32, #tpu.memory_space<vmem>> -> memref<1x100xi32, #tpu.memory_space<vmem>>
      %dma_wait3A_246 = tpu.memref_squeeze %dma_wait3A_245 : memref<1x100xi32, #tpu.memory_space<vmem>> -> memref<100xi32, #tpu.memory_space<vmem>>
      %dma_wait3A_247 = arith.constant 0 : i32
      %dma_wait3A_248 = arith.constant 0 : i32
      %dma_wait3A_249 = tpu.memref_slice %arg4[%dma_wait3A_247, %dma_wait3A_248] : memref<1000000x64xf32, #tpu.memory_space<hbm>> -> memref<1000000x64xf32, #tpu.memory_space<hbm>>
      tpu.wait_indirect_dma semaphore(%arg15 : memref<!tpu.dma_semaphore, #tpu.memory_space<semaphore_mem>>) src(%dma_wait3A_249 : memref<1000000x64xf32, #tpu.memory_space<hbm>>) dst(%dma_wait3A_243 : memref<100x64xf32, #tpu.memory_space<vmem>>)
      %dma_wait3A_250 = arith.constant 100 : i32
      %dma_wait3A_251 = arith.constant 0 : i32
      %dma_wait3A_252 = tpu.memref_slice %arg11[%dma_wait3A_250, %dma_wait3A_251] : memref<200x64xf32, #tpu.memory_space<vmem>> -> memref<100x64xf32, #tpu.memory_space<vmem>>
      %dma_wait3A_253 = arith.constant 0 : i32
      %dma_wait3A_254 = tpu.memref_slice %arg6[%add3A_240, %dma_wait3A_253] : memref<64x100xi32, #tpu.memory_space<vmem>> -> memref<1x100xi32, #tpu.memory_space<vmem>>
      %dma_wait3A_255 = tpu.memref_squeeze %dma_wait3A_254 : memref<1x100xi32, #tpu.memory_space<vmem>> -> memref<100xi32, #tpu.memory_space<vmem>>
      %dma_wait3A_256 = arith.constant 0 : i32
      %dma_wait3A_257 = arith.constant 0 : i32
      %dma_wait3A_258 = tpu.memref_slice %arg4[%dma_wait3A_256, %dma_wait3A_257] : memref<1000000x64xf32, #tpu.memory_space<hbm>> -> memref<1000000x64xf32, #tpu.memory_space<hbm>>
      tpu.wait_indirect_dma semaphore(%arg15 : memref<!tpu.dma_semaphore, #tpu.memory_space<semaphore_mem>>) src(%dma_wait3A_258 : memref<1000000x64xf32, #tpu.memory_space<hbm>>) dst(%dma_wait3A_252 : memref<100x64xf32, #tpu.memory_space<vmem>>)
      %scan3A_259 = arith.constant 0 : i32
      %scan3A_260 = arith.constant 0 : i32
      %scan3A_261 = arith.constant 200 : i32
      %scan3A_262 = arith.addi %scan3A_260, %scan3A_261 : i32
      %scan3A_263 = arith.constant 8 : i32
      scf.for %scan3A_274 = %scan3A_260 to %scan3A_262 step %scan3A_263  : i32 {
        %get3A = arith.index_cast %scan3A_274 : i32 to index
        %get3A_275 = arith.constant 0 : index
        %get3A_276 = tpu.vector_load %arg7[%get3A, %get3A_275] {strides = array<i32>} : memref<200x64xf32, #tpu.memory_space<vmem>>, vector<1x16xf32>,
        %get3A_277 = vector.shape_cast %get3A_276 : vector<1x16xf32> to vector<16xf32>
        %swap3A = arith.index_cast %scan3A_274 : i32 to index
        %swap3A_278 = arith.constant 0 : index
        %swap3A_279 = tpu.vector_load %arg11[%swap3A, %swap3A_278] {strides = array<i32>} : memref<200x64xf32, #tpu.memory_space<vmem>>, vector<1x16xf32>,
        %swap3A_280 = vector.shape_cast %swap3A_279 : vector<1x16xf32> to vector<16xf32>
        %swap3A_281 = vector.shape_cast %get3A_277 : vector<16xf32> to vector<1x16xf32>
        tpu.vector_store %arg11[%swap3A, %swap3A_278], %swap3A_281 {add = true, strides = array<i32>} : memref<200x64xf32, #tpu.memory_space<vmem>>, vector<1x16xf32>,
        %get3A_282 = arith.index_cast %scan3A_274 : i32 to index
        %get3A_283 = arith.constant 16 : index
        %get3A_284 = tpu.vector_load %arg7[%get3A_282, %get3A_283] {strides = array<i32>} : memref<200x64xf32, #tpu.memory_space<vmem>>, vector<1x16xf32>,
        %get3A_285 = vector.shape_cast %get3A_284 : vector<1x16xf32> to vector<16xf32>
        %swap3A_286 = arith.index_cast %scan3A_274 : i32 to index
        %swap3A_287 = arith.constant 16 : index
        %swap3A_288 = tpu.vector_load %arg11[%swap3A_286, %swap3A_287] {strides = array<i32>} : memref<200x64xf32, #tpu.memory_space<vmem>>, vector<1x16xf32>,
        %swap3A_289 = vector.shape_cast %swap3A_288 : vector<1x16xf32> to vector<16xf32>
        %swap3A_290 = vector.shape_cast %get3A_285 : vector<16xf32> to vector<1x16xf32>
        tpu.vector_store %arg11[%swap3A_286, %swap3A_287], %swap3A_290 {add = true, strides = array<i32>} : memref<200x64xf32, #tpu.memory_space<vmem>>, vector<1x16xf32>,
        %get3A_291 = arith.index_cast %scan3A_274 : i32 to index
        %get3A_292 = arith.constant 32 : index
        %get3A_293 = tpu.vector_load %arg7[%get3A_291, %get3A_292] {strides = array<i32>} : memref<200x64xf32, #tpu.memory_space<vmem>>, vector<1x16xf32>,
        %get3A_294 = vector.shape_cast %get3A_293 : vector<1x16xf32> to vector<16xf32>
        %swap3A_295 = arith.index_cast %scan3A_274 : i32 to index
        %swap3A_296 = arith.constant 32 : index
        %swap3A_297 = tpu.vector_load %arg11[%swap3A_295, %swap3A_296] {strides = array<i32>} : memref<200x64xf32, #tpu.memory_space<vmem>>, vector<1x16xf32>,
        %swap3A_298 = vector.shape_cast %swap3A_297 : vector<1x16xf32> to vector<16xf32>
        %swap3A_299 = vector.shape_cast %get3A_294 : vector<16xf32> to vector<1x16xf32>
        tpu.vector_store %arg11[%swap3A_295, %swap3A_296], %swap3A_299 {add = true, strides = array<i32>} : memref<200x64xf32, #tpu.memory_space<vmem>>, vector<1x16xf32>,
        %get3A_300 = arith.index_cast %scan3A_274 : i32 to index
        %get3A_301 = arith.constant 48 : index
        %get3A_302 = tpu.vector_load %arg7[%get3A_300, %get3A_301] {strides = array<i32>} : memref<200x64xf32, #tpu.memory_space<vmem>>, vector<1x16xf32>,
        %get3A_303 = vector.shape_cast %get3A_302 : vector<1x16xf32> to vector<16xf32>
        %swap3A_304 = arith.index_cast %scan3A_274 : i32 to index
        %swap3A_305 = arith.constant 48 : index
        %swap3A_306 = tpu.vector_load %arg11[%swap3A_304, %swap3A_305] {strides = array<i32>} : memref<200x64xf32, #tpu.memory_space<vmem>>, vector<1x16xf32>,
        %swap3A_307 = vector.shape_cast %swap3A_306 : vector<1x16xf32> to vector<16xf32>
        %swap3A_308 = vector.shape_cast %get3A_303 : vector<16xf32> to vector<1x16xf32>
        tpu.vector_store %arg11[%swap3A_304, %swap3A_305], %swap3A_308 {add = true, strides = array<i32>} : memref<200x64xf32, #tpu.memory_space<vmem>>, vector<1x16xf32>,
        %scan3A_309 = arith.constant 1 : i32
        %scan3A_310 = arith.addi %scan3A_274, %scan3A_309 : i32
        %get3A_311 = arith.index_cast %scan3A_310 : i32 to index
        %get3A_312 = arith.constant 0 : index
        %get3A_313 = tpu.vector_load %arg7[%get3A_311, %get3A_312] {strides = array<i32>} : memref<200x64xf32, #tpu.memory_space<vmem>>, vector<1x16xf32>,
        %get3A_314 = vector.shape_cast %get3A_313 : vector<1x16xf32> to vector<16xf32>
        %swap3A_315 = arith.index_cast %scan3A_310 : i32 to index
        %swap3A_316 = arith.constant 0 : index
        %swap3A_317 = tpu.vector_load %arg11[%swap3A_315, %swap3A_316] {strides = array<i32>} : memref<200x64xf32, #tpu.memory_space<vmem>>, vector<1x16xf32>,
        %swap3A_318 = vector.shape_cast %swap3A_317 : vector<1x16xf32> to vector<16xf32>
        %swap3A_319 = vector.shape_cast %get3A_314 : vector<16xf32> to vector<1x16xf32>
        tpu.vector_store %arg11[%swap3A_315, %swap3A_316], %swap3A_319 {add = true, strides = array<i32>} : memref<200x64xf32, #tpu.memory_space<vmem>>, vector<1x16xf32>,
        %get3A_320 = arith.index_cast %scan3A_310 : i32 to index
        %get3A_321 = arith.constant 16 : index
        %get3A_322 = tpu.vector_load %arg7[%get3A_320, %get3A_321] {strides = array<i32>} : memref<200x64xf32, #tpu.memory_space<vmem>>, vector<1x16xf32>,
        %get3A_323 = vector.shape_cast %get3A_322 : vector<1x16xf32> to vector<16xf32>
        %swap3A_324 = arith.index_cast %scan3A_310 : i32 to index
        %swap3A_325 = arith.constant 16 : index
        %swap3A_326 = tpu.vector_load %arg11[%swap3A_324, %swap3A_325] {strides = array<i32>} : memref<200x64xf32, #tpu.memory_space<vmem>>, vector<1x16xf32>,
        %swap3A_327 = vector.shape_cast %swap3A_326 : vector<1x16xf32> to vector<16xf32>
        %swap3A_328 = vector.shape_cast %get3A_323 : vector<16xf32> to vector<1x16xf32>
        tpu.vector_store %arg11[%swap3A_324, %swap3A_325], %swap3A_328 {add = true, strides = array<i32>} : memref<200x64xf32, #tpu.memory_space<vmem>>, vector<1x16xf32>,
        %get3A_329 = arith.index_cast %scan3A_310 : i32 to index
        %get3A_330 = arith.constant 32 : index
        %get3A_331 = tpu.vector_load %arg7[%get3A_329, %get3A_330] {strides = array<i32>} : memref<200x64xf32, #tpu.memory_space<vmem>>, vector<1x16xf32>,
        %get3A_332 = vector.shape_cast %get3A_331 : vector<1x16xf32> to vector<16xf32>
        %swap3A_333 = arith.index_cast %scan3A_310 : i32 to index
        %swap3A_334 = arith.constant 32 : index
        %swap3A_335 = tpu.vector_load %arg11[%swap3A_333, %swap3A_334] {strides = array<i32>} : memref<200x64xf32, #tpu.memory_space<vmem>>, vector<1x16xf32>,
        %swap3A_336 = vector.shape_cast %swap3A_335 : vector<1x16xf32> to vector<16xf32>
        %swap3A_337 = vector.shape_cast %get3A_332 : vector<16xf32> to vector<1x16xf32>
        tpu.vector_store %arg11[%swap3A_333, %swap3A_334], %swap3A_337 {add = true, strides = array<i32>} : memref<200x64xf32, #tpu.memory_space<vmem>>, vector<1x16xf32>,
        %get3A_338 = arith.index_cast %scan3A_310 : i32 to index
        %get3A_339 = arith.constant 48 : index
        %get3A_340 = tpu.vector_load %arg7[%get3A_338, %get3A_339] {strides = array<i32>} : memref<200x64xf32, #tpu.memory_space<vmem>>, vector<1x16xf32>,
        %get3A_341 = vector.shape_cast %get3A_340 : vector<1x16xf32> to vector<16xf32>
        %swap3A_342 = arith.index_cast %scan3A_310 : i32 to index
        %swap3A_343 = arith.constant 48 : index
        %swap3A_344 = tpu.vector_load %arg11[%swap3A_342, %swap3A_343] {strides = array<i32>} : memref<200x64xf32, #tpu.memory_space<vmem>>, vector<1x16xf32>,
        %swap3A_345 = vector.shape_cast %swap3A_344 : vector<1x16xf32> to vector<16xf32>
        %swap3A_346 = vector.shape_cast %get3A_341 : vector<16xf32> to vector<1x16xf32>
        tpu.vector_store %arg11[%swap3A_342, %swap3A_343], %swap3A_346 {add = true, strides = array<i32>} : memref<200x64xf32, #tpu.memory_space<vmem>>, vector<1x16xf32>,
        %scan3A_347 = arith.constant 2 : i32
        %scan3A_348 = arith.addi %scan3A_274, %scan3A_347 : i32
        %get3A_349 = arith.index_cast %scan3A_348 : i32 to index
        %get3A_350 = arith.constant 0 : index
        %get3A_351 = tpu.vector_load %arg7[%get3A_349, %get3A_350] {strides = array<i32>} : memref<200x64xf32, #tpu.memory_space<vmem>>, vector<1x16xf32>,
        %get3A_352 = vector.shape_cast %get3A_351 : vector<1x16xf32> to vector<16xf32>
        %swap3A_353 = arith.index_cast %scan3A_348 : i32 to index
        %swap3A_354 = arith.constant 0 : index
        %swap3A_355 = tpu.vector_load %arg11[%swap3A_353, %swap3A_354] {strides = array<i32>} : memref<200x64xf32, #tpu.memory_space<vmem>>, vector<1x16xf32>,
        %swap3A_356 = vector.shape_cast %swap3A_355 : vector<1x16xf32> to vector<16xf32>
        %swap3A_357 = vector.shape_cast %get3A_352 : vector<16xf32> to vector<1x16xf32>
        tpu.vector_store %arg11[%swap3A_353, %swap3A_354], %swap3A_357 {add = true, strides = array<i32>} : memref<200x64xf32, #tpu.memory_space<vmem>>, vector<1x16xf32>,
        %get3A_358 = arith.index_cast %scan3A_348 : i32 to index
        %get3A_359 = arith.constant 16 : index
        %get3A_360 = tpu.vector_load %arg7[%get3A_358, %get3A_359] {strides = array<i32>} : memref<200x64xf32, #tpu.memory_space<vmem>>, vector<1x16xf32>,
        %get3A_361 = vector.shape_cast %get3A_360 : vector<1x16xf32> to vector<16xf32>
        %swap3A_362 = arith.index_cast %scan3A_348 : i32 to index
        %swap3A_363 = arith.constant 16 : index
        %swap3A_364 = tpu.vector_load %arg11[%swap3A_362, %swap3A_363] {strides = array<i32>} : memref<200x64xf32, #tpu.memory_space<vmem>>, vector<1x16xf32>,
        %swap3A_365 = vector.shape_cast %swap3A_364 : vector<1x16xf32> to vector<16xf32>
        %swap3A_366 = vector.shape_cast %get3A_361 : vector<16xf32> to vector<1x16xf32>
        tpu.vector_store %arg11[%swap3A_362, %swap3A_363], %swap3A_366 {add = true, strides = array<i32>} : memref<200x64xf32, #tpu.memory_space<vmem>>, vector<1x16xf32>,
        %get3A_367 = arith.index_cast %scan3A_348 : i32 to index
        %get3A_368 = arith.constant 32 : index
        %get3A_369 = tpu.vector_load %arg7[%get3A_367, %get3A_368] {strides = array<i32>} : memref<200x64xf32, #tpu.memory_space<vmem>>, vector<1x16xf32>,
        %get3A_370 = vector.shape_cast %get3A_369 : vector<1x16xf32> to vector<16xf32>
        %swap3A_371 = arith.index_cast %scan3A_348 : i32 to index
        %swap3A_372 = arith.constant 32 : index
        %swap3A_373 = tpu.vector_load %arg11[%swap3A_371, %swap3A_372] {strides = array<i32>} : memref<200x64xf32, #tpu.memory_space<vmem>>, vector<1x16xf32>,
        %swap3A_374 = vector.shape_cast %swap3A_373 : vector<1x16xf32> to vector<16xf32>
        %swap3A_375 = vector.shape_cast %get3A_370 : vector<16xf32> to vector<1x16xf32>
        tpu.vector_store %arg11[%swap3A_371, %swap3A_372], %swap3A_375 {add = true, strides = array<i32>} : memref<200x64xf32, #tpu.memory_space<vmem>>, vector<1x16xf32>,
        %get3A_376 = arith.index_cast %scan3A_348 : i32 to index
        %get3A_377 = arith.constant 48 : index
        %get3A_378 = tpu.vector_load %arg7[%get3A_376, %get3A_377] {strides = array<i32>} : memref<200x64xf32, #tpu.memory_space<vmem>>, vector<1x16xf32>,
        %get3A_379 = vector.shape_cast %get3A_378 : vector<1x16xf32> to vector<16xf32>
        %swap3A_380 = arith.index_cast %scan3A_348 : i32 to index
        %swap3A_381 = arith.constant 48 : index
        %swap3A_382 = tpu.vector_load %arg11[%swap3A_380, %swap3A_381] {strides = array<i32>} : memref<200x64xf32, #tpu.memory_space<vmem>>, vector<1x16xf32>,
        %swap3A_383 = vector.shape_cast %swap3A_382 : vector<1x16xf32> to vector<16xf32>
        %swap3A_384 = vector.shape_cast %get3A_379 : vector<16xf32> to vector<1x16xf32>
        tpu.vector_store %arg11[%swap3A_380, %swap3A_381], %swap3A_384 {add = true, strides = array<i32>} : memref<200x64xf32, #tpu.memory_space<vmem>>, vector<1x16xf32>,
        %scan3A_385 = arith.constant 3 : i32
        %scan3A_386 = arith.addi %scan3A_274, %scan3A_385 : i32
        %get3A_387 = arith.index_cast %scan3A_386 : i32 to index
        %get3A_388 = arith.constant 0 : index
        %get3A_389 = tpu.vector_load %arg7[%get3A_387, %get3A_388] {strides = array<i32>} : memref<200x64xf32, #tpu.memory_space<vmem>>, vector<1x16xf32>,
        %get3A_390 = vector.shape_cast %get3A_389 : vector<1x16xf32> to vector<16xf32>
        %swap3A_391 = arith.index_cast %scan3A_386 : i32 to index
        %swap3A_392 = arith.constant 0 : index
        %swap3A_393 = tpu.vector_load %arg11[%swap3A_391, %swap3A_392] {strides = array<i32>} : memref<200x64xf32, #tpu.memory_space<vmem>>, vector<1x16xf32>,
        %swap3A_394 = vector.shape_cast %swap3A_393 : vector<1x16xf32> to vector<16xf32>
        %swap3A_395 = vector.shape_cast %get3A_390 : vector<16xf32> to vector<1x16xf32>
        tpu.vector_store %arg11[%swap3A_391, %swap3A_392], %swap3A_395 {add = true, strides = array<i32>} : memref<200x64xf32, #tpu.memory_space<vmem>>, vector<1x16xf32>,
        %get3A_396 = arith.index_cast %scan3A_386 : i32 to index
        %get3A_397 = arith.constant 16 : index
        %get3A_398 = tpu.vector_load %arg7[%get3A_396, %get3A_397] {strides = array<i32>} : memref<200x64xf32, #tpu.memory_space<vmem>>, vector<1x16xf32>,
        %get3A_399 = vector.shape_cast %get3A_398 : vector<1x16xf32> to vector<16xf32>
        %swap3A_400 = arith.index_cast %scan3A_386 : i32 to index
        %swap3A_401 = arith.constant 16 : index
        %swap3A_402 = tpu.vector_load %arg11[%swap3A_400, %swap3A_401] {strides = array<i32>} : memref<200x64xf32, #tpu.memory_space<vmem>>, vector<1x16xf32>,
        %swap3A_403 = vector.shape_cast %swap3A_402 : vector<1x16xf32> to vector<16xf32>
        %swap3A_404 = vector.shape_cast %get3A_399 : vector<16xf32> to vector<1x16xf32>
        tpu.vector_store %arg11[%swap3A_400, %swap3A_401], %swap3A_404 {add = true, strides = array<i32>} : memref<200x64xf32, #tpu.memory_space<vmem>>, vector<1x16xf32>,
        %get3A_405 = arith.index_cast %scan3A_386 : i32 to index
        %get3A_406 = arith.constant 32 : index
        %get3A_407 = tpu.vector_load %arg7[%get3A_405, %get3A_406] {strides = array<i32>} : memref<200x64xf32, #tpu.memory_space<vmem>>, vector<1x16xf32>,
        %get3A_408 = vector.shape_cast %get3A_407 : vector<1x16xf32> to vector<16xf32>
        %swap3A_409 = arith.index_cast %scan3A_386 : i32 to index
        %swap3A_410 = arith.constant 32 : index
        %swap3A_411 = tpu.vector_load %arg11[%swap3A_409, %swap3A_410] {strides = array<i32>} : memref<200x64xf32, #tpu.memory_space<vmem>>, vector<1x16xf32>,
        %swap3A_412 = vector.shape_cast %swap3A_411 : vector<1x16xf32> to vector<16xf32>
        %swap3A_413 = vector.shape_cast %get3A_408 : vector<16xf32> to vector<1x16xf32>
        tpu.vector_store %arg11[%swap3A_409, %swap3A_410], %swap3A_413 {add = true, strides = array<i32>} : memref<200x64xf32, #tpu.memory_space<vmem>>, vector<1x16xf32>,
        %get3A_414 = arith.index_cast %scan3A_386 : i32 to index
        %get3A_415 = arith.constant 48 : index
        %get3A_416 = tpu.vector_load %arg7[%get3A_414, %get3A_415] {strides = array<i32>} : memref<200x64xf32, #tpu.memory_space<vmem>>, vector<1x16xf32>,
        %get3A_417 = vector.shape_cast %get3A_416 : vector<1x16xf32> to vector<16xf32>
        %swap3A_418 = arith.index_cast %scan3A_386 : i32 to index
        %swap3A_419 = arith.constant 48 : index
        %swap3A_420 = tpu.vector_load %arg11[%swap3A_418, %swap3A_419] {strides = array<i32>} : memref<200x64xf32, #tpu.memory_space<vmem>>, vector<1x16xf32>,
        %swap3A_421 = vector.shape_cast %swap3A_420 : vector<1x16xf32> to vector<16xf32>
        %swap3A_422 = vector.shape_cast %get3A_417 : vector<16xf32> to vector<1x16xf32>
        tpu.vector_store %arg11[%swap3A_418, %swap3A_419], %swap3A_422 {add = true, strides = array<i32>} : memref<200x64xf32, #tpu.memory_space<vmem>>, vector<1x16xf32>,
        %scan3A_423 = arith.constant 4 : i32
        %scan3A_424 = arith.addi %scan3A_274, %scan3A_423 : i32
        %get3A_425 = arith.index_cast %scan3A_424 : i32 to index
        %get3A_426 = arith.constant 0 : index
        %get3A_427 = tpu.vector_load %arg7[%get3A_425, %get3A_426] {strides = array<i32>} : memref<200x64xf32, #tpu.memory_space<vmem>>, vector<1x16xf32>,
        %get3A_428 = vector.shape_cast %get3A_427 : vector<1x16xf32> to vector<16xf32>
        %swap3A_429 = arith.index_cast %scan3A_424 : i32 to index
        %swap3A_430 = arith.constant 0 : index
        %swap3A_431 = tpu.vector_load %arg11[%swap3A_429, %swap3A_430] {strides = array<i32>} : memref<200x64xf32, #tpu.memory_space<vmem>>, vector<1x16xf32>,
        %swap3A_432 = vector.shape_cast %swap3A_431 : vector<1x16xf32> to vector<16xf32>
        %swap3A_433 = vector.shape_cast %get3A_428 : vector<16xf32> to vector<1x16xf32>
        tpu.vector_store %arg11[%swap3A_429, %swap3A_430], %swap3A_433 {add = true, strides = array<i32>} : memref<200x64xf32, #tpu.memory_space<vmem>>, vector<1x16xf32>,
        %get3A_434 = arith.index_cast %scan3A_424 : i32 to index
        %get3A_435 = arith.constant 16 : index
        %get3A_436 = tpu.vector_load %arg7[%get3A_434, %get3A_435] {strides = array<i32>} : memref<200x64xf32, #tpu.memory_space<vmem>>, vector<1x16xf32>,
        %get3A_437 = vector.shape_cast %get3A_436 : vector<1x16xf32> to vector<16xf32>
        %swap3A_438 = arith.index_cast %scan3A_424 : i32 to index
        %swap3A_439 = arith.constant 16 : index
        %swap3A_440 = tpu.vector_load %arg11[%swap3A_438, %swap3A_439] {strides = array<i32>} : memref<200x64xf32, #tpu.memory_space<vmem>>, vector<1x16xf32>,
        %swap3A_441 = vector.shape_cast %swap3A_440 : vector<1x16xf32> to vector<16xf32>
        %swap3A_442 = vector.shape_cast %get3A_437 : vector<16xf32> to vector<1x16xf32>
        tpu.vector_store %arg11[%swap3A_438, %swap3A_439], %swap3A_442 {add = true, strides = array<i32>} : memref<200x64xf32, #tpu.memory_space<vmem>>, vector<1x16xf32>,
        %get3A_443 = arith.index_cast %scan3A_424 : i32 to index
        %get3A_444 = arith.constant 32 : index
        %get3A_445 = tpu.vector_load %arg7[%get3A_443, %get3A_444] {strides = array<i32>} : memref<200x64xf32, #tpu.memory_space<vmem>>, vector<1x16xf32>,
        %get3A_446 = vector.shape_cast %get3A_445 : vector<1x16xf32> to vector<16xf32>
        %swap3A_447 = arith.index_cast %scan3A_424 : i32 to index
        %swap3A_448 = arith.constant 32 : index
        %swap3A_449 = tpu.vector_load %arg11[%swap3A_447, %swap3A_448] {strides = array<i32>} : memref<200x64xf32, #tpu.memory_space<vmem>>, vector<1x16xf32>,
        %swap3A_450 = vector.shape_cast %swap3A_449 : vector<1x16xf32> to vector<16xf32>
        %swap3A_451 = vector.shape_cast %get3A_446 : vector<16xf32> to vector<1x16xf32>
        tpu.vector_store %arg11[%swap3A_447, %swap3A_448], %swap3A_451 {add = true, strides = array<i32>} : memref<200x64xf32, #tpu.memory_space<vmem>>, vector<1x16xf32>,
        %get3A_452 = arith.index_cast %scan3A_424 : i32 to index
        %get3A_453 = arith.constant 48 : index
        %get3A_454 = tpu.vector_load %arg7[%get3A_452, %get3A_453] {strides = array<i32>} : memref<200x64xf32, #tpu.memory_space<vmem>>, vector<1x16xf32>,
        %get3A_455 = vector.shape_cast %get3A_454 : vector<1x16xf32> to vector<16xf32>
        %swap3A_456 = arith.index_cast %scan3A_424 : i32 to index
        %swap3A_457 = arith.constant 48 : index
        %swap3A_458 = tpu.vector_load %arg11[%swap3A_456, %swap3A_457] {strides = array<i32>} : memref<200x64xf32, #tpu.memory_space<vmem>>, vector<1x16xf32>,
        %swap3A_459 = vector.shape_cast %swap3A_458 : vector<1x16xf32> to vector<16xf32>
        %swap3A_460 = vector.shape_cast %get3A_455 : vector<16xf32> to vector<1x16xf32>
        tpu.vector_store %arg11[%swap3A_456, %swap3A_457], %swap3A_460 {add = true, strides = array<i32>} : memref<200x64xf32, #tpu.memory_space<vmem>>, vector<1x16xf32>,
        %scan3A_461 = arith.constant 5 : i32
        %scan3A_462 = arith.addi %scan3A_274, %scan3A_461 : i32
        %get3A_463 = arith.index_cast %scan3A_462 : i32 to index
        %get3A_464 = arith.constant 0 : index
        %get3A_465 = tpu.vector_load %arg7[%get3A_463, %get3A_464] {strides = array<i32>} : memref<200x64xf32, #tpu.memory_space<vmem>>, vector<1x16xf32>,
        %get3A_466 = vector.shape_cast %get3A_465 : vector<1x16xf32> to vector<16xf32>
        %swap3A_467 = arith.index_cast %scan3A_462 : i32 to index
        %swap3A_468 = arith.constant 0 : index
        %swap3A_469 = tpu.vector_load %arg11[%swap3A_467, %swap3A_468] {strides = array<i32>} : memref<200x64xf32, #tpu.memory_space<vmem>>, vector<1x16xf32>,
        %swap3A_470 = vector.shape_cast %swap3A_469 : vector<1x16xf32> to vector<16xf32>
        %swap3A_471 = vector.shape_cast %get3A_466 : vector<16xf32> to vector<1x16xf32>
        tpu.vector_store %arg11[%swap3A_467, %swap3A_468], %swap3A_471 {add = true, strides = array<i32>} : memref<200x64xf32, #tpu.memory_space<vmem>>, vector<1x16xf32>,
        %get3A_472 = arith.index_cast %scan3A_462 : i32 to index
        %get3A_473 = arith.constant 16 : index
        %get3A_474 = tpu.vector_load %arg7[%get3A_472, %get3A_473] {strides = array<i32>} : memref<200x64xf32, #tpu.memory_space<vmem>>, vector<1x16xf32>,
        %get3A_475 = vector.shape_cast %get3A_474 : vector<1x16xf32> to vector<16xf32>
        %swap3A_476 = arith.index_cast %scan3A_462 : i32 to index
        %swap3A_477 = arith.constant 16 : index
        %swap3A_478 = tpu.vector_load %arg11[%swap3A_476, %swap3A_477] {strides = array<i32>} : memref<200x64xf32, #tpu.memory_space<vmem>>, vector<1x16xf32>,
        %swap3A_479 = vector.shape_cast %swap3A_478 : vector<1x16xf32> to vector<16xf32>
        %swap3A_480 = vector.shape_cast %get3A_475 : vector<16xf32> to vector<1x16xf32>
        tpu.vector_store %arg11[%swap3A_476, %swap3A_477], %swap3A_480 {add = true, strides = array<i32>} : memref<200x64xf32, #tpu.memory_space<vmem>>, vector<1x16xf32>,
        %get3A_481 = arith.index_cast %scan3A_462 : i32 to index
        %get3A_482 = arith.constant 32 : index
        %get3A_483 = tpu.vector_load %arg7[%get3A_481, %get3A_482] {strides = array<i32>} : memref<200x64xf32, #tpu.memory_space<vmem>>, vector<1x16xf32>,
        %get3A_484 = vector.shape_cast %get3A_483 : vector<1x16xf32> to vector<16xf32>
        %swap3A_485 = arith.index_cast %scan3A_462 : i32 to index
        %swap3A_486 = arith.constant 32 : index
        %swap3A_487 = tpu.vector_load %arg11[%swap3A_485, %swap3A_486] {strides = array<i32>} : memref<200x64xf32, #tpu.memory_space<vmem>>, vector<1x16xf32>,
        %swap3A_488 = vector.shape_cast %swap3A_487 : vector<1x16xf32> to vector<16xf32>
        %swap3A_489 = vector.shape_cast %get3A_484 : vector<16xf32> to vector<1x16xf32>
        tpu.vector_store %arg11[%swap3A_485, %swap3A_486], %swap3A_489 {add = true, strides = array<i32>} : memref<200x64xf32, #tpu.memory_space<vmem>>, vector<1x16xf32>,
        %get3A_490 = arith.index_cast %scan3A_462 : i32 to index
        %get3A_491 = arith.constant 48 : index
        %get3A_492 = tpu.vector_load %arg7[%get3A_490, %get3A_491] {strides = array<i32>} : memref<200x64xf32, #tpu.memory_space<vmem>>, vector<1x16xf32>,
        %get3A_493 = vector.shape_cast %get3A_492 : vector<1x16xf32> to vector<16xf32>
        %swap3A_494 = arith.index_cast %scan3A_462 : i32 to index
        %swap3A_495 = arith.constant 48 : index
        %swap3A_496 = tpu.vector_load %arg11[%swap3A_494, %swap3A_495] {strides = array<i32>} : memref<200x64xf32, #tpu.memory_space<vmem>>, vector<1x16xf32>,
        %swap3A_497 = vector.shape_cast %swap3A_496 : vector<1x16xf32> to vector<16xf32>
        %swap3A_498 = vector.shape_cast %get3A_493 : vector<16xf32> to vector<1x16xf32>
        tpu.vector_store %arg11[%swap3A_494, %swap3A_495], %swap3A_498 {add = true, strides = array<i32>} : memref<200x64xf32, #tpu.memory_space<vmem>>, vector<1x16xf32>,
        %scan3A_499 = arith.constant 6 : i32
        %scan3A_500 = arith.addi %scan3A_274, %scan3A_499 : i32
        %get3A_501 = arith.index_cast %scan3A_500 : i32 to index
        %get3A_502 = arith.constant 0 : index
        %get3A_503 = tpu.vector_load %arg7[%get3A_501, %get3A_502] {strides = array<i32>} : memref<200x64xf32, #tpu.memory_space<vmem>>, vector<1x16xf32>,
        %get3A_504 = vector.shape_cast %get3A_503 : vector<1x16xf32> to vector<16xf32>
        %swap3A_505 = arith.index_cast %scan3A_500 : i32 to index
        %swap3A_506 = arith.constant 0 : index
        %swap3A_507 = tpu.vector_load %arg11[%swap3A_505, %swap3A_506] {strides = array<i32>} : memref<200x64xf32, #tpu.memory_space<vmem>>, vector<1x16xf32>,
        %swap3A_508 = vector.shape_cast %swap3A_507 : vector<1x16xf32> to vector<16xf32>
        %swap3A_509 = vector.shape_cast %get3A_504 : vector<16xf32> to vector<1x16xf32>
        tpu.vector_store %arg11[%swap3A_505, %swap3A_506], %swap3A_509 {add = true, strides = array<i32>} : memref<200x64xf32, #tpu.memory_space<vmem>>, vector<1x16xf32>,
        %get3A_510 = arith.index_cast %scan3A_500 : i32 to index
        %get3A_511 = arith.constant 16 : index
        %get3A_512 = tpu.vector_load %arg7[%get3A_510, %get3A_511] {strides = array<i32>} : memref<200x64xf32, #tpu.memory_space<vmem>>, vector<1x16xf32>,
        %get3A_513 = vector.shape_cast %get3A_512 : vector<1x16xf32> to vector<16xf32>
        %swap3A_514 = arith.index_cast %scan3A_500 : i32 to index
        %swap3A_515 = arith.constant 16 : index
        %swap3A_516 = tpu.vector_load %arg11[%swap3A_514, %swap3A_515] {strides = array<i32>} : memref<200x64xf32, #tpu.memory_space<vmem>>, vector<1x16xf32>,
        %swap3A_517 = vector.shape_cast %swap3A_516 : vector<1x16xf32> to vector<16xf32>
        %swap3A_518 = vector.shape_cast %get3A_513 : vector<16xf32> to vector<1x16xf32>
        tpu.vector_store %arg11[%swap3A_514, %swap3A_515], %swap3A_518 {add = true, strides = array<i32>} : memref<200x64xf32, #tpu.memory_space<vmem>>, vector<1x16xf32>,
        %get3A_519 = arith.index_cast %scan3A_500 : i32 to index
        %get3A_520 = arith.constant 32 : index
        %get3A_521 = tpu.vector_load %arg7[%get3A_519, %get3A_520] {strides = array<i32>} : memref<200x64xf32, #tpu.memory_space<vmem>>, vector<1x16xf32>,
        %get3A_522 = vector.shape_cast %get3A_521 : vector<1x16xf32> to vector<16xf32>
        %swap3A_523 = arith.index_cast %scan3A_500 : i32 to index
        %swap3A_524 = arith.constant 32 : index
        %swap3A_525 = tpu.vector_load %arg11[%swap3A_523, %swap3A_524] {strides = array<i32>} : memref<200x64xf32, #tpu.memory_space<vmem>>, vector<1x16xf32>,
        %swap3A_526 = vector.shape_cast %swap3A_525 : vector<1x16xf32> to vector<16xf32>
        %swap3A_527 = vector.shape_cast %get3A_522 : vector<16xf32> to vector<1x16xf32>
        tpu.vector_store %arg11[%swap3A_523, %swap3A_524], %swap3A_527 {add = true, strides = array<i32>} : memref<200x64xf32, #tpu.memory_space<vmem>>, vector<1x16xf32>,
        %get3A_528 = arith.index_cast %scan3A_500 : i32 to index
        %get3A_529 = arith.constant 48 : index
        %get3A_530 = tpu.vector_load %arg7[%get3A_528, %get3A_529] {strides = array<i32>} : memref<200x64xf32, #tpu.memory_space<vmem>>, vector<1x16xf32>,
        %get3A_531 = vector.shape_cast %get3A_530 : vector<1x16xf32> to vector<16xf32>
        %swap3A_532 = arith.index_cast %scan3A_500 : i32 to index
        %swap3A_533 = arith.constant 48 : index
        %swap3A_534 = tpu.vector_load %arg11[%swap3A_532, %swap3A_533] {strides = array<i32>} : memref<200x64xf32, #tpu.memory_space<vmem>>, vector<1x16xf32>,
        %swap3A_535 = vector.shape_cast %swap3A_534 : vector<1x16xf32> to vector<16xf32>
        %swap3A_536 = vector.shape_cast %get3A_531 : vector<16xf32> to vector<1x16xf32>
        tpu.vector_store %arg11[%swap3A_532, %swap3A_533], %swap3A_536 {add = true, strides = array<i32>} : memref<200x64xf32, #tpu.memory_space<vmem>>, vector<1x16xf32>,
        %scan3A_537 = arith.constant 7 : i32
        %scan3A_538 = arith.addi %scan3A_274, %scan3A_537 : i32
        %get3A_539 = arith.index_cast %scan3A_538 : i32 to index
        %get3A_540 = arith.constant 0 : index
        %get3A_541 = tpu.vector_load %arg7[%get3A_539, %get3A_540] {strides = array<i32>} : memref<200x64xf32, #tpu.memory_space<vmem>>, vector<1x16xf32>,
        %get3A_542 = vector.shape_cast %get3A_541 : vector<1x16xf32> to vector<16xf32>
        %swap3A_543 = arith.index_cast %scan3A_538 : i32 to index
        %swap3A_544 = arith.constant 0 : index
        %swap3A_545 = tpu.vector_load %arg11[%swap3A_543, %swap3A_544] {strides = array<i32>} : memref<200x64xf32, #tpu.memory_space<vmem>>, vector<1x16xf32>,
        %swap3A_546 = vector.shape_cast %swap3A_545 : vector<1x16xf32> to vector<16xf32>
        %swap3A_547 = vector.shape_cast %get3A_542 : vector<16xf32> to vector<1x16xf32>
        tpu.vector_store %arg11[%swap3A_543, %swap3A_544], %swap3A_547 {add = true, strides = array<i32>} : memref<200x64xf32, #tpu.memory_space<vmem>>, vector<1x16xf32>,
        %get3A_548 = arith.index_cast %scan3A_538 : i32 to index
        %get3A_549 = arith.constant 16 : index
        %get3A_550 = tpu.vector_load %arg7[%get3A_548, %get3A_549] {strides = array<i32>} : memref<200x64xf32, #tpu.memory_space<vmem>>, vector<1x16xf32>,
        %get3A_551 = vector.shape_cast %get3A_550 : vector<1x16xf32> to vector<16xf32>
        %swap3A_552 = arith.index_cast %scan3A_538 : i32 to index
        %swap3A_553 = arith.constant 16 : index
        %swap3A_554 = tpu.vector_load %arg11[%swap3A_552, %swap3A_553] {strides = array<i32>} : memref<200x64xf32, #tpu.memory_space<vmem>>, vector<1x16xf32>,
        %swap3A_555 = vector.shape_cast %swap3A_554 : vector<1x16xf32> to vector<16xf32>
        %swap3A_556 = vector.shape_cast %get3A_551 : vector<16xf32> to vector<1x16xf32>
        tpu.vector_store %arg11[%swap3A_552, %swap3A_553], %swap3A_556 {add = true, strides = array<i32>} : memref<200x64xf32, #tpu.memory_space<vmem>>, vector<1x16xf32>,
        %get3A_557 = arith.index_cast %scan3A_538 : i32 to index
        %get3A_558 = arith.constant 32 : index
        %get3A_559 = tpu.vector_load %arg7[%get3A_557, %get3A_558] {strides = array<i32>} : memref<200x64xf32, #tpu.memory_space<vmem>>, vector<1x16xf32>,
        %get3A_560 = vector.shape_cast %get3A_559 : vector<1x16xf32> to vector<16xf32>
        %swap3A_561 = arith.index_cast %scan3A_538 : i32 to index
        %swap3A_562 = arith.constant 32 : index
        %swap3A_563 = tpu.vector_load %arg11[%swap3A_561, %swap3A_562] {strides = array<i32>} : memref<200x64xf32, #tpu.memory_space<vmem>>, vector<1x16xf32>,
        %swap3A_564 = vector.shape_cast %swap3A_563 : vector<1x16xf32> to vector<16xf32>
        %swap3A_565 = vector.shape_cast %get3A_560 : vector<16xf32> to vector<1x16xf32>
        tpu.vector_store %arg11[%swap3A_561, %swap3A_562], %swap3A_565 {add = true, strides = array<i32>} : memref<200x64xf32, #tpu.memory_space<vmem>>, vector<1x16xf32>,
        %get3A_566 = arith.index_cast %scan3A_538 : i32 to index
        %get3A_567 = arith.constant 48 : index
        %get3A_568 = tpu.vector_load %arg7[%get3A_566, %get3A_567] {strides = array<i32>} : memref<200x64xf32, #tpu.memory_space<vmem>>, vector<1x16xf32>,
        %get3A_569 = vector.shape_cast %get3A_568 : vector<1x16xf32> to vector<16xf32>
        %swap3A_570 = arith.index_cast %scan3A_538 : i32 to index
        %swap3A_571 = arith.constant 48 : index
        %swap3A_572 = tpu.vector_load %arg11[%swap3A_570, %swap3A_571] {strides = array<i32>} : memref<200x64xf32, #tpu.memory_space<vmem>>, vector<1x16xf32>,
        %swap3A_573 = vector.shape_cast %swap3A_572 : vector<1x16xf32> to vector<16xf32>
        %swap3A_574 = vector.shape_cast %get3A_569 : vector<16xf32> to vector<1x16xf32>
        tpu.vector_store %arg11[%swap3A_570, %swap3A_571], %swap3A_574 {add = true, strides = array<i32>} : memref<200x64xf32, #tpu.memory_space<vmem>>, vector<1x16xf32>,
      }
      %scan3A_264 = arith.constant 200 : i32
      %mul3A_265 = arith.constant 32 : i32
      %mul3A_266 = arith.muli %add3A, %mul3A_265 : i32
      %add3A_267 = arith.addi %mul3A_266, %add3A_229 : i32
      %mul3A_268 = arith.constant 200 : i32
      %mul3A_269 = arith.muli %add3A_267, %mul3A_268 : i32
      %dma_start3A_270 = arith.constant 0 : i32
      %dma_start3A_271 = tpu.memref_slice %arg5[%mul3A_269, %dma_start3A_270] : memref<204800x64xf32, #tpu.memory_space<hbm>> -> memref<200x64xf32, #tpu.memory_space<hbm>>
      %dma_start3A_272 = arith.constant 0 : i32
      %dma_start3A_273 = tpu.memref_slice %arg5[%mul3A_269, %dma_start3A_272] : memref<204800x64xf32, #tpu.memory_space<hbm>> -> memref<200x64xf32, #tpu.memory_space<hbm>>
      tpu.enqueue_dma source(%arg11 : memref<200x64xf32, #tpu.memory_space<vmem>>) target(%dma_start3A_273 : memref<200x64xf32, #tpu.memory_space<hbm>>) target_semaphore(%arg19 : memref<!tpu.dma_semaphore, #tpu.memory_space<semaphore_mem>>)
    }
    %scan3A_44 = arith.constant 8 : i32
    %mul3A_45 = arith.constant 32 : i32
    %mul3A_46 = arith.muli %add3A, %mul3A_45 : i32
    %add3A_47 = arith.constant 28 : i32
    %add3A_48 = arith.addi %mul3A_46, %add3A_47 : i32
    %mul3A_49 = arith.constant 200 : i32
    %mul3A_50 = arith.muli %add3A_48, %mul3A_49 : i32
    %dma_wait3A = arith.constant 0 : i32
    %dma_wait3A_51 = tpu.memref_slice %arg5[%mul3A_50, %dma_wait3A] : memref<204800x64xf32, #tpu.memory_space<hbm>> -> memref<200x64xf32, #tpu.memory_space<hbm>>
    %dma_wait3A_52 = arith.constant 0 : i32
    %dma_wait3A_53 = tpu.memref_slice %arg5[%mul3A_50, %dma_wait3A_52] : memref<204800x64xf32, #tpu.memory_space<hbm>> -> memref<200x64xf32, #tpu.memory_space<hbm>>
    tpu.wait_dma2 semaphore(%arg16 : memref<!tpu.dma_semaphore, #tpu.memory_space<semaphore_mem>>) src(%arg8 : memref<200x64xf32, #tpu.memory_space<vmem>>) dst(%dma_wait3A_53 : memref<200x64xf32, #tpu.memory_space<hbm>>)
    %mul3A_54 = arith.constant 32 : i32
    %mul3A_55 = arith.muli %add3A, %mul3A_54 : i32
    %add3A_56 = arith.constant 29 : i32
    %add3A_57 = arith.addi %mul3A_55, %add3A_56 : i32
    %mul3A_58 = arith.constant 200 : i32
    %mul3A_59 = arith.muli %add3A_57, %mul3A_58 : i32
    %dma_wait3A_60 = arith.constant 0 : i32
    %dma_wait3A_61 = tpu.memref_slice %arg5[%mul3A_59, %dma_wait3A_60] : memref<204800x64xf32, #tpu.memory_space<hbm>> -> memref<200x64xf32, #tpu.memory_space<hbm>>
    %dma_wait3A_62 = arith.constant 0 : i32
    %dma_wait3A_63 = tpu.memref_slice %arg5[%mul3A_59, %dma_wait3A_62] : memref<204800x64xf32, #tpu.memory_space<hbm>> -> memref<200x64xf32, #tpu.memory_space<hbm>>
    tpu.wait_dma2 semaphore(%arg17 : memref<!tpu.dma_semaphore, #tpu.memory_space<semaphore_mem>>) src(%arg9 : memref<200x64xf32, #tpu.memory_space<vmem>>) dst(%dma_wait3A_63 : memref<200x64xf32, #tpu.memory_space<hbm>>)
    %mul3A_64 = arith.constant 32 : i32
    %mul3A_65 = arith.muli %add3A, %mul3A_64 : i32
    %add3A_66 = arith.constant 30 : i32
    %add3A_67 = arith.addi %mul3A_65, %add3A_66 : i32
    %mul3A_68 = arith.constant 200 : i32
    %mul3A_69 = arith.muli %add3A_67, %mul3A_68 : i32
    %dma_wait3A_70 = arith.constant 0 : i32
    %dma_wait3A_71 = tpu.memref_slice %arg5[%mul3A_69, %dma_wait3A_70] : memref<204800x64xf32, #tpu.memory_space<hbm>> -> memref<200x64xf32, #tpu.memory_space<hbm>>
    %dma_wait3A_72 = arith.constant 0 : i32
    %dma_wait3A_73 = tpu.memref_slice %arg5[%mul3A_69, %dma_wait3A_72] : memref<204800x64xf32, #tpu.memory_space<hbm>> -> memref<200x64xf32, #tpu.memory_space<hbm>>
    tpu.wait_dma2 semaphore(%arg18 : memref<!tpu.dma_semaphore, #tpu.memory_space<semaphore_mem>>) src(%arg10 : memref<200x64xf32, #tpu.memory_space<vmem>>) dst(%dma_wait3A_73 : memref<200x64xf32, #tpu.memory_space<hbm>>)
    %mul3A_74 = arith.constant 32 : i32
    %mul3A_75 = arith.muli %add3A, %mul3A_74 : i32
    %add3A_76 = arith.constant 31 : i32
    %add3A_77 = arith.addi %mul3A_75, %add3A_76 : i32
    %mul3A_78 = arith.constant 200 : i32
    %mul3A_79 = arith.muli %add3A_77, %mul3A_78 : i32
    %dma_wait3A_80 = arith.constant 0 : i32
    %dma_wait3A_81 = tpu.memref_slice %arg5[%mul3A_79, %dma_wait3A_80] : memref<204800x64xf32, #tpu.memory_space<hbm>> -> memref<200x64xf32, #tpu.memory_space<hbm>>
    %dma_wait3A_82 = arith.constant 0 : i32
    %dma_wait3A_83 = tpu.memref_slice %arg5[%mul3A_79, %dma_wait3A_82] : memref<204800x64xf32, #tpu.memory_space<hbm>> -> memref<200x64xf32, #tpu.memory_space<hbm>>
    tpu.wait_dma2 semaphore(%arg19 : memref<!tpu.dma_semaphore, #tpu.memory_space<semaphore_mem>>) src(%arg11 : memref<200x64xf32, #tpu.memory_space<vmem>>) dst(%dma_wait3A_83 : memref<200x64xf32, #tpu.memory_space<hbm>>)
    return
  }
}

</mosaic_0001>

<sc_bundles>
// kernel: _run.3.cloned.1.call-start
scs
__scs_entry_jumppad:
0x0: {  	(pc) =	sbr.rel $0x88, $3  }
0x1: {  	(tag) =	ssettag $0x0;
	lr =	simm.s32 $0x1  }
0x2: {  	[smem:$0x3F9E] =	sst lr;
	_ =	strace $0xD0000000  }
0x3: {  	_ = 	snop  }
0x4: {  	_ = 	snop  }
0x5: {  	_ = 	snop  }
0x6: {  	_ = 	snop  }
0x7: {  	_ = 	snop  }
__scs_overlays_trampoline_lowered:
0x8: {  	[smem:$0x3FAD] =	sst s0  }
0x9: {  	[smem:$0x3FAE] =	sst s1  }
0xa: {  	[smem:$0x3FAF] =	sst s2  }
0xb: {  	[smem:$0x3FB0] =	sst s3  }
0xc: {  	[smem:$0x3FB1] =	sst s4  }
0xd: {  	[smem:$0x3FB2] =	sst s5  }
0xe: {  	[smem:$0x3FB3] =	sst s6  }
0xf: {  	[smem:$0x3FB4] =	sst s7  }
0x10: {  	[smem:$0x3FB5] =	sst s8  }
0x11: {  	[smem:$0x3FB6] =	sst s9;
	s0 =	simm.s32 @!p0 $0x0  }
0x12: {  	s1 =	sld [smem:$0x3F9C];
	s0 =	simm.s32 @p0 $0x1  }
0x13: {  	[smem:$0x3FB7] =	sst s0;
	s0 =	simm.s32 @!p1 $0x0  }
0x14: {  	s2 =	sld [smem:$0x3F9B];
	s0 =	simm.s32 @p1 $0x1  }
0x15: {  	[smem:$0x3FB8] =	sst s0;
	s0 =	simm.s32 @!p2 $0x0  }
0x16: {  	s3 =	sld [smem:$0x3FDB];
	s0 =	simm.s32 @p2 $0x1  }
0x17: {  	s4 =	simm.s32 $0x1BF5;
	[smem:$0x3FBA] =	sst s0  }
0x18: {  	s0 =	sld [smem:$0x3F9D];
	_ =	swait.ge [sflag:s4], $0x0  }
0x19: {  	s7 =	sld [smem:$0x3F9E]  }
0x1a: {  	s8 =	sadd.s32 $0xFFFFE003, lr  }
0x1b: {  	s9 =	sadd.s32 $0xFFFFFEF7, lr;
	s5 =	simm.s32 $0xFFFFFFFF;
	p2 =	slt.u32 s8, $0xFFFFF086  }
0x1c: {  	p1 =	slt.u32 s9, $0xF7A;
	s5 =	simm.s32 @!p2 $0x0  }
0x1d: {  	s5 =	simm.s32 @p1 $0x1;
	p0 =	seq.s32 s7, s2  }
0x1e: {  	s7 =	smul.u32 @!p0 $0xF7A, s2;
	p2 =	seq.s32 @!p0 s5, $0x0  }
0x1f: {  	s9 =	smul.u32 $0xF7A, s1;
	s8 =	simm.s32 @!p0 $0x1BF5;
	p2 =	por !p2, p0  }
0x20: {  	[sflag:s8] =	ssyncset.s32 @!p0 $0xFFFFF086;
	s6 =	sadd.s32 @!p0 s3, s7;
	s7 =	simm.s32 @!p0 $0x108  }
0x21: {  	s3 =	sadd.s32 s3, s9;
	s6 =	sadd.s32 @!p0 $0x88, s6;
	s7 =	simm.s32 @p2 $0x1082  }
0x22: {  	[simem:s7], [sflag:s8] =	dma.local @!p0 [hbm:s6], $0xF7A  }
0x23: {  	s9 =	sor.u32 $0xD0000000, s2;
	s6 =	simm.s32 $0x108;
	_ =	swait.ge @!p0 [sflag:s8], $0x0  }
0x24: {  	s3 =	sadd.s32 $0x88, s3;
	s6 =	simm.s32 @!p1 $0x1082;
	[sflag:s4] =	ssyncset.s32 $0xFFFFF086  }
0x25: {  	[simem:s6], [sflag:s4] =	dma.local [hbm:s3], $0xF7A  }
0x26: {  	[smem:$0x3F9E] =	sst s1;
	(tag) =	ssettag s2;
	_ =	strace s9  }
0x27: {  	s1 =	sld [smem:$0x3FAE]  }
0x28: {  	s2 =	sld [smem:$0x3FAF]  }
0x29: {  	s4 =	sld [smem:$0x3FB1]  }
0x2a: {  	p0 =	seq.s32 s5, $0x0;
	s5 =	sld [smem:$0x3FB2]  }
0x2b: {  	s6 =	sld [smem:$0x3FB3]  }
0x2c: {  	s7 =	sld [smem:$0x3FB4]  }
0x2d: {  	s3 =	simm.s32 $0x108;
	s8 =	sld [smem:$0x3FB5]  }
0x2e: {  	s3 =	simm.s32 @!p0 $0x1082;
	s9 =	sld [smem:$0x3FB6]  }
0x2f: {  	lr =	sadd.s32 s0, s3;
	s0 =	sld [smem:$0x3FAD]  }
0x30: {  	s3 =	sld [smem:$0x3FB0]  }
0x31: {  	[smem:$0x3FB9] =	sst s10  }
0x32: {  	s10 =	sld [smem:$0x3FB7];
	_ =	sdelay $0x3  }
0x33: {  	p0 =	seq.s32 s10, $0x1;
	s10 =	sld [smem:$0x3FB9];
	_ =	sdelay $0x3  }
0x34: {  	[smem:$0x3FB9] =	sst s10  }
0x35: {  	s10 =	sld [smem:$0x3FB8];
	_ =	sdelay $0x3  }
0x36: {  	p1 =	seq.s32 s10, $0x1;
	s10 =	sld [smem:$0x3FB9];
	_ =	sdelay $0x3  }
0x37: {  	[smem:$0x3FB9] =	sst s10  }
0x38: {  	s10 =	sld [smem:$0x3FBA]  }
0x39: {  	_ = 	snop;
	(pc) =	sbr.ind lr, $3  }
0x3a: {  	_ = 	snop  }
0x3b: {  	_ = 	snop  }
0x3c: {  	p2 =	seq.s32 s10, $0x1;
	s10 =	sld [smem:$0x3FB9]  }
0x3d: {  	_ =	shalt  }
0x3e: {  	_ =	shalt  }
0x3f: {  	_ =	shalt  }
0x40: {  	_ =	shalt  }
0x41: {  	_ =	shalt  }
0x42: {  	_ =	shalt  }
0x43: {  	_ =	shalt  }
0x44: {  	_ =	shalt  }
0x45: {  	_ =	shalt  }
0x46: {  	_ =	shalt  }
0x47: {  	_ =	shalt  }
0x48: {  	_ =	shalt  }
0x49: {  	_ =	shalt  }
0x4a: {  	_ =	shalt  }
0x4b: {  	_ =	shalt  }
0x4c: {  	_ =	shalt  }
0x4d: {  	_ =	shalt  }
0x4e: {  	_ =	shalt  }
0x4f: {  	_ =	shalt  }
0x50: {  	_ =	shalt  }
0x51: {  	_ =	shalt  }
0x52: {  	_ =	shalt  }
0x53: {  	_ =	shalt  }
0x54: {  	_ =	shalt  }
0x55: {  	_ =	shalt  }
0x56: {  	_ =	shalt  }
0x57: {  	_ =	shalt  }
0x58: {  	_ =	shalt  }
0x59: {  	_ =	shalt  }
0x5a: {  	_ =	shalt  }
0x5b: {  	_ =	shalt  }
0x5c: {  	_ =	shalt  }
0x5d: {  	_ =	shalt  }
0x5e: {  	_ =	shalt  }
0x5f: {  	_ =	shalt  }
0x60: {  	_ =	shalt  }
0x61: {  	_ =	shalt  }
0x62: {  	_ =	shalt  }
0x63: {  	_ =	shalt  }
0x64: {  	_ =	shalt  }
0x65: {  	_ =	shalt  }
0x66: {  	_ =	shalt  }
0x67: {  	_ =	shalt  }
0x68: {  	_ =	shalt  }
0x69: {  	_ =	shalt  }
0x6a: {  	_ =	shalt  }
0x6b: {  	_ =	shalt  }
0x6c: {  	_ =	shalt  }
0x6d: {  	_ =	shalt  }
0x6e: {  	_ =	shalt  }
0x6f: {  	_ =	shalt  }
0x70: {  	_ =	shalt  }
0x71: {  	_ =	shalt  }
0x72: {  	_ =	shalt  }
0x73: {  	_ =	shalt  }
0x74: {  	_ =	shalt  }
0x75: {  	_ =	shalt  }
0x76: {  	_ =	shalt  }
0x77: {  	_ =	shalt  }
0x78: {  	_ =	shalt  }
0x79: {  	_ =	shalt  }
0x7a: {  	_ =	shalt  }
0x7b: {  	_ =	shalt  }
0x7c: {  	_ =	shalt  }
0x7d: {  	_ =	shalt  }
0x7e: {  	_ =	shalt  }
0x7f: {  	_ =	shalt  }
0x80: {  	_ =	shalt  }
0x81: {  	_ =	shalt  }
0x82: {  	_ =	shalt  }
0x83: {  	_ =	shalt  }
0x84: {  	_ =	shalt  }
0x85: {  	_ =	shalt  }
0x86: {  	_ =	shalt  }
0x87: {  	_ =	shalt  }
.Lfunc_end0:
.L_simem_size_0:
called_computation.1_lowered:
.L_overlay_start_0:
0x88: {  	s2 =	sld [smem:$0x3FD9]  }
0x89: {  	s3 =	sld [smem:$0x3FFE];
	_ =	sdelay $0x1  }
0x8a: {  	s1 =	srdreg.scid  }
0x8b: {  	s0 =	sand.u32 $0x1, s1  }
0x8c: {  	s17 =	sshll.u32 s0, $0xA;
	s2 =	sadd.s32 s3, s2  }
0x8d: {  	s2 =	sadd.s32 s2, s17  }
0x8e: {  	[smem:$0x3FC5] =	sst s2  }
0x8f: {  	_ = 	snop  }
0x90: {  	s2 =	sld [smem:$0x3FD0];
	(tm) =	ssettm $0x1  }
0x91: {  	s18 =	sld [smem:$0x3FFB];
	_ =	sdelay $0x3  }
0x92: {  	_ =	strace s18  }
0x93: {  	s3 =	sld [smem:$0x3FFC];
	_ =	sdelay $0x3  }
0x94: {  	_ =	strace s3  }
0x95: {  	s3 =	sld [smem:$0x3FFD];
	_ =	sdelay $0x3  }
0x96: {  	_ =	strace s3  }
0x97: {  	_ =	strace $0x8FFFFFFF  }
0x98: {  	s19 =	sld [smem:$0x3FDB];
	_ =	sdelay $0x1  }
0x99: {  	s4 =	simm.s32 $_scs_section_size  }
0x9a: {  	s5 =	simm.s32 $_size__tile_overlayer_lowered;
	s6 =	simm.s32 $_tile_overlayer_lowered  }
0x9b: {  	s22 =	simm.s32 $0x1BFF;
	s21 =	sshll.u32 s6, $0x1;
	s3 =	sadd.s32 s4, s19  }
0x9c: {  	s7 =	simm.s32 $0x0;
	s20 =	sshll.u32 s5, $0x1;
	s5 =	sadd.s32 s21, s3  }
0x9d: {  	[timem:s7], [sflag:s22] =	dma.local [hbm:s5], s20  }
0x9e: {  	_ =	swait.ge [sflag:s22], s20  }
0x9f: {  	s4 =	ssub.s32 $0x0, s20;
	[sflag:s22] =	ssyncset.done $0x0  }
0xa0: {  	[sflag:s22] =	ssyncadd.s32 s4;
	_ =	sdelay $0x1  }
0xa1: {  	s23 =	simm.s32 $0x1B8B  }
0xa2: {  	_ =	swait.ge [sflag:s23], $0x1  }
0xa3: {  	[sflag:s23] =	ssyncset.done $0x0  }
0xa4: {  	s25 =	simm.s32 $0x1B8E;
	s24 =	sld [smem:$0x3FFE];
	[sflag:s23] =	ssyncadd.s32 $0xFFFFFFFF  }
0xa5: {  	s26 =	simm.s32 $execute0_lowered;
	[smem:$0x3FD2] =	sst s25  }
0xa6: {  	s5 =	sshll.u32 s26, $0x1;
	_ =	strace $0x80000046;
	[dreg:$0x1] =	wrdreg $0xFFFFFFFF  }
0xa7: {  	s28 =	simm.s32 $_size_execute0_lowered;
	s3 =	sadd.s32 s3, s5;
	[dreg:$0x0] =	wrdreg $0x0  }
0xa8: {  	s5 =	sshll.u32 s28, $0x1;
	[dreg:$0x2] =	wrdreg s3  }
0xa9: {  	[dreg:$0x3] =	wrdreg s5  }
0xaa: {  	[dreg:$0x4] =	wrdreg $0xC0  }
0xab: {  	_ =	task [dreg:s7], $0x5FFFF  }
0xac: {  	[dreg:$0x1] =	wrdreg $0xFFFFFFFF  }
0xad: {  	[dreg:$0x0] =	wrdreg $0x60  }
0xae: {  	[dreg:$0x2] =	wrdreg s24  }
0xaf: {  	[dreg:$0x3] =	wrdreg s2  }
0xb0: {  	[dreg:$0x4] =	wrdreg $0x9  }
0xb1: {  	_ =	task.clear_ibuf [dreg:s7], $0x5FFFF;
	_ =	strace $0x90000046  }
0xb2: {  	s29 =	simm.s32 $0x9;
	_ =	strace $0x80000048  }
0xb3: {  	_ =	swait.ge [sflag:s29], $0x1  }
0xb4: {  	[sflag:s29] =	ssyncadd.s32 $0xFFFFFFFF  }
0xb5: {  	_ =	strace $0x90000048  }
0xb6: {  	_ =	sfence  }
0xb7: {  	s30 =	sld [smem:$0x0];
	_ =	sdelay $0x2  }
0xb8: {  	s31 =	sshll.u32 s1, $0xD;
	s1 =	sshrl.u32 s1, $0x2  }
0xb9: {  	s3 =	sand.u32 $0x4000, s31;
	s1 =	sadd.s32 s1, s30  }
0xba: {  	s0 =	sor.u32 s3, s0;
	s1 =	sshll.u32 s1, $0x11  }
0xbb: {  	s0 =	sor.u32 s1, s0  }
0xbc: {  	s0 =	sadd.s32 $0x8F2B, s0  }
0xbd: {  	[sflag:s0] =	ssyncadd.remote.s32 $0x1  }
0xbe: {  	_ =	sfence.sel $0xFFFF  }
0xbf: {  	[dreg:$0x0] =	wrdreg $0xFFFFFFFF;
	(pc) =	sbr.abs _section_cstart, $3  }
0xc0: {  	[dreg:$0x1] =	wrdreg $0xFFFFFFFF  }
0xc1: {  	_ =	task.clear_ibuf [dreg:s7], $0x2FFFF;
	_ =	strace $0x9FFFFFFF  }
0xc2: {  	(tm) =	ssettm $0x7FFFFFFF  }
0xc3: {  	_ =	shalt  }
tec
execute0_lowered:
.L_overlay_start_1:
0x0: {  	(tag) =	ssettag $0x1  }
0x1: {  	s0 =	srdreg.scid;
	s1 =	rddreg [dreg:$0x0]  }
0x2: {  	s4 =	stileid.u32;
	s2 =	rddreg [dreg:$0x1]  }
0x3: {  	s9 =	simm.s32 $0x9;
	s11 =	simm.s32 $0x64;
	s12 =	simm.s32 $0x4C00  }
0x4: {  	s16 =	simm.s32 $0x7E00;
	s19 =	simm.s32 $0xB000;
	s20 =	simm.s32 $0xC900  }
0x5: {  	s21 =	simm.s32 $0x1;
	s22 =	simm.s32 $0xE200;
	s23 =	simm.s32 $0xFB00  }
0x6: {  	s24 =	simm.s32 $0x2;
	s25 =	simm.s32 $0x3;
	s28 =	simm.s32 $0x5  }
0x7: {  	s29 =	simm.s32 $0x6;
	s30 =	simm.s32 $0x7;
	s0 =	sand.u32 $0x1, s0  }
0x8: {  	s31 =	simm.s32 $0x8;
	s5 =	sadd.s32 $0xF43000, s1;
	s3 =	sshll.u32 s0, $0x4  }
0x9: {  	s0 =	ssub.s32 $0x2, s0;
	s7 =	sor.u32 s4, s3;
	s3 =	simm.s32 $0x0  }
0xa: {  	s26 =	sshrl.u32 s0, $0x1;
	s4 =	smul.u32 $0x340, s7;
	[smem:$0x7FF] =	sst s3  }
0xb: {  	s0 =	ssub.s32 s0, s26;
	s7 =	sshll.u32 s7, $0x5;
	s26 =	simm.s32 $0x4  }
0xc: {  	_ =	strace $0x80000047;
	s8 =	smax.u32 s0, $0x1;
	s6 =	sadd.s32 s4, s1  }
0xd: {  	s4 =	sadd.s32 $0x7400, s1;
	s1 =	simm.s32 $0x0;
	s6 =	sadd.s32 $0xC00, s6  }
.LBB2_1:
0xe: {  	[tilespmem:s3], [sflag:$0x9] =	stream.linear.gather [hbm4b:s6+s3], $0x1A00, $0x38;
	[tilespmem:$0x11400] =	vst v63  }
0xf: {  	_ =	swait.ge [sflag:s9], $0x1A00  }
0x10: {  	[sflag:s9] =	ssyncset.done $0x0  }
0x11: {  	s0 =	simm.s32 $0x1A00;
	[sflag:s9] =	ssyncadd.s32 $0xFFFFE600  }
0x12: {  	[tilespmem:s0], [sflag:$0x9] =	stream.linear.gather [hbm4b:s4+s3], $0x3200, $0x38;
	[tilespmem:$0x11400] =	vst v63  }
0x13: {  	_ =	swait.ge [sflag:s9], $0x3200  }
0x14: {  	[sflag:s9] =	ssyncset.done $0x0  }
0x15: {  	[sflag:s9] =	ssyncadd.s32 $0xFFFFCE00  }
0x16: {  	[tilespmem:s12], [sflag:$0x1] =	stream.indirect.gather [hbm4b:s5+s11], $0x40, s3, s11, $0xb8;
	[tilespmem:$0x11400] =	vst v63  }
0x17: {  	s14 =	simm.s32 $0x68;
	s10 =	simm.s32 $0x6500  }
0x18: {  	[tilespmem:s10], [sflag:$0x1] =	stream.indirect.gather [hbm4b:s5+s11], $0x40, s14, s11, $0xb8;
	[tilespmem:$0x11400] =	vst v63  }
0x19: {  	s15 =	simm.s32 $0xD0  }
0x1a: {  	[tilespmem:s16], [sflag:$0x2] =	stream.indirect.gather [hbm4b:s5+s11], $0x40, s15, s11, $0xb8;
	[tilespmem:$0x11400] =	vst v63  }
0x1b: {  	s17 =	simm.s32 $0x138;
	s18 =	simm.s32 $0x9700;
	s0 =	simm.s32 $0x0  }
0x1c: {  	[tilespmem:s18], [sflag:$0x2] =	stream.indirect.gather [hbm4b:s5+s11], $0x40, s17, s11, $0xb8;
	[tilespmem:$0x11400] =	vst v63  }
.LBB2_2:
0x1d: {  	s14 =	sshll.u32 s0, $0x2;
	p0 =	seq.s32 s0, $0x0  }
0x1e: {  	s13 =	sor.u32 $0x2, s14;
	s10 =	simm.s32 @!p0 $0x7  }
0x1f: {  	_ =	swait.ge @!p0 [sflag:s10], $0x3200;
	s15 =	smul.u32 $0x340, s13  }
0x20: {  	[sflag:s10] =	ssyncset.done @!p0 $0x0  }
0x21: {  	[sflag:s10] =	ssyncadd.s32 @!p0 $0xFFFFCE00;
	s18 =	sshra.s32 s15, $0x2  }
0x22: {  	[tilespmem:s19], [sflag:$0x3] =	stream.indirect.gather [hbm4b:s5+s11], $0x40, s18, s11, $0xb8;
	[tilespmem:$0x11400] =	vst v63  }
0x23: {  	s10 =	sadd.s32 $0x68, s18  }
0x24: {  	[tilespmem:s20], [sflag:$0x3] =	stream.indirect.gather [hbm4b:s5+s11], $0x40, s10, s11, $0xb8;
	[tilespmem:$0x11400] =	vst v63  }
0x25: {  	_ =	swait.ge [sflag:s21], $0x1900  }
0x26: {  	[sflag:s21] =	ssyncset.done $0x0  }
0x27: {  	[sflag:s21] =	ssyncadd.s32 $0xFFFFE700  }
0x28: {  	_ =	swait.ge [sflag:s21], $0x1900  }
0x29: {  	[sflag:s21] =	ssyncset.done $0x0  }
0x2a: {  	s10 =	simm.s32 $0x0;
	[sflag:s21] =	ssyncadd.s32 $0xFFFFE700  }
0x2b: {  	v0 =	vld [tilespmem:s10+$0x1BF0]  }
0x2c: {  	v1 =	vld [tilespmem:s10+$0x1A00]  }
0x2d: {  	v2 =	vld [tilespmem:s10+$0x1A10]  }
0x2e: {  	v3 =	vld [tilespmem:s10+$0x1A20]  }
0x2f: {  	v4 =	vld [tilespmem:s10+$0x1A30]  }
0x30: {  	v5 =	vld [tilespmem:s10+$0x1A40]  }
0x31: {  	v6 =	vld [tilespmem:s10+$0x1A50]  }
0x32: {  	v7 =	vld [tilespmem:s10+$0x1A60]  }
0x33: {  	v8 =	vld [tilespmem:s10+$0x1A70]  }
0x34: {  	v9 =	vld [tilespmem:s10+$0x1A80]  }
0x35: {  	v10 =	vld [tilespmem:s10+$0x1A90]  }
0x36: {  	v11 =	vld [tilespmem:s10+$0x1AA0]  }
0x37: {  	v12 =	vld [tilespmem:s10+$0x1AB0]  }
0x38: {  	v13 =	vld [tilespmem:s10+$0x1AC0]  }
0x39: {  	v14 =	vld [tilespmem:s10+$0x1AD0]  }
0x3a: {  	v15 =	vld [tilespmem:s10+$0x1AE0]  }
0x3b: {  	v16 =	vld [tilespmem:s10+$0x1AF0]  }
0x3c: {  	v17 =	vld [tilespmem:s10+$0x1B00]  }
0x3d: {  	v18 =	vld [tilespmem:s10+$0x1B10]  }
0x3e: {  	v19 =	vld [tilespmem:s10+$0x1B20]  }
0x3f: {  	v20 =	vld [tilespmem:s10+$0x1B30]  }
0x40: {  	v21 =	vld [tilespmem:s10+$0x1B40]  }
0x41: {  	v22 =	vld [tilespmem:s10+$0x1B50]  }
0x42: {  	v23 =	vld [tilespmem:s10+$0x1B60]  }
0x43: {  	v24 =	vld [tilespmem:s10+$0x1B70]  }
0x44: {  	v25 =	vld [tilespmem:s10+$0x1B80]  }
0x45: {  	v26 =	vld [tilespmem:s10+$0x1B90]  }
0x46: {  	v27 =	vld [tilespmem:s10+$0x1BA0]  }
0x47: {  	v28 =	vld [tilespmem:s10+$0x1BB0]  }
0x48: {  	v29 =	vld [tilespmem:s10+$0x1BC0]  }
0x49: {  	v30 =	vld [tilespmem:s10+$0x1BD0]  }
0x4a: {  	[tilespmem:s10+$0x4DF0] =	vst.add.f32.msk $0xffff, v0  }
0x4b: {  	v0 =	vld [tilespmem:s10+$0x1BE0]  }
0x4c: {  	[tilespmem:s10+$0x4C00] =	vst.add.f32.msk $0xffff, v1  }
0x4d: {  	[tilespmem:s10+$0x4C10] =	vst.add.f32.msk $0xffff, v2  }
0x4e: {  	[tilespmem:s10+$0x4C20] =	vst.add.f32.msk $0xffff, v3  }
0x4f: {  	[tilespmem:s10+$0x4C30] =	vst.add.f32.msk $0xffff, v4  }
0x50: {  	[tilespmem:s10+$0x4C40] =	vst.add.f32.msk $0xffff, v5  }
0x51: {  	[tilespmem:s10+$0x4C50] =	vst.add.f32.msk $0xffff, v6  }
0x52: {  	[tilespmem:s10+$0x4C60] =	vst.add.f32.msk $0xffff, v7  }
0x53: {  	[tilespmem:s10+$0x4C70] =	vst.add.f32.msk $0xffff, v8  }
0x54: {  	[tilespmem:s10+$0x4C80] =	vst.add.f32.msk $0xffff, v9  }
0x55: {  	[tilespmem:s10+$0x4C90] =	vst.add.f32.msk $0xffff, v10  }
0x56: {  	[tilespmem:s10+$0x4CA0] =	vst.add.f32.msk $0xffff, v11  }
0x57: {  	[tilespmem:s10+$0x4CB0] =	vst.add.f32.msk $0xffff, v12  }
0x58: {  	[tilespmem:s10+$0x4CC0] =	vst.add.f32.msk $0xffff, v13  }
0x59: {  	[tilespmem:s10+$0x4CD0] =	vst.add.f32.msk $0xffff, v14  }
0x5a: {  	[tilespmem:s10+$0x4CE0] =	vst.add.f32.msk $0xffff, v15  }
0x5b: {  	[tilespmem:s10+$0x4CF0] =	vst.add.f32.msk $0xffff, v16  }
0x5c: {  	[tilespmem:s10+$0x4D00] =	vst.add.f32.msk $0xffff, v17  }
0x5d: {  	[tilespmem:s10+$0x4D10] =	vst.add.f32.msk $0xffff, v18  }
0x5e: {  	[tilespmem:s10+$0x4D20] =	vst.add.f32.msk $0xffff, v19  }
0x5f: {  	[tilespmem:s10+$0x4D30] =	vst.add.f32.msk $0xffff, v20  }
0x60: {  	[tilespmem:s10+$0x4D40] =	vst.add.f32.msk $0xffff, v21  }
0x61: {  	[tilespmem:s10+$0x4D50] =	vst.add.f32.msk $0xffff, v22  }
0x62: {  	[tilespmem:s10+$0x4D60] =	vst.add.f32.msk $0xffff, v23  }
0x63: {  	[tilespmem:s10+$0x4D70] =	vst.add.f32.msk $0xffff, v24  }
0x64: {  	[tilespmem:s10+$0x4D80] =	vst.add.f32.msk $0xffff, v25  }
0x65: {  	[tilespmem:s10+$0x4D90] =	vst.add.f32.msk $0xffff, v26  }
0x66: {  	[tilespmem:s10+$0x4DA0] =	vst.add.f32.msk $0xffff, v27  }
0x67: {  	[tilespmem:s10+$0x4DB0] =	vst.add.f32.msk $0xffff, v28  }
0x68: {  	[tilespmem:s10+$0x4DC0] =	vst.add.f32.msk $0xffff, v29  }
0x69: {  	s17 =	simm.s32 $0x800;
	s15 =	simm.s32 $0x0;
	[tilespmem:s10+$0x4DD0] =	vst.add.f32.msk $0xffff, v30  }
.LBB2_3:
0x6a: {  	s15 =	sadd.s32 $0x8, s15;
	[tilespmem:s10+$0x4DE0] =	vst.add.f32.msk $0xffff, v0;
	s10 =	sshra.s32 s17, $0x2  }
0x6b: {  	v0 =	vld [tilespmem:s10+$0x1BF0];
	p1 =	slt.u32 s15, $0xC0  }
0x6c: {  	v1 =	vld [tilespmem:s10+$0x1A00]  }
0x6d: {  	v2 =	vld [tilespmem:s10+$0x1A10]  }
0x6e: {  	v3 =	vld [tilespmem:s10+$0x1A20]  }
0x6f: {  	v4 =	vld [tilespmem:s10+$0x1A30]  }
0x70: {  	[tilespmem:s10+$0x4DF0] =	vst.add.f32.msk $0xffff, v0  }
0x71: {  	v5 =	vld [tilespmem:s10+$0x1A40]  }
0x72: {  	v6 =	vld [tilespmem:s10+$0x1A50]  }
0x73: {  	v7 =	vld [tilespmem:s10+$0x1A60]  }
0x74: {  	v8 =	vld [tilespmem:s10+$0x1A70]  }
0x75: {  	v9 =	vld [tilespmem:s10+$0x1A80]  }
0x76: {  	v10 =	vld [tilespmem:s10+$0x1A90]  }
0x77: {  	v11 =	vld [tilespmem:s10+$0x1AA0]  }
0x78: {  	v12 =	vld [tilespmem:s10+$0x1AB0]  }
0x79: {  	v13 =	vld [tilespmem:s10+$0x1AC0]  }
0x7a: {  	v14 =	vld [tilespmem:s10+$0x1AD0]  }
0x7b: {  	v15 =	vld [tilespmem:s10+$0x1AE0]  }
0x7c: {  	v16 =	vld [tilespmem:s10+$0x1AF0]  }
0x7d: {  	v17 =	vld [tilespmem:s10+$0x1B00]  }
0x7e: {  	v18 =	vld [tilespmem:s10+$0x1B10]  }
0x7f: {  	v19 =	vld [tilespmem:s10+$0x1B20]  }
0x80: {  	v20 =	vld [tilespmem:s10+$0x1B30]  }
0x81: {  	v21 =	vld [tilespmem:s10+$0x1B40]  }
0x82: {  	v22 =	vld [tilespmem:s10+$0x1B50]  }
0x83: {  	v23 =	vld [tilespmem:s10+$0x1B60]  }
0x84: {  	v24 =	vld [tilespmem:s10+$0x1B70]  }
0x85: {  	v25 =	vld [tilespmem:s10+$0x1B80]  }
0x86: {  	v26 =	vld [tilespmem:s10+$0x1B90]  }
0x87: {  	v27 =	vld [tilespmem:s10+$0x1BA0]  }
0x88: {  	v28 =	vld [tilespmem:s10+$0x1BB0]  }
0x89: {  	v29 =	vld [tilespmem:s10+$0x1BC0]  }
0x8a: {  	v30 =	vld [tilespmem:s10+$0x1BD0]  }
0x8b: {  	v0 =	vld [tilespmem:s10+$0x1BE0]  }
0x8c: {  	[tilespmem:s10+$0x4C00] =	vst.add.f32.msk $0xffff, v1  }
0x8d: {  	[tilespmem:s10+$0x4C10] =	vst.add.f32.msk $0xffff, v2  }
0x8e: {  	[tilespmem:s10+$0x4C20] =	vst.add.f32.msk $0xffff, v3  }
0x8f: {  	[tilespmem:s10+$0x4C30] =	vst.add.f32.msk $0xffff, v4  }
0x90: {  	[tilespmem:s10+$0x4C40] =	vst.add.f32.msk $0xffff, v5  }
0x91: {  	[tilespmem:s10+$0x4C50] =	vst.add.f32.msk $0xffff, v6  }
0x92: {  	[tilespmem:s10+$0x4C60] =	vst.add.f32.msk $0xffff, v7  }
0x93: {  	[tilespmem:s10+$0x4C70] =	vst.add.f32.msk $0xffff, v8  }
0x94: {  	[tilespmem:s10+$0x4C80] =	vst.add.f32.msk $0xffff, v9  }
0x95: {  	[tilespmem:s10+$0x4C90] =	vst.add.f32.msk $0xffff, v10  }
0x96: {  	[tilespmem:s10+$0x4CA0] =	vst.add.f32.msk $0xffff, v11  }
0x97: {  	[tilespmem:s10+$0x4CB0] =	vst.add.f32.msk $0xffff, v12  }
0x98: {  	[tilespmem:s10+$0x4CC0] =	vst.add.f32.msk $0xffff, v13  }
0x99: {  	[tilespmem:s10+$0x4CD0] =	vst.add.f32.msk $0xffff, v14  }
0x9a: {  	[tilespmem:s10+$0x4CE0] =	vst.add.f32.msk $0xffff, v15  }
0x9b: {  	[tilespmem:s10+$0x4CF0] =	vst.add.f32.msk $0xffff, v16  }
0x9c: {  	[tilespmem:s10+$0x4D00] =	vst.add.f32.msk $0xffff, v17  }
0x9d: {  	[tilespmem:s10+$0x4D10] =	vst.add.f32.msk $0xffff, v18  }
0x9e: {  	[tilespmem:s10+$0x4D20] =	vst.add.f32.msk $0xffff, v19  }
0x9f: {  	[tilespmem:s10+$0x4D30] =	vst.add.f32.msk $0xffff, v20  }
0xa0: {  	[tilespmem:s10+$0x4D40] =	vst.add.f32.msk $0xffff, v21  }
0xa1: {  	[tilespmem:s10+$0x4D50] =	vst.add.f32.msk $0xffff, v22  }
0xa2: {  	[tilespmem:s10+$0x4D60] =	vst.add.f32.msk $0xffff, v23  }
0xa3: {  	[tilespmem:s10+$0x4D70] =	vst.add.f32.msk $0xffff, v24  }
0xa4: {  	[tilespmem:s10+$0x4D80] =	vst.add.f32.msk $0xffff, v25  }
.Ltmp0:
0xa5: {  	[tilespmem:s10+$0x4D90] =	vst.add.f32.msk $0xffff, v26;
	(pc) =	sbr.rel @p1 .LBB2_3-.Ltmp0, $4  }
0xa6: {  	[tilespmem:s10+$0x4DA0] =	vst.add.f32.msk $0xffff, v27  }
0xa7: {  	[tilespmem:s10+$0x4DB0] =	vst.add.f32.msk $0xffff, v28  }
0xa8: {  	[tilespmem:s10+$0x4DC0] =	vst.add.f32.msk $0xffff, v29  }
0xa9: {  	s17 =	sadd.s32 $0x800, s17;
	[tilespmem:s10+$0x4DD0] =	vst.add.f32.msk $0xffff, v30  }
0xaa: {  	s15 =	sadd.s32 s7, s14  }
0xab: {  	s15 =	smul.u32 $0x640, s15;
	_ =	sdelay $0x1  }
0xac: {  	[tilespmem:s10+$0x4DE0] =	vst.add.f32.msk $0xffff, v0;
	s10 =	sor.u32 $0x3, s14;
	s17 =	sadd.s32 s2, s15;
	s15 =	simm.s32 @!p0 $0x8  }
0xad: {  	[hbm4b:s17+s3] =	stream.linear.scatter [tilespmem:s12], [sflag:$0x5], $0x3200, $0x38;
	[tilespmem:$0x11400] =	vst v63  }
0xae: {  	s17 =	smul.u32 $0x340, s10;
	_ =	swait.ge @!p0 [sflag:s15], $0x3200  }
0xaf: {  	[sflag:s15] =	ssyncset.done @!p0 $0x0  }
0xb0: {  	s18 =	sshra.s32 s17, $0x2;
	[sflag:s15] =	ssyncadd.s32 @!p0 $0xFFFFCE00  }
0xb1: {  	[tilespmem:s22], [sflag:$0x4] =	stream.indirect.gather [hbm4b:s5+s11], $0x40, s18, s11, $0xb8;
	[tilespmem:$0x11400] =	vst v63  }
0xb2: {  	s15 =	sadd.s32 $0x68, s18  }
0xb3: {  	[tilespmem:s23], [sflag:$0x4] =	stream.indirect.gather [hbm4b:s5+s11], $0x40, s15, s11, $0xb8;
	[tilespmem:$0x11400] =	vst v63  }
0xb4: {  	_ =	swait.ge [sflag:s24], $0x1900  }
0xb5: {  	[sflag:s24] =	ssyncset.done $0x0  }
0xb6: {  	[sflag:s24] =	ssyncadd.s32 $0xFFFFE700  }
0xb7: {  	_ =	swait.ge [sflag:s24], $0x1900  }
0xb8: {  	[sflag:s24] =	ssyncset.done $0x0  }
0xb9: {  	s15 =	simm.s32 $0x0;
	[sflag:s24] =	ssyncadd.s32 $0xFFFFE700  }
0xba: {  	v0 =	vld [tilespmem:s15+$0x1BF0]  }
0xbb: {  	v1 =	vld [tilespmem:s15+$0x1A00]  }
0xbc: {  	v2 =	vld [tilespmem:s15+$0x1A10]  }
0xbd: {  	v3 =	vld [tilespmem:s15+$0x1A20]  }
0xbe: {  	v4 =	vld [tilespmem:s15+$0x1A30]  }
0xbf: {  	v5 =	vld [tilespmem:s15+$0x1A40]  }
0xc0: {  	v6 =	vld [tilespmem:s15+$0x1A50]  }
0xc1: {  	v7 =	vld [tilespmem:s15+$0x1A60]  }
0xc2: {  	v8 =	vld [tilespmem:s15+$0x1A70]  }
0xc3: {  	v9 =	vld [tilespmem:s15+$0x1A80]  }
0xc4: {  	v10 =	vld [tilespmem:s15+$0x1A90]  }
0xc5: {  	v11 =	vld [tilespmem:s15+$0x1AA0]  }
0xc6: {  	v12 =	vld [tilespmem:s15+$0x1AB0]  }
0xc7: {  	v13 =	vld [tilespmem:s15+$0x1AC0]  }
0xc8: {  	v14 =	vld [tilespmem:s15+$0x1AD0]  }
0xc9: {  	v15 =	vld [tilespmem:s15+$0x1AE0]  }
0xca: {  	v16 =	vld [tilespmem:s15+$0x1AF0]  }
0xcb: {  	v17 =	vld [tilespmem:s15+$0x1B00]  }
0xcc: {  	v18 =	vld [tilespmem:s15+$0x1B10]  }
0xcd: {  	v19 =	vld [tilespmem:s15+$0x1B20]  }
0xce: {  	v20 =	vld [tilespmem:s15+$0x1B30]  }
0xcf: {  	v21 =	vld [tilespmem:s15+$0x1B40]  }
0xd0: {  	v22 =	vld [tilespmem:s15+$0x1B50]  }
0xd1: {  	v23 =	vld [tilespmem:s15+$0x1B60]  }
0xd2: {  	v24 =	vld [tilespmem:s15+$0x1B70]  }
0xd3: {  	v25 =	vld [tilespmem:s15+$0x1B80]  }
0xd4: {  	v26 =	vld [tilespmem:s15+$0x1B90]  }
0xd5: {  	v27 =	vld [tilespmem:s15+$0x1BA0]  }
0xd6: {  	v28 =	vld [tilespmem:s15+$0x1BB0]  }
0xd7: {  	v29 =	vld [tilespmem:s15+$0x1BC0]  }
0xd8: {  	v30 =	vld [tilespmem:s15+$0x1BD0]  }
0xd9: {  	[tilespmem:s15+$0x7FF0] =	vst.add.f32.msk $0xffff, v0  }
0xda: {  	v0 =	vld [tilespmem:s15+$0x1BE0]  }
0xdb: {  	[tilespmem:s15+$0x7E00] =	vst.add.f32.msk $0xffff, v1  }
0xdc: {  	[tilespmem:s15+$0x7E10] =	vst.add.f32.msk $0xffff, v2  }
0xdd: {  	[tilespmem:s15+$0x7E20] =	vst.add.f32.msk $0xffff, v3  }
0xde: {  	[tilespmem:s15+$0x7E30] =	vst.add.f32.msk $0xffff, v4  }
0xdf: {  	[tilespmem:s15+$0x7E40] =	vst.add.f32.msk $0xffff, v5  }
0xe0: {  	[tilespmem:s15+$0x7E50] =	vst.add.f32.msk $0xffff, v6  }
0xe1: {  	[tilespmem:s15+$0x7E60] =	vst.add.f32.msk $0xffff, v7  }
0xe2: {  	[tilespmem:s15+$0x7E70] =	vst.add.f32.msk $0xffff, v8  }
0xe3: {  	[tilespmem:s15+$0x7E80] =	vst.add.f32.msk $0xffff, v9  }
0xe4: {  	[tilespmem:s15+$0x7E90] =	vst.add.f32.msk $0xffff, v10  }
0xe5: {  	[tilespmem:s15+$0x7EA0] =	vst.add.f32.msk $0xffff, v11  }
0xe6: {  	[tilespmem:s15+$0x7EB0] =	vst.add.f32.msk $0xffff, v12  }
0xe7: {  	[tilespmem:s15+$0x7EC0] =	vst.add.f32.msk $0xffff, v13  }
0xe8: {  	[tilespmem:s15+$0x7ED0] =	vst.add.f32.msk $0xffff, v14  }
0xe9: {  	[tilespmem:s15+$0x7EE0] =	vst.add.f32.msk $0xffff, v15  }
0xea: {  	[tilespmem:s15+$0x7EF0] =	vst.add.f32.msk $0xffff, v16  }
0xeb: {  	[tilespmem:s15+$0x7F00] =	vst.add.f32.msk $0xffff, v17  }
0xec: {  	[tilespmem:s15+$0x7F10] =	vst.add.f32.msk $0xffff, v18  }
0xed: {  	[tilespmem:s15+$0x7F20] =	vst.add.f32.msk $0xffff, v19  }
0xee: {  	[tilespmem:s15+$0x7F30] =	vst.add.f32.msk $0xffff, v20  }
0xef: {  	[tilespmem:s15+$0x7F40] =	vst.add.f32.msk $0xffff, v21  }
0xf0: {  	[tilespmem:s15+$0x7F50] =	vst.add.f32.msk $0xffff, v22  }
0xf1: {  	[tilespmem:s15+$0x7F60] =	vst.add.f32.msk $0xffff, v23  }
0xf2: {  	[tilespmem:s15+$0x7F70] =	vst.add.f32.msk $0xffff, v24  }
0xf3: {  	[tilespmem:s15+$0x7F80] =	vst.add.f32.msk $0xffff, v25  }
0xf4: {  	[tilespmem:s15+$0x7F90] =	vst.add.f32.msk $0xffff, v26  }
0xf5: {  	[tilespmem:s15+$0x7FA0] =	vst.add.f32.msk $0xffff, v27  }
0xf6: {  	[tilespmem:s15+$0x7FB0] =	vst.add.f32.msk $0xffff, v28  }
0xf7: {  	[tilespmem:s15+$0x7FC0] =	vst.add.f32.msk $0xffff, v29  }
0xf8: {  	s14 =	sor.u32 $0x1, s14;
	s17 =	simm.s32 $0x0;
	s18 =	simm.s32 $0x800;
	[tilespmem:s15+$0x7FD0] =	vst.add.f32.msk $0xffff, v30  }
.LBB2_5:
0xf9: {  	s17 =	sadd.s32 $0x8, s17;
	[tilespmem:s15+$0x7FE0] =	vst.add.f32.msk $0xffff, v0;
	s15 =	sshra.s32 s18, $0x2  }
0xfa: {  	v0 =	vld [tilespmem:s15+$0x1BF0];
	p0 =	slt.u32 s17, $0xC0  }
0xfb: {  	v1 =	vld [tilespmem:s15+$0x1A00]  }
0xfc: {  	v2 =	vld [tilespmem:s15+$0x1A10]  }
0xfd: {  	v3 =	vld [tilespmem:s15+$0x1A20]  }
0xfe: {  	v4 =	vld [tilespmem:s15+$0x1A30]  }
0xff: {  	[tilespmem:s15+$0x7FF0] =	vst.add.f32.msk $0xffff, v0  }
0x100: {  	v5 =	vld [tilespmem:s15+$0x1A40]  }
0x101: {  	v6 =	vld [tilespmem:s15+$0x1A50]  }
0x102: {  	v7 =	vld [tilespmem:s15+$0x1A60]  }
0x103: {  	v8 =	vld [tilespmem:s15+$0x1A70]  }
0x104: {  	v9 =	vld [tilespmem:s15+$0x1A80]  }
0x105: {  	v10 =	vld [tilespmem:s15+$0x1A90]  }
0x106: {  	v11 =	vld [tilespmem:s15+$0x1AA0]  }
0x107: {  	v12 =	vld [tilespmem:s15+$0x1AB0]  }
0x108: {  	v13 =	vld [tilespmem:s15+$0x1AC0]  }
0x109: {  	v14 =	vld [tilespmem:s15+$0x1AD0]  }
0x10a: {  	v15 =	vld [tilespmem:s15+$0x1AE0]  }
0x10b: {  	v16 =	vld [tilespmem:s15+$0x1AF0]  }
0x10c: {  	v17 =	vld [tilespmem:s15+$0x1B00]  }
0x10d: {  	v18 =	vld [tilespmem:s15+$0x1B10]  }
0x10e: {  	v19 =	vld [tilespmem:s15+$0x1B20]  }
0x10f: {  	v20 =	vld [tilespmem:s15+$0x1B30]  }
0x110: {  	v21 =	vld [tilespmem:s15+$0x1B40]  }
0x111: {  	v22 =	vld [tilespmem:s15+$0x1B50]  }
0x112: {  	v23 =	vld [tilespmem:s15+$0x1B60]  }
0x113: {  	v24 =	vld [tilespmem:s15+$0x1B70]  }
0x114: {  	v25 =	vld [tilespmem:s15+$0x1B80]  }
0x115: {  	v26 =	vld [tilespmem:s15+$0x1B90]  }
0x116: {  	v27 =	vld [tilespmem:s15+$0x1BA0]  }
0x117: {  	v28 =	vld [tilespmem:s15+$0x1BB0]  }
0x118: {  	v29 =	vld [tilespmem:s15+$0x1BC0]  }
0x119: {  	v30 =	vld [tilespmem:s15+$0x1BD0]  }
0x11a: {  	v0 =	vld [tilespmem:s15+$0x1BE0]  }
0x11b: {  	[tilespmem:s15+$0x7E00] =	vst.add.f32.msk $0xffff, v1  }
0x11c: {  	[tilespmem:s15+$0x7E10] =	vst.add.f32.msk $0xffff, v2  }
0x11d: {  	[tilespmem:s15+$0x7E20] =	vst.add.f32.msk $0xffff, v3  }
0x11e: {  	[tilespmem:s15+$0x7E30] =	vst.add.f32.msk $0xffff, v4  }
0x11f: {  	[tilespmem:s15+$0x7E40] =	vst.add.f32.msk $0xffff, v5  }
0x120: {  	[tilespmem:s15+$0x7E50] =	vst.add.f32.msk $0xffff, v6  }
0x121: {  	[tilespmem:s15+$0x7E60] =	vst.add.f32.msk $0xffff, v7  }
0x122: {  	[tilespmem:s15+$0x7E70] =	vst.add.f32.msk $0xffff, v8  }
0x123: {  	[tilespmem:s15+$0x7E80] =	vst.add.f32.msk $0xffff, v9  }
0x124: {  	[tilespmem:s15+$0x7E90] =	vst.add.f32.msk $0xffff, v10  }
0x125: {  	[tilespmem:s15+$0x7EA0] =	vst.add.f32.msk $0xffff, v11  }
0x126: {  	[tilespmem:s15+$0x7EB0] =	vst.add.f32.msk $0xffff, v12  }
0x127: {  	[tilespmem:s15+$0x7EC0] =	vst.add.f32.msk $0xffff, v13  }
0x128: {  	[tilespmem:s15+$0x7ED0] =	vst.add.f32.msk $0xffff, v14  }
0x129: {  	[tilespmem:s15+$0x7EE0] =	vst.add.f32.msk $0xffff, v15  }
0x12a: {  	[tilespmem:s15+$0x7EF0] =	vst.add.f32.msk $0xffff, v16  }
0x12b: {  	[tilespmem:s15+$0x7F00] =	vst.add.f32.msk $0xffff, v17  }
0x12c: {  	[tilespmem:s15+$0x7F10] =	vst.add.f32.msk $0xffff, v18  }
0x12d: {  	[tilespmem:s15+$0x7F20] =	vst.add.f32.msk $0xffff, v19  }
0x12e: {  	[tilespmem:s15+$0x7F30] =	vst.add.f32.msk $0xffff, v20  }
0x12f: {  	[tilespmem:s15+$0x7F40] =	vst.add.f32.msk $0xffff, v21  }
0x130: {  	[tilespmem:s15+$0x7F50] =	vst.add.f32.msk $0xffff, v22  }
0x131: {  	[tilespmem:s15+$0x7F60] =	vst.add.f32.msk $0xffff, v23  }
0x132: {  	[tilespmem:s15+$0x7F70] =	vst.add.f32.msk $0xffff, v24  }
0x133: {  	[tilespmem:s15+$0x7F80] =	vst.add.f32.msk $0xffff, v25  }
.Ltmp1:
0x134: {  	[tilespmem:s15+$0x7F90] =	vst.add.f32.msk $0xffff, v26;
	(pc) =	sbr.rel @p0 .LBB2_5-.Ltmp1, $4  }
0x135: {  	[tilespmem:s15+$0x7FA0] =	vst.add.f32.msk $0xffff, v27  }
0x136: {  	[tilespmem:s15+$0x7FB0] =	vst.add.f32.msk $0xffff, v28  }
0x137: {  	[tilespmem:s15+$0x7FC0] =	vst.add.f32.msk $0xffff, v29  }
0x138: {  	s18 =	sadd.s32 $0x800, s18;
	[tilespmem:s15+$0x7FD0] =	vst.add.f32.msk $0xffff, v30  }
0x139: {  	s14 =	sadd.s32 s7, s14  }
0x13a: {  	s14 =	smul.u32 $0x640, s14;
	_ =	sdelay $0x1  }
0x13b: {  	[tilespmem:s15+$0x7FE0] =	vst.add.f32.msk $0xffff, v0;
	p0 =	seq.s32 s0, $0x7;
	s14 =	sadd.s32 s2, s14  }
0x13c: {  	[hbm4b:s14+s3] =	stream.linear.scatter [tilespmem:s16], [sflag:$0x6], $0x3200, $0x38;
	[tilespmem:$0x11400] =	vst v63  }
0x13d: {  	s14 =	simm.s32 @!p0 $0x5  }
0x13e: {  	s15 =	smul.u32 @!p0 $0xD00, s0;
	_ =	swait.ge @!p0 [sflag:s14], $0x3200  }
0x13f: {  	[sflag:s14] =	ssyncset.done @!p0 $0x0  }
0x140: {  	[sflag:s14] =	ssyncadd.s32 @!p0 $0xFFFFCE00;
	s14 =	sshra.s32 @!p0 s15, $0x2  }
0x141: {  	s17 =	simm.s32 @!p0 $0x64;
	s18 =	simm.s32 @!p0 $0x4C00;
	s15 =	sadd.s32 @!p0 $0x340, s14  }
0x142: {  	[tilespmem:s18], [sflag:$0x1] =	stream.indirect.gather @!p0 [hbm4b:s5+s17], $0x40, s15, s17, $0xb8;
	[tilespmem:$0x11400] =	vst v63  }
0x143: {  	s15 =	sadd.s32 @!p0 $0x3A8, s14;
	s18 =	simm.s32 @!p0 $0x6500  }
0x144: {  	[tilespmem:s18], [sflag:$0x1] =	stream.indirect.gather @!p0 [hbm4b:s5+s17], $0x40, s15, s17, $0xb8;
	[tilespmem:$0x11400] =	vst v63  }
0x145: {  	_ =	swait.ge [sflag:s25], $0x1900  }
0x146: {  	[sflag:s25] =	ssyncset.done $0x0  }
0x147: {  	[sflag:s25] =	ssyncadd.s32 $0xFFFFE700  }
0x148: {  	_ =	swait.ge [sflag:s25], $0x1900  }
0x149: {  	[sflag:s25] =	ssyncset.done $0x0  }
0x14a: {  	s15 =	simm.s32 $0x0;
	[sflag:s25] =	ssyncadd.s32 $0xFFFFE700  }
0x14b: {  	v0 =	vld [tilespmem:s15+$0x1BF0]  }
0x14c: {  	v1 =	vld [tilespmem:s15+$0x1A00]  }
0x14d: {  	v2 =	vld [tilespmem:s15+$0x1A10]  }
0x14e: {  	v3 =	vld [tilespmem:s15+$0x1A20]  }
0x14f: {  	v4 =	vld [tilespmem:s15+$0x1A30]  }
0x150: {  	v5 =	vld [tilespmem:s15+$0x1A40]  }
0x151: {  	v6 =	vld [tilespmem:s15+$0x1A50]  }
0x152: {  	v7 =	vld [tilespmem:s15+$0x1A60]  }
0x153: {  	v8 =	vld [tilespmem:s15+$0x1A70]  }
0x154: {  	v9 =	vld [tilespmem:s15+$0x1A80]  }
0x155: {  	v10 =	vld [tilespmem:s15+$0x1A90]  }
0x156: {  	v11 =	vld [tilespmem:s15+$0x1AA0]  }
0x157: {  	v12 =	vld [tilespmem:s15+$0x1AB0]  }
0x158: {  	v13 =	vld [tilespmem:s15+$0x1AC0]  }
0x159: {  	v14 =	vld [tilespmem:s15+$0x1AD0]  }
0x15a: {  	v15 =	vld [tilespmem:s15+$0x1AE0]  }
0x15b: {  	v16 =	vld [tilespmem:s15+$0x1AF0]  }
0x15c: {  	v17 =	vld [tilespmem:s15+$0x1B00]  }
0x15d: {  	v18 =	vld [tilespmem:s15+$0x1B10]  }
0x15e: {  	v19 =	vld [tilespmem:s15+$0x1B20]  }
0x15f: {  	v20 =	vld [tilespmem:s15+$0x1B30]  }
0x160: {  	v21 =	vld [tilespmem:s15+$0x1B40]  }
0x161: {  	v22 =	vld [tilespmem:s15+$0x1B50]  }
0x162: {  	v23 =	vld [tilespmem:s15+$0x1B60]  }
0x163: {  	v24 =	vld [tilespmem:s15+$0x1B70]  }
0x164: {  	v25 =	vld [tilespmem:s15+$0x1B80]  }
0x165: {  	v26 =	vld [tilespmem:s15+$0x1B90]  }
0x166: {  	v27 =	vld [tilespmem:s15+$0x1BA0]  }
0x167: {  	v28 =	vld [tilespmem:s15+$0x1BB0]  }
0x168: {  	v29 =	vld [tilespmem:s15+$0x1BC0]  }
0x169: {  	v30 =	vld [tilespmem:s15+$0x1BD0]  }
0x16a: {  	[tilespmem:s15+$0xB1F0] =	vst.add.f32.msk $0xffff, v0  }
0x16b: {  	v0 =	vld [tilespmem:s15+$0x1BE0]  }
0x16c: {  	[tilespmem:s15+$0xB000] =	vst.add.f32.msk $0xffff, v1  }
0x16d: {  	[tilespmem:s15+$0xB010] =	vst.add.f32.msk $0xffff, v2  }
0x16e: {  	[tilespmem:s15+$0xB020] =	vst.add.f32.msk $0xffff, v3  }
0x16f: {  	[tilespmem:s15+$0xB030] =	vst.add.f32.msk $0xffff, v4  }
0x170: {  	[tilespmem:s15+$0xB040] =	vst.add.f32.msk $0xffff, v5  }
0x171: {  	[tilespmem:s15+$0xB050] =	vst.add.f32.msk $0xffff, v6  }
0x172: {  	[tilespmem:s15+$0xB060] =	vst.add.f32.msk $0xffff, v7  }
0x173: {  	[tilespmem:s15+$0xB070] =	vst.add.f32.msk $0xffff, v8  }
0x174: {  	[tilespmem:s15+$0xB080] =	vst.add.f32.msk $0xffff, v9  }
0x175: {  	[tilespmem:s15+$0xB090] =	vst.add.f32.msk $0xffff, v10  }
0x176: {  	[tilespmem:s15+$0xB0A0] =	vst.add.f32.msk $0xffff, v11  }
0x177: {  	[tilespmem:s15+$0xB0B0] =	vst.add.f32.msk $0xffff, v12  }
0x178: {  	[tilespmem:s15+$0xB0C0] =	vst.add.f32.msk $0xffff, v13  }
0x179: {  	[tilespmem:s15+$0xB0D0] =	vst.add.f32.msk $0xffff, v14  }
0x17a: {  	[tilespmem:s15+$0xB0E0] =	vst.add.f32.msk $0xffff, v15  }
0x17b: {  	[tilespmem:s15+$0xB0F0] =	vst.add.f32.msk $0xffff, v16  }
0x17c: {  	[tilespmem:s15+$0xB100] =	vst.add.f32.msk $0xffff, v17  }
0x17d: {  	[tilespmem:s15+$0xB110] =	vst.add.f32.msk $0xffff, v18  }
0x17e: {  	[tilespmem:s15+$0xB120] =	vst.add.f32.msk $0xffff, v19  }
0x17f: {  	[tilespmem:s15+$0xB130] =	vst.add.f32.msk $0xffff, v20  }
0x180: {  	[tilespmem:s15+$0xB140] =	vst.add.f32.msk $0xffff, v21  }
0x181: {  	[tilespmem:s15+$0xB150] =	vst.add.f32.msk $0xffff, v22  }
0x182: {  	[tilespmem:s15+$0xB160] =	vst.add.f32.msk $0xffff, v23  }
0x183: {  	[tilespmem:s15+$0xB170] =	vst.add.f32.msk $0xffff, v24  }
0x184: {  	[tilespmem:s15+$0xB180] =	vst.add.f32.msk $0xffff, v25  }
0x185: {  	[tilespmem:s15+$0xB190] =	vst.add.f32.msk $0xffff, v26  }
0x186: {  	[tilespmem:s15+$0xB1A0] =	vst.add.f32.msk $0xffff, v27  }
0x187: {  	[tilespmem:s15+$0xB1B0] =	vst.add.f32.msk $0xffff, v28  }
0x188: {  	[tilespmem:s15+$0xB1C0] =	vst.add.f32.msk $0xffff, v29  }
0x189: {  	s17 =	simm.s32 $0x0;
	s18 =	simm.s32 $0x800;
	[tilespmem:s15+$0xB1D0] =	vst.add.f32.msk $0xffff, v30  }
.LBB2_7:
0x18a: {  	s17 =	sadd.s32 $0x8, s17;
	[tilespmem:s15+$0xB1E0] =	vst.add.f32.msk $0xffff, v0;
	s15 =	sshra.s32 s18, $0x2  }
0x18b: {  	v0 =	vld [tilespmem:s15+$0x1BF0];
	p1 =	slt.u32 s17, $0xC0  }
0x18c: {  	v1 =	vld [tilespmem:s15+$0x1A00]  }
0x18d: {  	v2 =	vld [tilespmem:s15+$0x1A10]  }
0x18e: {  	v3 =	vld [tilespmem:s15+$0x1A20]  }
0x18f: {  	v4 =	vld [tilespmem:s15+$0x1A30]  }
0x190: {  	[tilespmem:s15+$0xB1F0] =	vst.add.f32.msk $0xffff, v0  }
0x191: {  	v5 =	vld [tilespmem:s15+$0x1A40]  }
0x192: {  	v6 =	vld [tilespmem:s15+$0x1A50]  }
0x193: {  	v7 =	vld [tilespmem:s15+$0x1A60]  }
0x194: {  	v8 =	vld [tilespmem:s15+$0x1A70]  }
0x195: {  	v9 =	vld [tilespmem:s15+$0x1A80]  }
0x196: {  	v10 =	vld [tilespmem:s15+$0x1A90]  }
0x197: {  	v11 =	vld [tilespmem:s15+$0x1AA0]  }
0x198: {  	v12 =	vld [tilespmem:s15+$0x1AB0]  }
0x199: {  	v13 =	vld [tilespmem:s15+$0x1AC0]  }
0x19a: {  	v14 =	vld [tilespmem:s15+$0x1AD0]  }
0x19b: {  	v15 =	vld [tilespmem:s15+$0x1AE0]  }
0x19c: {  	v16 =	vld [tilespmem:s15+$0x1AF0]  }
0x19d: {  	v17 =	vld [tilespmem:s15+$0x1B00]  }
0x19e: {  	v18 =	vld [tilespmem:s15+$0x1B10]  }
0x19f: {  	v19 =	vld [tilespmem:s15+$0x1B20]  }
0x1a0: {  	v20 =	vld [tilespmem:s15+$0x1B30]  }
0x1a1: {  	v21 =	vld [tilespmem:s15+$0x1B40]  }
0x1a2: {  	v22 =	vld [tilespmem:s15+$0x1B50]  }
0x1a3: {  	v23 =	vld [tilespmem:s15+$0x1B60]  }
0x1a4: {  	v24 =	vld [tilespmem:s15+$0x1B70]  }
0x1a5: {  	v25 =	vld [tilespmem:s15+$0x1B80]  }
0x1a6: {  	v26 =	vld [tilespmem:s15+$0x1B90]  }
0x1a7: {  	v27 =	vld [tilespmem:s15+$0x1BA0]  }
0x1a8: {  	v28 =	vld [tilespmem:s15+$0x1BB0]  }
0x1a9: {  	v29 =	vld [tilespmem:s15+$0x1BC0]  }
0x1aa: {  	v30 =	vld [tilespmem:s15+$0x1BD0]  }
0x1ab: {  	v0 =	vld [tilespmem:s15+$0x1BE0]  }
0x1ac: {  	[tilespmem:s15+$0xB000] =	vst.add.f32.msk $0xffff, v1  }
0x1ad: {  	[tilespmem:s15+$0xB010] =	vst.add.f32.msk $0xffff, v2  }
0x1ae: {  	[tilespmem:s15+$0xB020] =	vst.add.f32.msk $0xffff, v3  }
0x1af: {  	[tilespmem:s15+$0xB030] =	vst.add.f32.msk $0xffff, v4  }
0x1b0: {  	[tilespmem:s15+$0xB040] =	vst.add.f32.msk $0xffff, v5  }
0x1b1: {  	[tilespmem:s15+$0xB050] =	vst.add.f32.msk $0xffff, v6  }
0x1b2: {  	[tilespmem:s15+$0xB060] =	vst.add.f32.msk $0xffff, v7  }
0x1b3: {  	[tilespmem:s15+$0xB070] =	vst.add.f32.msk $0xffff, v8  }
0x1b4: {  	[tilespmem:s15+$0xB080] =	vst.add.f32.msk $0xffff, v9  }
0x1b5: {  	[tilespmem:s15+$0xB090] =	vst.add.f32.msk $0xffff, v10  }
0x1b6: {  	[tilespmem:s15+$0xB0A0] =	vst.add.f32.msk $0xffff, v11  }
0x1b7: {  	[tilespmem:s15+$0xB0B0] =	vst.add.f32.msk $0xffff, v12  }
0x1b8: {  	[tilespmem:s15+$0xB0C0] =	vst.add.f32.msk $0xffff, v13  }
0x1b9: {  	[tilespmem:s15+$0xB0D0] =	vst.add.f32.msk $0xffff, v14  }
0x1ba: {  	[tilespmem:s15+$0xB0E0] =	vst.add.f32.msk $0xffff, v15  }
0x1bb: {  	[tilespmem:s15+$0xB0F0] =	vst.add.f32.msk $0xffff, v16  }
0x1bc: {  	[tilespmem:s15+$0xB100] =	vst.add.f32.msk $0xffff, v17  }
0x1bd: {  	[tilespmem:s15+$0xB110] =	vst.add.f32.msk $0xffff, v18  }
0x1be: {  	[tilespmem:s15+$0xB120] =	vst.add.f32.msk $0xffff, v19  }
0x1bf: {  	[tilespmem:s15+$0xB130] =	vst.add.f32.msk $0xffff, v20  }
0x1c0: {  	[tilespmem:s15+$0xB140] =	vst.add.f32.msk $0xffff, v21  }
0x1c1: {  	[tilespmem:s15+$0xB150] =	vst.add.f32.msk $0xffff, v22  }
0x1c2: {  	[tilespmem:s15+$0xB160] =	vst.add.f32.msk $0xffff, v23  }
0x1c3: {  	[tilespmem:s15+$0xB170] =	vst.add.f32.msk $0xffff, v24  }
0x1c4: {  	[tilespmem:s15+$0xB180] =	vst.add.f32.msk $0xffff, v25  }
.Ltmp2:
0x1c5: {  	[tilespmem:s15+$0xB190] =	vst.add.f32.msk $0xffff, v26;
	(pc) =	sbr.rel @p1 .LBB2_7-.Ltmp2, $4  }
0x1c6: {  	[tilespmem:s15+$0xB1A0] =	vst.add.f32.msk $0xffff, v27  }
0x1c7: {  	[tilespmem:s15+$0xB1B0] =	vst.add.f32.msk $0xffff, v28  }
0x1c8: {  	[tilespmem:s15+$0xB1C0] =	vst.add.f32.msk $0xffff, v29  }
0x1c9: {  	s18 =	sadd.s32 $0x800, s18;
	[tilespmem:s15+$0xB1D0] =	vst.add.f32.msk $0xffff, v30  }
0x1ca: {  	s13 =	sadd.s32 s7, s13  }
0x1cb: {  	s13 =	smul.u32 $0x640, s13;
	_ =	sdelay $0x1  }
0x1cc: {  	[tilespmem:s15+$0xB1E0] =	vst.add.f32.msk $0xffff, v0;
	s13 =	sadd.s32 s2, s13  }
0x1cd: {  	[hbm4b:s13+s3] =	stream.linear.scatter [tilespmem:s19], [sflag:$0x7], $0x3200, $0x38;
	[tilespmem:$0x11400] =	vst v63  }
0x1ce: {  	s13 =	simm.s32 @!p0 $0x6  }
0x1cf: {  	_ =	swait.ge @!p0 [sflag:s13], $0x3200  }
0x1d0: {  	s15 =	simm.s32 @!p0 $0x64;
	[sflag:s13] =	ssyncset.done @!p0 $0x0  }
0x1d1: {  	s17 =	simm.s32 @!p0 $0x7E00;
	[sflag:s13] =	ssyncadd.s32 @!p0 $0xFFFFCE00;
	s13 =	sadd.s32 @!p0 $0x410, s14  }
0x1d2: {  	[tilespmem:s17], [sflag:$0x2] =	stream.indirect.gather @!p0 [hbm4b:s5+s15], $0x40, s13, s15, $0xb8;
	[tilespmem:$0x11400] =	vst v63  }
0x1d3: {  	s13 =	sadd.s32 @!p0 $0x478, s14;
	s14 =	simm.s32 @!p0 $0x9700  }
0x1d4: {  	[tilespmem:s14], [sflag:$0x2] =	stream.indirect.gather @!p0 [hbm4b:s5+s15], $0x40, s13, s15, $0xb8;
	[tilespmem:$0x11400] =	vst v63  }
0x1d5: {  	_ =	swait.ge [sflag:s26], $0x1900  }
0x1d6: {  	[sflag:s26] =	ssyncset.done $0x0  }
0x1d7: {  	[sflag:s26] =	ssyncadd.s32 $0xFFFFE700  }
0x1d8: {  	_ =	swait.ge [sflag:s26], $0x1900  }
0x1d9: {  	[sflag:s26] =	ssyncset.done $0x0  }
0x1da: {  	s13 =	simm.s32 $0x0;
	[sflag:s26] =	ssyncadd.s32 $0xFFFFE700  }
0x1db: {  	v0 =	vld [tilespmem:s13+$0x1BF0]  }
0x1dc: {  	v1 =	vld [tilespmem:s13+$0x1A00]  }
0x1dd: {  	v2 =	vld [tilespmem:s13+$0x1A10]  }
0x1de: {  	v3 =	vld [tilespmem:s13+$0x1A20]  }
0x1df: {  	v4 =	vld [tilespmem:s13+$0x1A30]  }
0x1e0: {  	v5 =	vld [tilespmem:s13+$0x1A40]  }
0x1e1: {  	v6 =	vld [tilespmem:s13+$0x1A50]  }
0x1e2: {  	v7 =	vld [tilespmem:s13+$0x1A60]  }
0x1e3: {  	v8 =	vld [tilespmem:s13+$0x1A70]  }
0x1e4: {  	v9 =	vld [tilespmem:s13+$0x1A80]  }
0x1e5: {  	v10 =	vld [tilespmem:s13+$0x1A90]  }
0x1e6: {  	v11 =	vld [tilespmem:s13+$0x1AA0]  }
0x1e7: {  	v12 =	vld [tilespmem:s13+$0x1AB0]  }
0x1e8: {  	v13 =	vld [tilespmem:s13+$0x1AC0]  }
0x1e9: {  	v14 =	vld [tilespmem:s13+$0x1AD0]  }
0x1ea: {  	v15 =	vld [tilespmem:s13+$0x1AE0]  }
0x1eb: {  	v16 =	vld [tilespmem:s13+$0x1AF0]  }
0x1ec: {  	v17 =	vld [tilespmem:s13+$0x1B00]  }
0x1ed: {  	v18 =	vld [tilespmem:s13+$0x1B10]  }
0x1ee: {  	v19 =	vld [tilespmem:s13+$0x1B20]  }
0x1ef: {  	v20 =	vld [tilespmem:s13+$0x1B30]  }
0x1f0: {  	v21 =	vld [tilespmem:s13+$0x1B40]  }
0x1f1: {  	v22 =	vld [tilespmem:s13+$0x1B50]  }
0x1f2: {  	v23 =	vld [tilespmem:s13+$0x1B60]  }
0x1f3: {  	v24 =	vld [tilespmem:s13+$0x1B70]  }
0x1f4: {  	v25 =	vld [tilespmem:s13+$0x1B80]  }
0x1f5: {  	v26 =	vld [tilespmem:s13+$0x1B90]  }
0x1f6: {  	v27 =	vld [tilespmem:s13+$0x1BA0]  }
0x1f7: {  	v28 =	vld [tilespmem:s13+$0x1BB0]  }
0x1f8: {  	v29 =	vld [tilespmem:s13+$0x1BC0]  }
0x1f9: {  	v30 =	vld [tilespmem:s13+$0x1BD0]  }
0x1fa: {  	[tilespmem:s13+$0xE3F0] =	vst.add.f32.msk $0xffff, v0  }
0x1fb: {  	v0 =	vld [tilespmem:s13+$0x1BE0]  }
0x1fc: {  	[tilespmem:s13+$0xE200] =	vst.add.f32.msk $0xffff, v1  }
0x1fd: {  	[tilespmem:s13+$0xE210] =	vst.add.f32.msk $0xffff, v2  }
0x1fe: {  	[tilespmem:s13+$0xE220] =	vst.add.f32.msk $0xffff, v3  }
0x1ff: {  	[tilespmem:s13+$0xE230] =	vst.add.f32.msk $0xffff, v4  }
0x200: {  	[tilespmem:s13+$0xE240] =	vst.add.f32.msk $0xffff, v5  }
0x201: {  	[tilespmem:s13+$0xE250] =	vst.add.f32.msk $0xffff, v6  }
0x202: {  	[tilespmem:s13+$0xE260] =	vst.add.f32.msk $0xffff, v7  }
0x203: {  	[tilespmem:s13+$0xE270] =	vst.add.f32.msk $0xffff, v8  }
0x204: {  	[tilespmem:s13+$0xE280] =	vst.add.f32.msk $0xffff, v9  }
0x205: {  	[tilespmem:s13+$0xE290] =	vst.add.f32.msk $0xffff, v10  }
0x206: {  	[tilespmem:s13+$0xE2A0] =	vst.add.f32.msk $0xffff, v11  }
0x207: {  	[tilespmem:s13+$0xE2B0] =	vst.add.f32.msk $0xffff, v12  }
0x208: {  	[tilespmem:s13+$0xE2C0] =	vst.add.f32.msk $0xffff, v13  }
0x209: {  	[tilespmem:s13+$0xE2D0] =	vst.add.f32.msk $0xffff, v14  }
0x20a: {  	[tilespmem:s13+$0xE2E0] =	vst.add.f32.msk $0xffff, v15  }
0x20b: {  	[tilespmem:s13+$0xE2F0] =	vst.add.f32.msk $0xffff, v16  }
0x20c: {  	[tilespmem:s13+$0xE300] =	vst.add.f32.msk $0xffff, v17  }
0x20d: {  	[tilespmem:s13+$0xE310] =	vst.add.f32.msk $0xffff, v18  }
0x20e: {  	[tilespmem:s13+$0xE320] =	vst.add.f32.msk $0xffff, v19  }
0x20f: {  	[tilespmem:s13+$0xE330] =	vst.add.f32.msk $0xffff, v20  }
0x210: {  	[tilespmem:s13+$0xE340] =	vst.add.f32.msk $0xffff, v21  }
0x211: {  	[tilespmem:s13+$0xE350] =	vst.add.f32.msk $0xffff, v22  }
0x212: {  	[tilespmem:s13+$0xE360] =	vst.add.f32.msk $0xffff, v23  }
0x213: {  	[tilespmem:s13+$0xE370] =	vst.add.f32.msk $0xffff, v24  }
0x214: {  	[tilespmem:s13+$0xE380] =	vst.add.f32.msk $0xffff, v25  }
0x215: {  	[tilespmem:s13+$0xE390] =	vst.add.f32.msk $0xffff, v26  }
0x216: {  	[tilespmem:s13+$0xE3A0] =	vst.add.f32.msk $0xffff, v27  }
0x217: {  	[tilespmem:s13+$0xE3B0] =	vst.add.f32.msk $0xffff, v28  }
0x218: {  	[tilespmem:s13+$0xE3C0] =	vst.add.f32.msk $0xffff, v29  }
0x219: {  	s14 =	simm.s32 $0x0;
	s15 =	simm.s32 $0x800;
	[tilespmem:s13+$0xE3D0] =	vst.add.f32.msk $0xffff, v30  }
.LBB2_9:
0x21a: {  	s14 =	sadd.s32 $0x8, s14;
	[tilespmem:s13+$0xE3E0] =	vst.add.f32.msk $0xffff, v0;
	s13 =	sshra.s32 s15, $0x2  }
0x21b: {  	v0 =	vld [tilespmem:s13+$0x1BF0];
	p0 =	slt.u32 s14, $0xC0  }
0x21c: {  	v1 =	vld [tilespmem:s13+$0x1A00]  }
0x21d: {  	v2 =	vld [tilespmem:s13+$0x1A10]  }
0x21e: {  	v3 =	vld [tilespmem:s13+$0x1A20]  }
0x21f: {  	v4 =	vld [tilespmem:s13+$0x1A30]  }
0x220: {  	[tilespmem:s13+$0xE3F0] =	vst.add.f32.msk $0xffff, v0  }
0x221: {  	v5 =	vld [tilespmem:s13+$0x1A40]  }
0x222: {  	v6 =	vld [tilespmem:s13+$0x1A50]  }
0x223: {  	v7 =	vld [tilespmem:s13+$0x1A60]  }
0x224: {  	v8 =	vld [tilespmem:s13+$0x1A70]  }
0x225: {  	v9 =	vld [tilespmem:s13+$0x1A80]  }
0x226: {  	v10 =	vld [tilespmem:s13+$0x1A90]  }
0x227: {  	v11 =	vld [tilespmem:s13+$0x1AA0]  }
0x228: {  	v12 =	vld [tilespmem:s13+$0x1AB0]  }
0x229: {  	v13 =	vld [tilespmem:s13+$0x1AC0]  }
0x22a: {  	v14 =	vld [tilespmem:s13+$0x1AD0]  }
0x22b: {  	v15 =	vld [tilespmem:s13+$0x1AE0]  }
0x22c: {  	v16 =	vld [tilespmem:s13+$0x1AF0]  }
0x22d: {  	v17 =	vld [tilespmem:s13+$0x1B00]  }
0x22e: {  	v18 =	vld [tilespmem:s13+$0x1B10]  }
0x22f: {  	v19 =	vld [tilespmem:s13+$0x1B20]  }
0x230: {  	v20 =	vld [tilespmem:s13+$0x1B30]  }
0x231: {  	v21 =	vld [tilespmem:s13+$0x1B40]  }
0x232: {  	v22 =	vld [tilespmem:s13+$0x1B50]  }
0x233: {  	v23 =	vld [tilespmem:s13+$0x1B60]  }
0x234: {  	v24 =	vld [tilespmem:s13+$0x1B70]  }
0x235: {  	v25 =	vld [tilespmem:s13+$0x1B80]  }
0x236: {  	v26 =	vld [tilespmem:s13+$0x1B90]  }
0x237: {  	v27 =	vld [tilespmem:s13+$0x1BA0]  }
0x238: {  	v28 =	vld [tilespmem:s13+$0x1BB0]  }
0x239: {  	v29 =	vld [tilespmem:s13+$0x1BC0]  }
0x23a: {  	v30 =	vld [tilespmem:s13+$0x1BD0]  }
0x23b: {  	v0 =	vld [tilespmem:s13+$0x1BE0]  }
0x23c: {  	[tilespmem:s13+$0xE200] =	vst.add.f32.msk $0xffff, v1  }
0x23d: {  	[tilespmem:s13+$0xE210] =	vst.add.f32.msk $0xffff, v2  }
0x23e: {  	[tilespmem:s13+$0xE220] =	vst.add.f32.msk $0xffff, v3  }
0x23f: {  	[tilespmem:s13+$0xE230] =	vst.add.f32.msk $0xffff, v4  }
0x240: {  	[tilespmem:s13+$0xE240] =	vst.add.f32.msk $0xffff, v5  }
0x241: {  	[tilespmem:s13+$0xE250] =	vst.add.f32.msk $0xffff, v6  }
0x242: {  	[tilespmem:s13+$0xE260] =	vst.add.f32.msk $0xffff, v7  }
0x243: {  	[tilespmem:s13+$0xE270] =	vst.add.f32.msk $0xffff, v8  }
0x244: {  	[tilespmem:s13+$0xE280] =	vst.add.f32.msk $0xffff, v9  }
0x245: {  	[tilespmem:s13+$0xE290] =	vst.add.f32.msk $0xffff, v10  }
0x246: {  	[tilespmem:s13+$0xE2A0] =	vst.add.f32.msk $0xffff, v11  }
0x247: {  	[tilespmem:s13+$0xE2B0] =	vst.add.f32.msk $0xffff, v12  }
0x248: {  	[tilespmem:s13+$0xE2C0] =	vst.add.f32.msk $0xffff, v13  }
0x249: {  	[tilespmem:s13+$0xE2D0] =	vst.add.f32.msk $0xffff, v14  }
0x24a: {  	[tilespmem:s13+$0xE2E0] =	vst.add.f32.msk $0xffff, v15  }
0x24b: {  	[tilespmem:s13+$0xE2F0] =	vst.add.f32.msk $0xffff, v16  }
0x24c: {  	[tilespmem:s13+$0xE300] =	vst.add.f32.msk $0xffff, v17  }
0x24d: {  	[tilespmem:s13+$0xE310] =	vst.add.f32.msk $0xffff, v18  }
0x24e: {  	[tilespmem:s13+$0xE320] =	vst.add.f32.msk $0xffff, v19  }
0x24f: {  	[tilespmem:s13+$0xE330] =	vst.add.f32.msk $0xffff, v20  }
0x250: {  	[tilespmem:s13+$0xE340] =	vst.add.f32.msk $0xffff, v21  }
0x251: {  	[tilespmem:s13+$0xE350] =	vst.add.f32.msk $0xffff, v22  }
0x252: {  	[tilespmem:s13+$0xE360] =	vst.add.f32.msk $0xffff, v23  }
0x253: {  	[tilespmem:s13+$0xE370] =	vst.add.f32.msk $0xffff, v24  }
0x254: {  	[tilespmem:s13+$0xE380] =	vst.add.f32.msk $0xffff, v25  }
.Ltmp3:
0x255: {  	[tilespmem:s13+$0xE390] =	vst.add.f32.msk $0xffff, v26;
	(pc) =	sbr.rel @p0 .LBB2_9-.Ltmp3, $4  }
0x256: {  	[tilespmem:s13+$0xE3A0] =	vst.add.f32.msk $0xffff, v27  }
0x257: {  	[tilespmem:s13+$0xE3B0] =	vst.add.f32.msk $0xffff, v28  }
0x258: {  	[tilespmem:s13+$0xE3C0] =	vst.add.f32.msk $0xffff, v29  }
0x259: {  	s15 =	sadd.s32 $0x800, s15;
	[tilespmem:s13+$0xE3D0] =	vst.add.f32.msk $0xffff, v30  }
0x25a: {  	s0 =	sadd.s32 $0x1, s0  }
0x25b: {  	p0 =	sne.s32 s0, $0x8  }
.Ltmp4:
0x25c: {  	s10 =	sadd.s32 s7, s10;
	(pc) =	sbr.rel @p0 .LBB2_2-.Ltmp4, $3  }
0x25d: {  	s10 =	smul.u32 $0x640, s10;
	_ =	sdelay $0x1  }
0x25e: {  	[tilespmem:s13+$0xE3E0] =	vst.add.f32.msk $0xffff, v0;
	s10 =	sadd.s32 s2, s10  }
0x25f: {  	[hbm4b:s10+s3] =	stream.linear.scatter [tilespmem:s22], [sflag:$0x8], $0x3200, $0x38;
	[tilespmem:$0x11400] =	vst v63  }
0x260: {  	_ =	swait.ge [sflag:s28], $0x3200  }
0x261: {  	[sflag:s28] =	ssyncset.done $0x0  }
0x262: {  	[sflag:s28] =	ssyncadd.s32 $0xFFFFCE00  }
0x263: {  	_ =	swait.ge [sflag:s29], $0x3200  }
0x264: {  	[sflag:s29] =	ssyncset.done $0x0  }
0x265: {  	s1 =	sadd.s32 $0x1, s1;
	[sflag:s29] =	ssyncadd.s32 $0xFFFFCE00  }
0x266: {  	p0 =	sne.s32 s1, s8;
	_ =	swait.ge [sflag:s30], $0x3200  }
.Ltmp5:
0x267: {  	[sflag:s30] =	ssyncset.done $0x0;
	(pc) =	sbr.rel @p0 .LBB2_1-.Ltmp5, $4  }
0x268: {  	[sflag:s30] =	ssyncadd.s32 $0xFFFFCE00  }
0x269: {  	_ =	swait.ge [sflag:s31], $0x3200  }
0x26a: {  	[sflag:s31] =	ssyncset.done $0x0  }
0x26b: {  	[sflag:s31] =	ssyncadd.s32 $0xFFFFCE00  }
0x26c: {  	_ =	sfence.sel $0x180000  }
0x26d: {  	[bflag:$0x0] =	sbarrier.arrive $0xFFFF  }
0x26e: {  	_ =	strace $0x90000047  }
0x26f: {  	s0 =	stileid.u32;
	[bflag:$0x2] =	sbarrier.arrive $0xFFFF  }
0x270: {  	p0 =	sne.s32 s0, $0x0;
	s0 =	rddreg [dreg:$0x2]  }
0x271: {  	s0 =	sadd.s32 @!p0 $0x100000, s0  }
0x272: {  	[sflag:s0] =	ssyncadd.tile.s32 @!p0 $0x1;
	_ =	shalt  }
.Lfunc_end2:
_tile_overlayer_lowered:
.L_overlay_start_2:
0x273: {  	(tag) =	ssettag $0x2  }
0x274: {  	s0 =	rddreg [dreg:$0x0];
	s2 =	stileid.u32  }
0x275: {  	s1 =	rddreg [dreg:$0x1];
	p0 =	sne.s32 s2, $0x0  }
0x276: {  	s3 =	rddreg [dreg:$0x2];
	[bflag:$0x3] =	sbarrier.arrive $0xFFFF;
	s2 =	simm.s32 @!p0 $0x1C09  }
0x277: {  	[timem:s3], [sflag:s2] =	dma.local @!p0 [hbm:s0], s1  }
0x278: {  	s0 =	simm.s32 @!p0 $0x9  }
0x279: {  	_ =	swait.ge @!p0 [sflag:s0], s1  }
0x27a: {  	s1 =	ssub.s32 @!p0 $0x0, s1;
	[sflag:s0] =	ssyncset.done @!p0 $0x0  }
0x27b: {  	[sflag:s0] =	ssyncadd.s32 @!p0 s1  }
0x27c: {  	[bflag:$0x3] =	sbarrier.arrive $0xFFFF  }
0x27d: {  	_ =	shalt  }

// kernel: sparse-core-data-format-call.cloned.1.call-start
scs
called_computation_lowered:
.L_overlay_start_0:
0x0: {  	s2 =	sld [smem:$0x3FD9]  }
0x1: {  	s3 =	sld [smem:$0x3FFE];
	_ =	sdelay $0x1  }
0x2: {  	s1 =	srdreg.scid  }
0x3: {  	s0 =	sand.u32 $0x1, s1  }
0x4: {  	s18 =	sshll.u32 s0, $0xA;
	s2 =	sadd.s32 s3, s2  }
0x5: {  	s2 =	sadd.s32 s2, s18  }
0x6: {  	[smem:$0x3FC5] =	sst s2  }
0x7: {  	_ = 	snop  }
0x8: {  	s2 =	sld [smem:$0x3FD0];
	(tm) =	ssettm $0x1  }
0x9: {  	s19 =	sld [smem:$0x3FFB];
	_ =	sdelay $0x3  }
0xa: {  	_ =	strace s19  }
0xb: {  	s3 =	sld [smem:$0x3FFC];
	_ =	sdelay $0x3  }
0xc: {  	_ =	strace s3  }
0xd: {  	s3 =	sld [smem:$0x3FFD];
	_ =	sdelay $0x3  }
0xe: {  	_ =	strace s3  }
0xf: {  	_ =	strace $0x8FFFFFFF  }
0x10: {  	s20 =	sld [smem:$0x3FDB];
	_ =	sdelay $0x1  }
0x11: {  	s4 =	simm.s32 $_scs_section_size  }
0x12: {  	s5 =	simm.s32 $_size__tile_overlayer_lowered;
	s6 =	simm.s32 $_tile_overlayer_lowered  }
0x13: {  	s23 =	simm.s32 $0x1BFF;
	s22 =	sshll.u32 s6, $0x1;
	s3 =	sadd.s32 s4, s20  }
0x14: {  	s7 =	simm.s32 $0x0;
	s21 =	sshll.u32 s5, $0x1;
	s5 =	sadd.s32 s22, s3  }
0x15: {  	[timem:s7], [sflag:s23] =	dma.local [hbm:s5], s21  }
0x16: {  	_ =	swait.ge [sflag:s23], s21  }
0x17: {  	s4 =	ssub.s32 $0x0, s21;
	[sflag:s23] =	ssyncset.done $0x0  }
0x18: {  	[sflag:s23] =	ssyncadd.s32 s4;
	_ =	sdelay $0x1  }
0x19: {  	s24 =	simm.s32 $0x1B8B  }
0x1a: {  	_ =	swait.ge [sflag:s24], $0x1  }
0x1b: {  	[sflag:s24] =	ssyncset.done $0x0  }
0x1c: {  	s26 =	simm.s32 $0x1B8E;
	s25 =	sld [smem:$0x3FFE];
	[sflag:s24] =	ssyncadd.s32 $0xFFFFFFFF  }
0x1d: {  	s27 =	simm.s32 $execute0_lowered;
	[smem:$0x3FD2] =	sst s26  }
0x1e: {  	s5 =	sshll.u32 s27, $0x1;
	_ =	strace $0x80000049;
	[dreg:$0x1] =	wrdreg $0xFFFFFFFF  }
0x1f: {  	s28 =	simm.s32 $_size_execute0_lowered;
	s3 =	sadd.s32 s3, s5;
	[dreg:$0x0] =	wrdreg $0x0  }
0x20: {  	s5 =	sshll.u32 s28, $0x1;
	[dreg:$0x2] =	wrdreg s3  }
0x21: {  	[dreg:$0x3] =	wrdreg s5  }
0x22: {  	[dreg:$0x4] =	wrdreg $0xC0  }
0x23: {  	_ =	task [dreg:s7], $0x5FFFF  }
0x24: {  	[dreg:$0x1] =	wrdreg $0xFFFFFFFF  }
0x25: {  	[dreg:$0x0] =	wrdreg $0x60  }
0x26: {  	[dreg:$0x2] =	wrdreg s25  }
0x27: {  	[dreg:$0x3] =	wrdreg s2  }
0x28: {  	[dreg:$0x4] =	wrdreg $0x9  }
0x29: {  	_ =	task.clear_ibuf [dreg:s7], $0x5FFFF;
	_ =	strace $0x90000049  }
0x2a: {  	s29 =	simm.s32 $0x9;
	_ =	strace $0x8000004B  }
0x2b: {  	_ =	swait.ge [sflag:s29], $0x1  }
0x2c: {  	[sflag:s29] =	ssyncadd.s32 $0xFFFFFFFF  }
0x2d: {  	_ =	strace $0x9000004B  }
0x2e: {  	_ =	sfence  }
0x2f: {  	s30 =	sld [smem:$0x0];
	_ =	sdelay $0x2  }
0x30: {  	s31 =	sshll.u32 s1, $0xD;
	s1 =	sshrl.u32 s1, $0x2  }
0x31: {  	s3 =	sand.u32 $0x4000, s31;
	s1 =	sadd.s32 s1, s30  }
0x32: {  	s0 =	sor.u32 s3, s0;
	s1 =	sshll.u32 s1, $0x11  }
0x33: {  	s0 =	sor.u32 s1, s0  }
0x34: {  	s0 =	sadd.s32 $0x8F2B, s0  }
0x35: {  	[sflag:s0] =	ssyncadd.remote.s32 $0x1  }
0x36: {  	_ =	sfence.sel $0xFFFF  }
0x37: {  	[dreg:$0x0] =	wrdreg $0xFFFFFFFF;
	(pc) =	sbr.abs _section_cstart, $3  }
0x38: {  	[dreg:$0x1] =	wrdreg $0xFFFFFFFF  }
0x39: {  	_ =	task.clear_ibuf [dreg:s7], $0x2FFFF;
	_ =	strace $0x9FFFFFFF  }
0x3a: {  	(tm) =	ssettm $0x7FFFFFFF  }
0x3b: {  	_ =	shalt  }
tec
execute0_lowered:
.L_overlay_start_1:
0x0: {  	(tag) =	ssettag $0x1  }
0x1: {  	s0 =	srdreg.scid  }
0x2: {  	s1 =	sshll.u32 s0, $0x4  }
0x3: {  	s4 =	rddreg [dreg:$0x0];
	s0 =	stileid.u32;
	s1 =	sand.u32 $0x10, s1  }
0x4: {  	s2 =	rddreg [dreg:$0x1];
	s7 =	simm.s32 $0x1;
	s1 =	sor.u32 s0, s1  }
0x5: {  	s8 =	simm.s32 $0x2;
	s11 =	simm.s32 $0x0;
	s3 =	sshll.u32 s1, $0x7  }
0x6: {  	s10 =	simm.s32 $0x0;
	s4 =	sadd.s32 $0xC00, s4;
	s6 =	ssub.s32 $0x32000, s3  }
.Ltmp0:
0x7: {  	s1 =	rddreg [dreg:$0x2];
	s5 =	sand.u32 $0xF80, s6;
	(pc) =	sbr.rel .LBB1_1-.Ltmp0, $4  }
0x8: {  	_ =	strace $0x8000004A;
	s9 =	smov.u32 s3;
	p0 =	sne.s32 s5, $0x0  }
0x9: {  	s6 =	sshrl.u32 s6, $0xC;
	s5 =	simm.s32 $0x1;
	s7 =	simm.s32 @!p0 $0x0  }
0xa: {  	[sflag:s5] =	ssyncpa.u1 $0x0;
	p0 =	por $0x0, $0x0;
	s6 =	sadd.s32 s7, s6  }
0xb: {  	[sflag:s8] =	ssyncpa.u1 $0x0;
	s8 =	simm.s32 $0x190000;
	s7 =	sadd.s32 $0x1, s6  }
.LBB1_4:
0xc: {  	s14 =	sshll.u32 s11, $0x3  }
0xd: {  	s30 =	sand.u32 $0x7F, s11;
	s15 =	sand.u32 $0xFFFFFC00, s14  }
0xe: {  	s11 =	sor.u32 s30, s15  }
0xf: {  	s15 =	smulhi.u32 $0x51EB851F, s11  }
0x10: {  	s14 =	smulhi.u32 $0x51EB851F, s14  }
0x11: {  	s15 =	sshrl.u32 s15, $0x10  }
0x12: {  	s14 =	sshrl.u32 s14, $0x10;
	s15 =	smul.u32 $0x32000, s15  }
0x13: {  	s14 =	sand.u32 $0x3F, s14  }
0x14: {  	s14 =	smul.u32 $0x6400, s14;
	s11 =	ssub.s32 s11, s15  }
0x15: {  	[tilespmem:s13+$0x810 ss:$0x81] =	vst.msk $0xffff, v2;
	s15 =	sand.u32 $0x7, s11  }
0x16: {  	[tilespmem:s13+$0x1020 ss:$0x81] =	vst.msk $0xffff, v0;
	s14 =	sadd.s32 s2, s14;
	s11 =	sshrl.u32 s11, $0x3;
	s15 =	sshll.u32 s15, $0x12  }
0x17: {  	[tilespmem:s13+$0x0 ss:$0x81] =	vst.msk $0xffff, v1;
	s11 =	sadd.s32 s11, s14;
	s31 =	sor.u32 $0x400, s15  }
0x18: {  	[hbm4b:s11+s31] =	stream.strided.scatter [tilespmem:s12], [sflag:$0x2], $0x2000, s8, s31, $0x20;
	[tilespmem:$0x8080] =	vst v63  }
.LBB1_5:
0x19: {  	s13 =	sadd.s32 $0x1000, s9  }
0x1a: {  	p2 =	sgt.s32 s13, $0x31FFF  }
0x1b: {  	s13 =	smov.u32 @p2 s3;
	p2 =	sne.s32 s10, s7  }
.Ltmp1:
0x1c: {  	p1 =	slt.u32 s10, $0x2;
	(pc) =	sbr.rel @!p2 .LBB1_6-.Ltmp1, $4  }
0x1d: {  	s12 =	simm.s32 @!p1 $0x2  }
0x1e: {  	s14 =	sadd.s32 $0x1, s10;
	_ =	swait.ge @!p1 [sflag:s12], $0x2000  }
0x1f: {  	s11 =	smov.u32 s9;
	p0 =	por !p0, !p0;
	[sflag:s12] =	ssyncset.done @!p1 $0x0  }
0x20: {  	s10 =	smov.u32 s14;
	s9 =	smov.u32 s13;
	[sflag:s12] =	ssyncadd.s32 @!p1 $0xFFFFE000  }
.LBB1_1:
0x21: {  	p1 =	sge.u32 s10, s6  }
0x22: {  	s12 =	sand.u32 @!p1 $0x1FFFFFF, s9  }
0x23: {  	s13 =	smulhi.u32 @!p1 $0x147AE15, s12;
	_ =	sdelay $0x1  }
0x24: {  	s13 =	sshrl.u32 @!p1 s13, $0xA  }
0x25: {  	s13 =	smul.u32 @!p1 $0x32000, s13;
	_ =	sdelay $0x1  }
0x26: {  	s31 =	sadd.s32 $0xFFFFFFFF, s10;
	s14 =	sxor.u32 @!p1 $0xFFFFFFFF, s10;
	s12 =	ssub.s32 @!p1 s12, s13  }
0x27: {  	s15 =	simm.s32 @!p1 $0x80;
	s14 =	sshll.u32 @!p1 s14, $0xD;
	s12 =	sshll.u32 @!p1 s12, $0x4  }
0x28: {  	s13 =	sand.u32 @!p1 $0x2000, s14;
	s14 =	simm.s32 @!p1 $0x40;
	s12 =	sadd.s32 @!p1 s4, s12  }
0x29: {  	[tilespmem:s13], [sflag:$0x1] =	stream.strided.gather @!p1 [hbm4b:s12+s14], $0x2000, s15, s14, $0x38;
	[tilespmem:$0x8080] =	vst v63  }
0x2a: {  	p1 =	sge.u32 s31, s6  }
.Ltmp2:
0x2b: {  	_ = 	snop;
	(pc) =	sbr.rel @p1 .LBB1_5-.Ltmp2, $1  }
0x2c: {  	_ =	sdelay $0x3  }
0x2d: {  	s12 =	simm.s32 $0x1  }
0x2e: {  	_ =	swait.ge [sflag:s5], $0x2000;
	s12 =	simm.s32 @!p0 $0x0  }
0x2f: {  	[sflag:s5] =	ssyncset.done $0x0;
	s13 =	sshll.u32 s12, $0xD  }
0x30: {  	[sflag:s5] =	ssyncadd.s32 $0xFFFFE000;
	s16 =	sor.u32 $0x20, s13  }
0x31: {  	s12 =	smul.u32 $0x8100, s12;
	v3 =	vld [tilespmem:s16+$0x10]  }
0x32: {  	s30 =	sand.u32 $0x1, s10;
	v2 =	vld [tilespmem:s16+$0xFFFFFFF0]  }
0x33: {  	s13 =	smul.u32 $0x8100, s30;
	s12 =	sshrl.u32 s12, $0x2;
	v0 =	vld [tilespmem:s16+$0x0]  }
0x34: {  	v1 =	vld [tilespmem:s16+$0xFFFFFFE0];
	s14 =	sor.u32 $0x4000, s12  }
0x35: {  	s31 =	sshrl.u32 s13, $0x2;
	s13 =	sadd.s32 $0x0, s14  }
0x36: {  	s15 =	simm.s32 $0x4;
	s16 =	sadd.s32 $0x40, s16;
	s12 =	sor.u32 $0x4000, s31;
	[tilespmem:s13+$0x1830 ss:$0x81] =	vst.msk $0xffff, v3  }
.LBB1_3:
0x37: {  	v3 =	vld [tilespmem:s16+$0x10];
	p1 =	sne.s32 s15, $0x1FC;
	[tilespmem:s13+$0x810 ss:$0x81] =	vst.msk $0xffff, v2;
	s17 =	smov.u32 s15;
	s15 =	sadd.s32 $0x4, s15  }
.Ltmp3:
0x38: {  	v2 =	vld [tilespmem:s16+$0xFFFFFFF0];
	[tilespmem:s13+$0x1020 ss:$0x81] =	vst.msk $0xffff, v0;
	(pc) =	sbr.rel @p1 .LBB1_3-.Ltmp3, $4  }
0x39: {  	v0 =	vld [tilespmem:s16+$0x0];
	[tilespmem:s13+$0x0 ss:$0x81] =	vst.msk $0xffff, v1  }
0x3a: {  	s13 =	sshra.s32 s17, $0x2;
	v1 =	vld [tilespmem:s16+$0xFFFFFFE0]  }
0x3b: {  	s13 =	sadd.s32 s13, s14  }
0x3c: {  	s16 =	sadd.s32 $0x40, s16;
	[tilespmem:s13+$0x1830 ss:$0x81] =	vst.msk $0xffff, v3  }
.Ltmp4:
0x3d: {  	_ = 	snop;
	(pc) =	sbr.rel .LBB1_4-.Ltmp4, $1  }
0x3e: {  	_ =	sdelay $0x3  }
.LBB1_6:
0x3f: {  	_ =	sfence.sel $0x180000  }
0x40: {  	s2 =	simm.s32 $0x1;
	[bflag:$0x0] =	sbarrier.arrive $0xFFFF  }
0x41: {  	s31 =	simm.s32 $0x2;
	[sflag:s2] =	ssyncpa.u1 $0x1  }
0x42: {  	[sflag:s31] =	ssyncpa.u1 $0x1  }
0x43: {  	p0 =	sne.s32 s0, $0x0;
	_ =	strace $0x9000004A  }
0x44: {  	s0 =	sadd.s32 @!p0 $0x100000, s1;
	[bflag:$0x2] =	sbarrier.arrive $0xFFFF  }
0x45: {  	[sflag:s0] =	ssyncadd.tile.s32 @!p0 $0x1;
	_ =	shalt  }
.Lfunc_end1:
_tile_overlayer_lowered:
.L_overlay_start_2:
0x46: {  	(tag) =	ssettag $0x2  }
0x47: {  	s0 =	rddreg [dreg:$0x0];
	s2 =	stileid.u32  }
0x48: {  	s1 =	rddreg [dreg:$0x1];
	p0 =	sne.s32 s2, $0x0  }
0x49: {  	s3 =	rddreg [dreg:$0x2];
	[bflag:$0x3] =	sbarrier.arrive $0xFFFF;
	s2 =	simm.s32 @!p0 $0x1C01  }
0x4a: {  	[timem:s3], [sflag:s2] =	dma.local @!p0 [hbm:s0], s1  }
0x4b: {  	s0 =	simm.s32 @!p0 $0x1  }
0x4c: {  	_ =	swait.ge @!p0 [sflag:s0], s1  }
0x4d: {  	s1 =	ssub.s32 @!p0 $0x0, s1;
	[sflag:s0] =	ssyncset.done @!p0 $0x0  }
0x4e: {  	[sflag:s0] =	ssyncadd.s32 @!p0 s1  }
0x4f: {  	[bflag:$0x3] =	sbarrier.arrive $0xFFFF  }
0x50: {  	_ =	shalt  }

</sc_bundles>
